<compile_context>
chip_gen: v7x
topology: tpu7x:2x2x1
jax: 0.10.2.dev20260603
libtpu: 0.0.44.dev20260713+nightly
codegen_flags: <defaults>
</compile_context>

<pallas_src>
import functools

import jax
import jax.numpy as jnp
from jax import lax
from jax.experimental import pallas as pl
from jax.experimental.pallas import tpu as pltpu
from jax.experimental.pallas import tpu_sc as plsc

N = 10000
E = 320000
D = 128
H = 128
C = 64

NC = 2
NS = 16
NW = NC * NS

EPT = E // NW
K = 80
NCH = EPT // K
IRING = 8
GRING = 4
RCH = 80
NRCH = N // RCH
RROUND = -(-NRCH // NS)

_MM_BLK = 1000


def _seg_partials(F):
  mesh = plsc.VectorSubcoreMesh(core_axis_name="c", subcore_axis_name="s")

  scratch = []
  for _ in range(IRING):
    scratch += [
        pltpu.VMEM((K,), jnp.int32),
        pltpu.VMEM((K,), jnp.int32),
        pltpu.SemaphoreType.DMA,
        pltpu.SemaphoreType.DMA,
    ]
  for _ in range(GRING):
    scratch += [
        pltpu.VMEM((K, F), jnp.float32),
        pltpu.SemaphoreType.DMA,
    ]
  scratch.append(pltpu.VMEM_SHARED((N, F), jnp.float32))

  @functools.partial(
      pl.kernel,
      out_type=jax.ShapeDtypeStruct((NC, N, F), jnp.float32),
      mesh=mesh,
      scratch_types=scratch,
  )
  def seg(x_hbm, src_hbm, dst_hbm, zrows_hbm, out_hbm, *bufs):
    sidx = [bufs[4 * b + 0] for b in range(IRING)]
    didx = [bufs[4 * b + 1] for b in range(IRING)]
    ssem = [bufs[4 * b + 2] for b in range(IRING)]
    dsem = [bufs[4 * b + 3] for b in range(IRING)]
    g0 = 4 * IRING
    rows = [bufs[g0 + 2 * b] for b in range(GRING)]
    gsem = [bufs[g0 + 2 * b + 1] for b in range(GRING)]
    acc = bufs[-1]

    c = lax.axis_index("c")
    s = lax.axis_index("s")
    wid = s * NC + c
    ebase = wid * EPT

    def issue_idx(jc, ib):
      off = ebase + jc * K
      pltpu.async_copy(src_hbm.at[pl.ds(off, K)], sidx[ib], ssem[ib])
      pltpu.async_copy(dst_hbm.at[pl.ds(off, K)], didx[ib], dsem[ib])

    def issue_gather(ib, gb):
      pltpu.make_async_copy(src_hbm.at[pl.ds(0, K)], sidx[ib],
                            ssem[ib]).wait()
      pltpu.async_copy(x_hbm.at[sidx[ib]], rows[gb], gsem[gb])

    for b in range(IRING - 1):
      issue_idx(b, b)

    pltpu.sync_copy(zrows_hbm, rows[0].at[pl.ds(0, RCH)])

    def zero_chunk(jj, carry):
      j = s + NS * jj

      @pl.when(j < NRCH)
      def _():
        pltpu.sync_copy(rows[0].at[pl.ds(0, RCH)], acc.at[pl.ds(j * RCH, RCH)])

      return carry

    lax.fori_loop(0, RROUND, zero_chunk, 0)

    for b in range(GRING - 1):
      issue_gather(b, b)
    plsc.subcore_barrier()

    def step(jj, carry):
      for b in range(IRING):
        jc = jj * IRING + b
        gb = b % GRING

        @pl.when(jc + IRING - 1 < NCH)
        def _(jc=jc, b=b):
          issue_idx(jc + IRING - 1, (b + IRING - 1) % IRING)

        @pl.when(jc + GRING - 1 < NCH)
        def _(jc=jc, b=b, gb=gb):
          issue_gather((b + GRING - 1) % IRING, (gb + GRING - 1) % GRING)

        @pl.when(jc < NCH)
        def _(jc=jc, b=b, gb=gb):
          pltpu.make_async_copy(x_hbm.at[sidx[b]], rows[gb], gsem[gb]).wait()
          pltpu.make_async_copy(dst_hbm.at[pl.ds(0, K)], didx[b],
                                dsem[b]).wait()
          pltpu.sync_copy(rows[gb], acc.at[didx[b]], add=True)

      return carry

    lax.fori_loop(0, -(-NCH // IRING), step, 0)
    plsc.subcore_barrier()

    def wb_chunk(jj, carry):
      j = s + NS * jj

      @pl.when(j < NRCH)
      def _():
        r0 = j * RCH
        pltpu.sync_copy(acc.at[pl.ds(r0, RCH)], rows[0].at[pl.ds(0, RCH)])
        pltpu.sync_copy(rows[0].at[pl.ds(0, RCH)],
                        out_hbm.at[c, pl.ds(r0, RCH)])

      return carry

    lax.fori_loop(0, RROUND, wb_chunk, 0)

  return seg


_seg128 = _seg_partials(H)


def _fused_mm_body(x_ref, p_ref, b_ref, w_ref, o_ref, *, relu):
  z = x_ref[...] + p_ref[0] + p_ref[1]
  y = jnp.dot(z, w_ref[...], preferred_element_type=jnp.float32) + b_ref[...]
  o_ref[...] = jnp.maximum(y, 0.0) if relu else y


def _fused_mm(x, p, b, w, relu):
  nblk = N // _MM_BLK
  din = x.shape[1]
  dout = w.shape[1]
  return pl.pallas_call(
      functools.partial(_fused_mm_body, relu=relu),
      grid=(nblk,),
      in_specs=[
          pl.BlockSpec((_MM_BLK, din), lambda i: (i, 0)),
          pl.BlockSpec((NC, _MM_BLK, din), lambda i: (0, i, 0)),
          pl.BlockSpec((1, dout), lambda i: (0, 0)),
          pl.BlockSpec((din, dout), lambda i: (0, 0)),
      ],
      out_specs=pl.BlockSpec((_MM_BLK, dout), lambda i: (i, 0)),
      out_shape=jax.ShapeDtypeStruct((N, dout), jnp.float32),
  )(x, p, b.reshape(1, dout), w)


def kernel(features, adj, W1, b1, W2, b2):
  src = adj[0]
  dst = adj[1]
  zrows = jnp.zeros((RCH, H), jnp.float32)

  p1 = _seg128(features, src, dst, zrows)
  z1 = _fused_mm(features, p1, b1, W1, relu=True)
  p2 = _seg128(z1, src, dst, zrows)
  out = _fused_mm(z1, p2, b2, W2, relu=False)
  return out

# --- scband reference (transcript-rebuilt; emitter-appended) ---
"""Pipeline reference for scband-gin-3951369912455 (READ-ONLY COPY).

The authoritative reference and input builder live on the scoring server;
editing this copy changes nothing except your own understanding.
"""

import jax, jax.numpy as jnp
import numpy as np

N = 10000
E = 320000
D = 128
H = 128
C = 64
EPS = 0.0


def setup_inputs(seed: int = 0) -> dict:
    key = jax.random.key(seed)
    k1, k2, k3, k4, k5, k6 = jax.random.split(key, 6)
    features = jax.random.normal(k1, (N, D), dtype=jnp.float32)
    adj = jax.random.randint(k2, (2, E), 0, N, dtype=jnp.int32)
    W1 = jax.random.normal(k3, (D, H), dtype=jnp.float32) * (1.0 / np.sqrt(D))
    b1 = jax.random.normal(k4, (H,), dtype=jnp.float32) * 0.01
    W2 = jax.random.normal(k5, (H, C), dtype=jnp.float32) * (1.0 / np.sqrt(H))
    b2 = jax.random.normal(k6, (C,), dtype=jnp.float32) * 0.01
    return {"features": features, "adj": adj, "W1": W1, "b1": b1, "W2": W2, "b2": b2}


def _gin_layer(h, src, dst, W, b):
    # GINConv with 'sum' aggregator: mlp((1+eps)*h + sum_{j in N(i)} h_j)
    msgs = jnp.take(h, src, axis=0)
    agg = jax.ops.segment_sum(msgs, dst, num_segments=N)
    return ((1.0 + EPS) * h + agg) @ W + b


def reference(features, adj, W1, b1, W2, b2):
    src = adj[0]
    dst = adj[1]
    # feat_drop = 0.0 -> identity (eval mode)
    h = _gin_layer(features, src, dst, W1, b1)
    h = jax.nn.relu(h)
    h = _gin_layer(h, src, dst, W2, b2)
    return h

if __name__ == "__main__":
    import jax
    _d = setup_inputs()
    print(jax.jit(kernel)(*tuple(_d.values())))

</pallas_src>

<mosaic_0001>
#map = affine_map<(d0, d1) -> (0, 0)>
#map1 = affine_map<(d0, d1) -> (0)>
#map2 = affine_map<(d0, d1) -> (0, 0, 0)>
module attributes {stable_mosaic.version = 14 : i64} {
  func.func @seg(%arg0: i32, %arg1: i32, %arg2: memref<10000x128xf32, #tpu.memory_space<hbm>>, %arg3: memref<320000xi32, #tpu.memory_space<hbm>>, %arg4: memref<320000xi32, #tpu.memory_space<hbm>>, %arg5: memref<80x128xf32, #tpu.memory_space<hbm>>, %arg6: memref<2x10000x128xf32, #tpu.memory_space<hbm>>, %arg7: memref<80xi32, #tpu.memory_space<vmem>>, %arg8: memref<80xi32, #tpu.memory_space<vmem>>, %arg9: memref<!tpu.dma_semaphore, #tpu.memory_space<semaphore_mem>>, %arg10: memref<!tpu.dma_semaphore, #tpu.memory_space<semaphore_mem>>, %arg11: memref<80xi32, #tpu.memory_space<vmem>>, %arg12: memref<80xi32, #tpu.memory_space<vmem>>, %arg13: memref<!tpu.dma_semaphore, #tpu.memory_space<semaphore_mem>>, %arg14: memref<!tpu.dma_semaphore, #tpu.memory_space<semaphore_mem>>, %arg15: memref<80xi32, #tpu.memory_space<vmem>>, %arg16: memref<80xi32, #tpu.memory_space<vmem>>, %arg17: memref<!tpu.dma_semaphore, #tpu.memory_space<semaphore_mem>>, %arg18: memref<!tpu.dma_semaphore, #tpu.memory_space<semaphore_mem>>, %arg19: memref<80xi32, #tpu.memory_space<vmem>>, %arg20: memref<80xi32, #tpu.memory_space<vmem>>, %arg21: memref<!tpu.dma_semaphore, #tpu.memory_space<semaphore_mem>>, %arg22: memref<!tpu.dma_semaphore, #tpu.memory_space<semaphore_mem>>, %arg23: memref<80xi32, #tpu.memory_space<vmem>>, %arg24: memref<80xi32, #tpu.memory_space<vmem>>, %arg25: memref<!tpu.dma_semaphore, #tpu.memory_space<semaphore_mem>>, %arg26: memref<!tpu.dma_semaphore, #tpu.memory_space<semaphore_mem>>, %arg27: memref<80xi32, #tpu.memory_space<vmem>>, %arg28: memref<80xi32, #tpu.memory_space<vmem>>, %arg29: memref<!tpu.dma_semaphore, #tpu.memory_space<semaphore_mem>>, %arg30: memref<!tpu.dma_semaphore, #tpu.memory_space<semaphore_mem>>, %arg31: memref<80xi32, #tpu.memory_space<vmem>>, %arg32: memref<80xi32, #tpu.memory_space<vmem>>, %arg33: memref<!tpu.dma_semaphore, #tpu.memory_space<semaphore_mem>>, %arg34: memref<!tpu.dma_semaphore, #tpu.memory_space<semaphore_mem>>, %arg35: memref<80xi32, #tpu.memory_space<vmem>>, %arg36: memref<80xi32, #tpu.memory_space<vmem>>, %arg37: memref<!tpu.dma_semaphore, #tpu.memory_space<semaphore_mem>>, %arg38: memref<!tpu.dma_semaphore, #tpu.memory_space<semaphore_mem>>, %arg39: memref<80x128xf32, #tpu.memory_space<vmem>>, %arg40: memref<!tpu.dma_semaphore, #tpu.memory_space<semaphore_mem>>, %arg41: memref<80x128xf32, #tpu.memory_space<vmem>>, %arg42: memref<!tpu.dma_semaphore, #tpu.memory_space<semaphore_mem>>, %arg43: memref<80x128xf32, #tpu.memory_space<vmem>>, %arg44: memref<!tpu.dma_semaphore, #tpu.memory_space<semaphore_mem>>, %arg45: memref<80x128xf32, #tpu.memory_space<vmem>>, %arg46: memref<!tpu.dma_semaphore, #tpu.memory_space<semaphore_mem>>, %arg47: memref<10000x128xf32, #tpu.memory_space<vmem_shared>>) attributes {dimension_semantics = [#tpu.dimension_semantics<core_parallel>, #tpu.dimension_semantics<subcore_parallel>], iteration_bounds = array<i64: 2, 16>, scalar_prefetch = 0 : i64, scratch_operands = 41 : i64, tpu.core_type = #tpu.core_type<sc_vector_subcore>, window_params = [{transform_indices = #map}, {transform_indices = #map1}, {transform_indices = #map1}, {transform_indices = #map}, {transform_indices = #map2}]} {
    %mul3A = arith.constant 2 : i32
    %mul3A_0 = arith.muli %arg1, %mul3A : i32
    %add3A = arith.addi %mul3A_0, %arg0 : i32
    %mul3A_1 = arith.constant 10000 : i32
    %mul3A_2 = arith.muli %add3A, %mul3A_1 : i32
    %add3A_3 = arith.constant 0 : i32
    %add3A_4 = arith.addi %mul3A_2, %add3A_3 : i32
    %dma_start3A = tpu.memref_slice %arg3[%add3A_4] : memref<320000xi32, #tpu.memory_space<hbm>> -> memref<80xi32, #tpu.memory_space<hbm>>
    %dma_start3A_5 = tpu.memref_slice %arg3[%add3A_4] : memref<320000xi32, #tpu.memory_space<hbm>> -> memref<80xi32, #tpu.memory_space<hbm>>
    tpu.enqueue_dma source(%dma_start3A_5 : memref<80xi32, #tpu.memory_space<hbm>>) target(%arg7 : memref<80xi32, #tpu.memory_space<vmem>>) target_semaphore(%arg9 : memref<!tpu.dma_semaphore, #tpu.memory_space<semaphore_mem>>)
    %dma_start3A_6 = tpu.memref_slice %arg4[%add3A_4] : memref<320000xi32, #tpu.memory_space<hbm>> -> memref<80xi32, #tpu.memory_space<hbm>>
    %dma_start3A_7 = tpu.memref_slice %arg4[%add3A_4] : memref<320000xi32, #tpu.memory_space<hbm>> -> memref<80xi32, #tpu.memory_space<hbm>>
    tpu.enqueue_dma source(%dma_start3A_7 : memref<80xi32, #tpu.memory_space<hbm>>) target(%arg8 : memref<80xi32, #tpu.memory_space<vmem>>) target_semaphore(%arg10 : memref<!tpu.dma_semaphore, #tpu.memory_space<semaphore_mem>>)
    %add3A_8 = arith.constant 80 : i32
    %add3A_9 = arith.addi %mul3A_2, %add3A_8 : i32
    %dma_start3A_10 = tpu.memref_slice %arg3[%add3A_9] : memref<320000xi32, #tpu.memory_space<hbm>> -> memref<80xi32, #tpu.memory_space<hbm>>
    %dma_start3A_11 = tpu.memref_slice %arg3[%add3A_9] : memref<320000xi32, #tpu.memory_space<hbm>> -> memref<80xi32, #tpu.memory_space<hbm>>
    tpu.enqueue_dma source(%dma_start3A_11 : memref<80xi32, #tpu.memory_space<hbm>>) target(%arg11 : memref<80xi32, #tpu.memory_space<vmem>>) target_semaphore(%arg13 : memref<!tpu.dma_semaphore, #tpu.memory_space<semaphore_mem>>)
    %dma_start3A_12 = tpu.memref_slice %arg4[%add3A_9] : memref<320000xi32, #tpu.memory_space<hbm>> -> memref<80xi32, #tpu.memory_space<hbm>>
    %dma_start3A_13 = tpu.memref_slice %arg4[%add3A_9] : memref<320000xi32, #tpu.memory_space<hbm>> -> memref<80xi32, #tpu.memory_space<hbm>>
    tpu.enqueue_dma source(%dma_start3A_13 : memref<80xi32, #tpu.memory_space<hbm>>) target(%arg12 : memref<80xi32, #tpu.memory_space<vmem>>) target_semaphore(%arg14 : memref<!tpu.dma_semaphore, #tpu.memory_space<semaphore_mem>>)
    %add3A_14 = arith.constant 160 : i32
    %add3A_15 = arith.addi %mul3A_2, %add3A_14 : i32
    %dma_start3A_16 = tpu.memref_slice %arg3[%add3A_15] : memref<320000xi32, #tpu.memory_space<hbm>> -> memref<80xi32, #tpu.memory_space<hbm>>
    %dma_start3A_17 = tpu.memref_slice %arg3[%add3A_15] : memref<320000xi32, #tpu.memory_space<hbm>> -> memref<80xi32, #tpu.memory_space<hbm>>
    tpu.enqueue_dma source(%dma_start3A_17 : memref<80xi32, #tpu.memory_space<hbm>>) target(%arg15 : memref<80xi32, #tpu.memory_space<vmem>>) target_semaphore(%arg17 : memref<!tpu.dma_semaphore, #tpu.memory_space<semaphore_mem>>)
    %dma_start3A_18 = tpu.memref_slice %arg4[%add3A_15] : memref<320000xi32, #tpu.memory_space<hbm>> -> memref<80xi32, #tpu.memory_space<hbm>>
    %dma_start3A_19 = tpu.memref_slice %arg4[%add3A_15] : memref<320000xi32, #tpu.memory_space<hbm>> -> memref<80xi32, #tpu.memory_space<hbm>>
    tpu.enqueue_dma source(%dma_start3A_19 : memref<80xi32, #tpu.memory_space<hbm>>) target(%arg16 : memref<80xi32, #tpu.memory_space<vmem>>) target_semaphore(%arg18 : memref<!tpu.dma_semaphore, #tpu.memory_space<semaphore_mem>>)
    %add3A_20 = arith.constant 240 : i32
    %add3A_21 = arith.addi %mul3A_2, %add3A_20 : i32
    %dma_start3A_22 = tpu.memref_slice %arg3[%add3A_21] : memref<320000xi32, #tpu.memory_space<hbm>> -> memref<80xi32, #tpu.memory_space<hbm>>
    %dma_start3A_23 = tpu.memref_slice %arg3[%add3A_21] : memref<320000xi32, #tpu.memory_space<hbm>> -> memref<80xi32, #tpu.memory_space<hbm>>
    tpu.enqueue_dma source(%dma_start3A_23 : memref<80xi32, #tpu.memory_space<hbm>>) target(%arg19 : memref<80xi32, #tpu.memory_space<vmem>>) target_semaphore(%arg21 : memref<!tpu.dma_semaphore, #tpu.memory_space<semaphore_mem>>)
    %dma_start3A_24 = tpu.memref_slice %arg4[%add3A_21] : memref<320000xi32, #tpu.memory_space<hbm>> -> memref<80xi32, #tpu.memory_space<hbm>>
    %dma_start3A_25 = tpu.memref_slice %arg4[%add3A_21] : memref<320000xi32, #tpu.memory_space<hbm>> -> memref<80xi32, #tpu.memory_space<hbm>>
    tpu.enqueue_dma source(%dma_start3A_25 : memref<80xi32, #tpu.memory_space<hbm>>) target(%arg20 : memref<80xi32, #tpu.memory_space<vmem>>) target_semaphore(%arg22 : memref<!tpu.dma_semaphore, #tpu.memory_space<semaphore_mem>>)
    %add3A_26 = arith.constant 320 : i32
    %add3A_27 = arith.addi %mul3A_2, %add3A_26 : i32
    %dma_start3A_28 = tpu.memref_slice %arg3[%add3A_27] : memref<320000xi32, #tpu.memory_space<hbm>> -> memref<80xi32, #tpu.memory_space<hbm>>
    %dma_start3A_29 = tpu.memref_slice %arg3[%add3A_27] : memref<320000xi32, #tpu.memory_space<hbm>> -> memref<80xi32, #tpu.memory_space<hbm>>
    tpu.enqueue_dma source(%dma_start3A_29 : memref<80xi32, #tpu.memory_space<hbm>>) target(%arg23 : memref<80xi32, #tpu.memory_space<vmem>>) target_semaphore(%arg25 : memref<!tpu.dma_semaphore, #tpu.memory_space<semaphore_mem>>)
    %dma_start3A_30 = tpu.memref_slice %arg4[%add3A_27] : memref<320000xi32, #tpu.memory_space<hbm>> -> memref<80xi32, #tpu.memory_space<hbm>>
    %dma_start3A_31 = tpu.memref_slice %arg4[%add3A_27] : memref<320000xi32, #tpu.memory_space<hbm>> -> memref<80xi32, #tpu.memory_space<hbm>>
    tpu.enqueue_dma source(%dma_start3A_31 : memref<80xi32, #tpu.memory_space<hbm>>) target(%arg24 : memref<80xi32, #tpu.memory_space<vmem>>) target_semaphore(%arg26 : memref<!tpu.dma_semaphore, #tpu.memory_space<semaphore_mem>>)
    %add3A_32 = arith.constant 400 : i32
    %add3A_33 = arith.addi %mul3A_2, %add3A_32 : i32
    %dma_start3A_34 = tpu.memref_slice %arg3[%add3A_33] : memref<320000xi32, #tpu.memory_space<hbm>> -> memref<80xi32, #tpu.memory_space<hbm>>
    %dma_start3A_35 = tpu.memref_slice %arg3[%add3A_33] : memref<320000xi32, #tpu.memory_space<hbm>> -> memref<80xi32, #tpu.memory_space<hbm>>
    tpu.enqueue_dma source(%dma_start3A_35 : memref<80xi32, #tpu.memory_space<hbm>>) target(%arg27 : memref<80xi32, #tpu.memory_space<vmem>>) target_semaphore(%arg29 : memref<!tpu.dma_semaphore, #tpu.memory_space<semaphore_mem>>)
    %dma_start3A_36 = tpu.memref_slice %arg4[%add3A_33] : memref<320000xi32, #tpu.memory_space<hbm>> -> memref<80xi32, #tpu.memory_space<hbm>>
    %dma_start3A_37 = tpu.memref_slice %arg4[%add3A_33] : memref<320000xi32, #tpu.memory_space<hbm>> -> memref<80xi32, #tpu.memory_space<hbm>>
    tpu.enqueue_dma source(%dma_start3A_37 : memref<80xi32, #tpu.memory_space<hbm>>) target(%arg28 : memref<80xi32, #tpu.memory_space<vmem>>) target_semaphore(%arg30 : memref<!tpu.dma_semaphore, #tpu.memory_space<semaphore_mem>>)
    %add3A_38 = arith.constant 480 : i32
    %add3A_39 = arith.addi %mul3A_2, %add3A_38 : i32
    %dma_start3A_40 = tpu.memref_slice %arg3[%add3A_39] : memref<320000xi32, #tpu.memory_space<hbm>> -> memref<80xi32, #tpu.memory_space<hbm>>
    %dma_start3A_41 = tpu.memref_slice %arg3[%add3A_39] : memref<320000xi32, #tpu.memory_space<hbm>> -> memref<80xi32, #tpu.memory_space<hbm>>
    tpu.enqueue_dma source(%dma_start3A_41 : memref<80xi32, #tpu.memory_space<hbm>>) target(%arg31 : memref<80xi32, #tpu.memory_space<vmem>>) target_semaphore(%arg33 : memref<!tpu.dma_semaphore, #tpu.memory_space<semaphore_mem>>)
    %dma_start3A_42 = tpu.memref_slice %arg4[%add3A_39] : memref<320000xi32, #tpu.memory_space<hbm>> -> memref<80xi32, #tpu.memory_space<hbm>>
    %dma_start3A_43 = tpu.memref_slice %arg4[%add3A_39] : memref<320000xi32, #tpu.memory_space<hbm>> -> memref<80xi32, #tpu.memory_space<hbm>>
    tpu.enqueue_dma source(%dma_start3A_43 : memref<80xi32, #tpu.memory_space<hbm>>) target(%arg32 : memref<80xi32, #tpu.memory_space<vmem>>) target_semaphore(%arg34 : memref<!tpu.dma_semaphore, #tpu.memory_space<semaphore_mem>>)
    "tpu.region"() ({
      %run_scoped3A = tpu.sem_alloc : memref<!tpu.dma_semaphore, #tpu.memory_space<semaphore_mem>>
      %dma_start3A_82 = arith.constant 0 : i32
      %dma_start3A_83 = arith.constant 0 : i32
      %dma_start3A_84 = tpu.memref_slice %arg39[%dma_start3A_82, %dma_start3A_83] : memref<80x128xf32, #tpu.memory_space<vmem>> -> memref<80x128xf32, #tpu.memory_space<vmem>>
      %dma_start3A_85 = arith.constant 0 : i32
      %dma_start3A_86 = arith.constant 0 : i32
      %dma_start3A_87 = tpu.memref_slice %arg39[%dma_start3A_85, %dma_start3A_86] : memref<80x128xf32, #tpu.memory_space<vmem>> -> memref<80x128xf32, #tpu.memory_space<vmem>>
      tpu.enqueue_dma source(%arg5 : memref<80x128xf32, #tpu.memory_space<hbm>>) target(%dma_start3A_87 : memref<80x128xf32, #tpu.memory_space<vmem>>) target_semaphore(%run_scoped3A : memref<!tpu.dma_semaphore, #tpu.memory_space<semaphore_mem>>)
      %dma_wait3A_88 = arith.constant 0 : i32
      %dma_wait3A_89 = arith.constant 0 : i32
      %dma_wait3A_90 = tpu.memref_slice %arg39[%dma_wait3A_88, %dma_wait3A_89] : memref<80x128xf32, #tpu.memory_space<vmem>> -> memref<80x128xf32, #tpu.memory_space<vmem>>
      %dma_wait3A_91 = arith.constant 0 : i32
      %dma_wait3A_92 = arith.constant 0 : i32
      %dma_wait3A_93 = tpu.memref_slice %arg39[%dma_wait3A_91, %dma_wait3A_92] : memref<80x128xf32, #tpu.memory_space<vmem>> -> memref<80x128xf32, #tpu.memory_space<vmem>>
      tpu.wait_dma2 semaphore(%run_scoped3A : memref<!tpu.dma_semaphore, #tpu.memory_space<semaphore_mem>>) src(%arg5 : memref<80x128xf32, #tpu.memory_space<hbm>>) dst(%dma_wait3A_93 : memref<80x128xf32, #tpu.memory_space<vmem>>)
      tpu.yield
    }) : () -> ()
    %scan3A = arith.constant 0 : i32
    %scan3A_44 = arith.constant 0 : i32
    %scan3A_45 = arith.constant 8 : i32
    %scan3A_46 = arith.addi %scan3A_44, %scan3A_45 : i32
    %scan3A_47 = arith.constant 1 : i32
    scf.for %scan3A_82 = %scan3A_44 to %scan3A_46 step %scan3A_47  : i32 {
      %mul3A_83 = arith.constant 16 : i32
      %mul3A_84 = arith.muli %mul3A_83, %scan3A_82 : i32
      %add3A_85 = arith.addi %arg1, %mul3A_84 : i32
      %lt3A = arith.constant 125 : i32
      %lt3A_86 = arith.cmpi slt, %add3A_85, %lt3A : i32
      %convert_element_type3A = arith.extui %lt3A_86 : i1 to i32
      %cond3A = arith.constant 0 : i32
      %cond3A_87 = arith.cmpi ne, %convert_element_type3A, %cond3A : i32
      scf.if %cond3A_87 {
        %mul3A_88 = arith.constant 80 : i32
        %mul3A_89 = arith.muli %add3A_85, %mul3A_88 : i32
        "tpu.region"() ({
          %run_scoped3A = tpu.sem_alloc : memref<!tpu.dma_semaphore, #tpu.memory_space<semaphore_mem>>
          %dma_start3A_90 = arith.constant 0 : i32
          %dma_start3A_91 = arith.constant 0 : i32
          %dma_start3A_92 = tpu.memref_slice %arg39[%dma_start3A_90, %dma_start3A_91] : memref<80x128xf32, #tpu.memory_space<vmem>> -> memref<80x128xf32, #tpu.memory_space<vmem>>
          %dma_start3A_93 = arith.constant 0 : i32
          %dma_start3A_94 = tpu.memref_slice %arg47[%mul3A_89, %dma_start3A_93] : memref<10000x128xf32, #tpu.memory_space<vmem_shared>> -> memref<80x128xf32, #tpu.memory_space<vmem_shared>>
          %dma_start3A_95 = arith.constant 0 : i32
          %dma_start3A_96 = tpu.memref_slice %arg47[%mul3A_89, %dma_start3A_95] : memref<10000x128xf32, #tpu.memory_space<vmem_shared>> -> memref<80x128xf32, #tpu.memory_space<vmem_shared>>
          %dma_start3A_97 = arith.constant 0 : i32
          %dma_start3A_98 = arith.constant 0 : i32
          %dma_start3A_99 = tpu.memref_slice %arg39[%dma_start3A_97, %dma_start3A_98] : memref<80x128xf32, #tpu.memory_space<vmem>> -> memref<80x128xf32, #tpu.memory_space<vmem>>
          tpu.enqueue_dma source(%dma_start3A_99 : memref<80x128xf32, #tpu.memory_space<vmem>>) target(%dma_start3A_96 : memref<80x128xf32, #tpu.memory_space<vmem_shared>>) target_semaphore(%run_scoped3A : memref<!tpu.dma_semaphore, #tpu.memory_space<semaphore_mem>>)
          %dma_wait3A_100 = arith.constant 0 : i32
          %dma_wait3A_101 = arith.constant 0 : i32
          %dma_wait3A_102 = tpu.memref_slice %arg39[%dma_wait3A_100, %dma_wait3A_101] : memref<80x128xf32, #tpu.memory_space<vmem>> -> memref<80x128xf32, #tpu.memory_space<vmem>>
          %dma_wait3A_103 = arith.constant 0 : i32
          %dma_wait3A_104 = tpu.memref_slice %arg47[%mul3A_89, %dma_wait3A_103] : memref<10000x128xf32, #tpu.memory_space<vmem_shared>> -> memref<80x128xf32, #tpu.memory_space<vmem_shared>>
          %dma_wait3A_105 = arith.constant 0 : i32
          %dma_wait3A_106 = tpu.memref_slice %arg47[%mul3A_89, %dma_wait3A_105] : memref<10000x128xf32, #tpu.memory_space<vmem_shared>> -> memref<80x128xf32, #tpu.memory_space<vmem_shared>>
          %dma_wait3A_107 = arith.constant 0 : i32
          %dma_wait3A_108 = arith.constant 0 : i32
          %dma_wait3A_109 = tpu.memref_slice %arg39[%dma_wait3A_107, %dma_wait3A_108] : memref<80x128xf32, #tpu.memory_space<vmem>> -> memref<80x128xf32, #tpu.memory_space<vmem>>
          tpu.wait_dma2 semaphore(%run_scoped3A : memref<!tpu.dma_semaphore, #tpu.memory_space<semaphore_mem>>) src(%dma_wait3A_109 : memref<80x128xf32, #tpu.memory_space<vmem>>) dst(%dma_wait3A_106 : memref<80x128xf32, #tpu.memory_space<vmem_shared>>)
          tpu.yield
        }) : () -> ()
      } else {
      }
    }
    %scan3A_48 = arith.constant 8 : i32
    %dma_wait3A = arith.constant 0 : i32
    %dma_wait3A_49 = tpu.memref_slice %arg3[%dma_wait3A] : memref<320000xi32, #tpu.memory_space<hbm>> -> memref<80xi32, #tpu.memory_space<hbm>>
    %dma_wait3A_50 = arith.constant 0 : i32
    %dma_wait3A_51 = tpu.memref_slice %arg3[%dma_wait3A_50] : memref<320000xi32, #tpu.memory_space<hbm>> -> memref<80xi32, #tpu.memory_space<hbm>>
    tpu.wait_dma2 semaphore(%arg9 : memref<!tpu.dma_semaphore, #tpu.memory_space<semaphore_mem>>) src(%dma_wait3A_51 : memref<80xi32, #tpu.memory_space<hbm>>) dst(%arg7 : memref<80xi32, #tpu.memory_space<vmem>>)
    %dma_start3A_52 = arith.constant 0 : i32
    %dma_start3A_53 = arith.constant 0 : i32
    %dma_start3A_54 = tpu.memref_slice %arg2[%dma_start3A_52, %dma_start3A_53] : memref<10000x128xf32, #tpu.memory_space<hbm>> -> memref<10000x128xf32, #tpu.memory_space<hbm>>
    tpu.enqueue_indirect_dma source(%dma_start3A_54 : memref<10000x128xf32, #tpu.memory_space<hbm>>) target(%arg39 : memref<80x128xf32, #tpu.memory_space<vmem>>) offsets(%arg7 : memref<80xi32, #tpu.memory_space<vmem>>) semaphore(%arg40 : memref<!tpu.dma_semaphore, #tpu.memory_space<semaphore_mem>>)
    %dma_wait3A_55 = arith.constant 0 : i32
    %dma_wait3A_56 = tpu.memref_slice %arg3[%dma_wait3A_55] : memref<320000xi32, #tpu.memory_space<hbm>> -> memref<80xi32, #tpu.memory_space<hbm>>
    %dma_wait3A_57 = arith.constant 0 : i32
    %dma_wait3A_58 = tpu.memref_slice %arg3[%dma_wait3A_57] : memref<320000xi32, #tpu.memory_space<hbm>> -> memref<80xi32, #tpu.memory_space<hbm>>
    tpu.wait_dma2 semaphore(%arg13 : memref<!tpu.dma_semaphore, #tpu.memory_space<semaphore_mem>>) src(%dma_wait3A_58 : memref<80xi32, #tpu.memory_space<hbm>>) dst(%arg11 : memref<80xi32, #tpu.memory_space<vmem>>)
    %dma_start3A_59 = arith.constant 0 : i32
    %dma_start3A_60 = arith.constant 0 : i32
    %dma_start3A_61 = tpu.memref_slice %arg2[%dma_start3A_59, %dma_start3A_60] : memref<10000x128xf32, #tpu.memory_space<hbm>> -> memref<10000x128xf32, #tpu.memory_space<hbm>>
    tpu.enqueue_indirect_dma source(%dma_start3A_61 : memref<10000x128xf32, #tpu.memory_space<hbm>>) target(%arg41 : memref<80x128xf32, #tpu.memory_space<vmem>>) offsets(%arg11 : memref<80xi32, #tpu.memory_space<vmem>>) semaphore(%arg42 : memref<!tpu.dma_semaphore, #tpu.memory_space<semaphore_mem>>)
    %dma_wait3A_62 = arith.constant 0 : i32
    %dma_wait3A_63 = tpu.memref_slice %arg3[%dma_wait3A_62] : memref<320000xi32, #tpu.memory_space<hbm>> -> memref<80xi32, #tpu.memory_space<hbm>>
    %dma_wait3A_64 = arith.constant 0 : i32
    %dma_wait3A_65 = tpu.memref_slice %arg3[%dma_wait3A_64] : memref<320000xi32, #tpu.memory_space<hbm>> -> memref<80xi32, #tpu.memory_space<hbm>>
    tpu.wait_dma2 semaphore(%arg17 : memref<!tpu.dma_semaphore, #tpu.memory_space<semaphore_mem>>) src(%dma_wait3A_65 : memref<80xi32, #tpu.memory_space<hbm>>) dst(%arg15 : memref<80xi32, #tpu.memory_space<vmem>>)
    %dma_start3A_66 = arith.constant 0 : i32
    %dma_start3A_67 = arith.constant 0 : i32
    %dma_start3A_68 = tpu.memref_slice %arg2[%dma_start3A_66, %dma_start3A_67] : memref<10000x128xf32, #tpu.memory_space<hbm>> -> memref<10000x128xf32, #tpu.memory_space<hbm>>
    tpu.enqueue_indirect_dma source(%dma_start3A_68 : memref<10000x128xf32, #tpu.memory_space<hbm>>) target(%arg43 : memref<80x128xf32, #tpu.memory_space<vmem>>) offsets(%arg15 : memref<80xi32, #tpu.memory_space<vmem>>) semaphore(%arg44 : memref<!tpu.dma_semaphore, #tpu.memory_space<semaphore_mem>>)
    %barrier3A = arith.constant 0 : index
    tpu.barrier barrier_id(%barrier3A)
    %scan3A_69 = arith.constant 0 : i32
    %scan3A_70 = arith.constant 0 : i32
    %scan3A_71 = arith.constant 16 : i32
    %scan3A_72 = arith.addi %scan3A_70, %scan3A_71 : i32
    %scan3A_73 = arith.constant 1 : i32
    scf.for %scan3A_82 = %scan3A_70 to %scan3A_72 step %scan3A_73  : i32 {
      %mul3A_83 = arith.constant 8 : i32
      %mul3A_84 = arith.muli %scan3A_82, %mul3A_83 : i32
      %add3A_85 = arith.constant 0 : i32
      %add3A_86 = arith.addi %mul3A_84, %add3A_85 : i32
      %add3A_87 = arith.constant 8 : i32
      %add3A_88 = arith.addi %add3A_86, %add3A_87 : i32
      %sub3A = arith.constant 1 : i32
      %sub3A_89 = arith.subi %add3A_88, %sub3A : i32
      %lt3A = arith.constant 125 : i32
      %lt3A_90 = arith.cmpi slt, %sub3A_89, %lt3A : i32
      %convert_element_type3A = arith.extui %lt3A_90 : i1 to i32
      %cond3A = arith.constant 0 : i32
      %cond3A_91 = arith.cmpi ne, %convert_element_type3A, %cond3A : i32
      scf.if %cond3A_91 {
        %add3A_295 = arith.constant 8 : i32
        %add3A_296 = arith.addi %add3A_86, %add3A_295 : i32
        %sub3A_297 = arith.constant 1 : i32
        %sub3A_298 = arith.subi %add3A_296, %sub3A_297 : i32
        %mul3A_299 = arith.constant 80 : i32
        %mul3A_300 = arith.muli %sub3A_298, %mul3A_299 : i32
        %add3A_301 = arith.addi %mul3A_2, %mul3A_300 : i32
        %dma_start3A_302 = tpu.memref_slice %arg3[%add3A_301] : memref<320000xi32, #tpu.memory_space<hbm>> -> memref<80xi32, #tpu.memory_space<hbm>>
        %dma_start3A_303 = tpu.memref_slice %arg3[%add3A_301] : memref<320000xi32, #tpu.memory_space<hbm>> -> memref<80xi32, #tpu.memory_space<hbm>>
        tpu.enqueue_dma source(%dma_start3A_303 : memref<80xi32, #tpu.memory_space<hbm>>) target(%arg35 : memref<80xi32, #tpu.memory_space<vmem>>) target_semaphore(%arg37 : memref<!tpu.dma_semaphore, #tpu.memory_space<semaphore_mem>>)
        %dma_start3A_304 = tpu.memref_slice %arg4[%add3A_301] : memref<320000xi32, #tpu.memory_space<hbm>> -> memref<80xi32, #tpu.memory_space<hbm>>
        %dma_start3A_305 = tpu.memref_slice %arg4[%add3A_301] : memref<320000xi32, #tpu.memory_space<hbm>> -> memref<80xi32, #tpu.memory_space<hbm>>
        tpu.enqueue_dma source(%dma_start3A_305 : memref<80xi32, #tpu.memory_space<hbm>>) target(%arg36 : memref<80xi32, #tpu.memory_space<vmem>>) target_semaphore(%arg38 : memref<!tpu.dma_semaphore, #tpu.memory_space<semaphore_mem>>)
      } else {
      }
      %add3A_92 = arith.constant 4 : i32
      %add3A_93 = arith.addi %add3A_86, %add3A_92 : i32
      %sub3A_94 = arith.constant 1 : i32
      %sub3A_95 = arith.subi %add3A_93, %sub3A_94 : i32
      %lt3A_96 = arith.constant 125 : i32
      %lt3A_97 = arith.cmpi slt, %sub3A_95, %lt3A_96 : i32
      %convert_element_type3A_98 = arith.extui %lt3A_97 : i1 to i32
      %cond3A_99 = arith.constant 0 : i32
      %cond3A_100 = arith.cmpi ne, %convert_element_type3A_98, %cond3A_99 : i32
      scf.if %cond3A_100 {
        %dma_wait3A_295 = arith.constant 0 : i32
        %dma_wait3A_296 = tpu.memref_slice %arg3[%dma_wait3A_295] : memref<320000xi32, #tpu.memory_space<hbm>> -> memref<80xi32, #tpu.memory_space<hbm>>
        %dma_wait3A_297 = arith.constant 0 : i32
        %dma_wait3A_298 = tpu.memref_slice %arg3[%dma_wait3A_297] : memref<320000xi32, #tpu.memory_space<hbm>> -> memref<80xi32, #tpu.memory_space<hbm>>
        tpu.wait_dma2 semaphore(%arg21 : memref<!tpu.dma_semaphore, #tpu.memory_space<semaphore_mem>>) src(%dma_wait3A_298 : memref<80xi32, #tpu.memory_space<hbm>>) dst(%arg19 : memref<80xi32, #tpu.memory_space<vmem>>)
        %dma_start3A_299 = arith.constant 0 : i32
        %dma_start3A_300 = arith.constant 0 : i32
        %dma_start3A_301 = tpu.memref_slice %arg2[%dma_start3A_299, %dma_start3A_300] : memref<10000x128xf32, #tpu.memory_space<hbm>> -> memref<10000x128xf32, #tpu.memory_space<hbm>>
        tpu.enqueue_indirect_dma source(%dma_start3A_301 : memref<10000x128xf32, #tpu.memory_space<hbm>>) target(%arg45 : memref<80x128xf32, #tpu.memory_space<vmem>>) offsets(%arg19 : memref<80xi32, #tpu.memory_space<vmem>>) semaphore(%arg46 : memref<!tpu.dma_semaphore, #tpu.memory_space<semaphore_mem>>)
      } else {
      }
      %lt3A_101 = arith.constant 125 : i32
      %lt3A_102 = arith.cmpi slt, %add3A_86, %lt3A_101 : i32
      %convert_element_type3A_103 = arith.extui %lt3A_102 : i1 to i32
      %cond3A_104 = arith.constant 0 : i32
      %cond3A_105 = arith.cmpi ne, %convert_element_type3A_103, %cond3A_104 : i32
      scf.if %cond3A_105 {
        %dma_wait3A_295 = arith.constant 0 : i32
        %dma_wait3A_296 = arith.constant 0 : i32
        %dma_wait3A_297 = tpu.memref_slice %arg2[%dma_wait3A_295, %dma_wait3A_296] : memref<10000x128xf32, #tpu.memory_space<hbm>> -> memref<10000x128xf32, #tpu.memory_space<hbm>>
        tpu.wait_indirect_dma semaphore(%arg40 : memref<!tpu.dma_semaphore, #tpu.memory_space<semaphore_mem>>) src(%dma_wait3A_297 : memref<10000x128xf32, #tpu.memory_space<hbm>>) dst(%arg39 : memref<80x128xf32, #tpu.memory_space<vmem>>)
        %dma_wait3A_298 = arith.constant 0 : i32
        %dma_wait3A_299 = tpu.memref_slice %arg4[%dma_wait3A_298] : memref<320000xi32, #tpu.memory_space<hbm>> -> memref<80xi32, #tpu.memory_space<hbm>>
        %dma_wait3A_300 = arith.constant 0 : i32
        %dma_wait3A_301 = tpu.memref_slice %arg4[%dma_wait3A_300] : memref<320000xi32, #tpu.memory_space<hbm>> -> memref<80xi32, #tpu.memory_space<hbm>>
        tpu.wait_dma2 semaphore(%arg10 : memref<!tpu.dma_semaphore, #tpu.memory_space<semaphore_mem>>) src(%dma_wait3A_301 : memref<80xi32, #tpu.memory_space<hbm>>) dst(%arg8 : memref<80xi32, #tpu.memory_space<vmem>>)
        "tpu.region"() ({
          %run_scoped3A = tpu.sem_alloc : memref<!tpu.dma_semaphore, #tpu.memory_space<semaphore_mem>>
          %dma_start3A_302 = arith.constant 0 : i32
          %dma_start3A_303 = arith.constant 0 : i32
          %dma_start3A_304 = tpu.memref_slice %arg47[%dma_start3A_302, %dma_start3A_303] : memref<10000x128xf32, #tpu.memory_space<vmem_shared>> -> memref<10000x128xf32, #tpu.memory_space<vmem_shared>>
          tpu.enqueue_indirect_dma source(%arg39 : memref<80x128xf32, #tpu.memory_space<vmem>>) target(%dma_start3A_304 : memref<10000x128xf32, #tpu.memory_space<vmem_shared>>) offsets(%arg8 : memref<80xi32, #tpu.memory_space<vmem>>) semaphore(%run_scoped3A : memref<!tpu.dma_semaphore, #tpu.memory_space<semaphore_mem>>) {add = true}
          %dma_wait3A_305 = arith.constant 0 : i32
          %dma_wait3A_306 = arith.constant 0 : i32
          %dma_wait3A_307 = tpu.memref_slice %arg47[%dma_wait3A_305, %dma_wait3A_306] : memref<10000x128xf32, #tpu.memory_space<vmem_shared>> -> memref<10000x128xf32, #tpu.memory_space<vmem_shared>>
          tpu.wait_indirect_dma semaphore(%run_scoped3A : memref<!tpu.dma_semaphore, #tpu.memory_space<semaphore_mem>>) src(%arg39 : memref<80x128xf32, #tpu.memory_space<vmem>>) dst(%dma_wait3A_307 : memref<10000x128xf32, #tpu.memory_space<vmem_shared>>)
          tpu.yield
        }) : () -> ()
      } else {
      }
      %mul3A_106 = arith.constant 8 : i32
      %mul3A_107 = arith.muli %scan3A_82, %mul3A_106 : i32
      %add3A_108 = arith.constant 1 : i32
      %add3A_109 = arith.addi %mul3A_107, %add3A_108 : i32
      %add3A_110 = arith.constant 8 : i32
      %add3A_111 = arith.addi %add3A_109, %add3A_110 : i32
      %sub3A_112 = arith.constant 1 : i32
      %sub3A_113 = arith.subi %add3A_111, %sub3A_112 : i32
      %lt3A_114 = arith.constant 125 : i32
      %lt3A_115 = arith.cmpi slt, %sub3A_113, %lt3A_114 : i32
      %convert_element_type3A_116 = arith.extui %lt3A_115 : i1 to i32
      %cond3A_117 = arith.constant 0 : i32
      %cond3A_118 = arith.cmpi ne, %convert_element_type3A_116, %cond3A_117 : i32
      scf.if %cond3A_118 {
        %add3A_295 = arith.constant 8 : i32
        %add3A_296 = arith.addi %add3A_109, %add3A_295 : i32
        %sub3A_297 = arith.constant 1 : i32
        %sub3A_298 = arith.subi %add3A_296, %sub3A_297 : i32
        %mul3A_299 = arith.constant 80 : i32
        %mul3A_300 = arith.muli %sub3A_298, %mul3A_299 : i32
        %add3A_301 = arith.addi %mul3A_2, %mul3A_300 : i32
        %dma_start3A_302 = tpu.memref_slice %arg3[%add3A_301] : memref<320000xi32, #tpu.memory_space<hbm>> -> memref<80xi32, #tpu.memory_space<hbm>>
        %dma_start3A_303 = tpu.memref_slice %arg3[%add3A_301] : memref<320000xi32, #tpu.memory_space<hbm>> -> memref<80xi32, #tpu.memory_space<hbm>>
        tpu.enqueue_dma source(%dma_start3A_303 : memref<80xi32, #tpu.memory_space<hbm>>) target(%arg7 : memref<80xi32, #tpu.memory_space<vmem>>) target_semaphore(%arg9 : memref<!tpu.dma_semaphore, #tpu.memory_space<semaphore_mem>>)
        %dma_start3A_304 = tpu.memref_slice %arg4[%add3A_301] : memref<320000xi32, #tpu.memory_space<hbm>> -> memref<80xi32, #tpu.memory_space<hbm>>
        %dma_start3A_305 = tpu.memref_slice %arg4[%add3A_301] : memref<320000xi32, #tpu.memory_space<hbm>> -> memref<80xi32, #tpu.memory_space<hbm>>
        tpu.enqueue_dma source(%dma_start3A_305 : memref<80xi32, #tpu.memory_space<hbm>>) target(%arg8 : memref<80xi32, #tpu.memory_space<vmem>>) target_semaphore(%arg10 : memref<!tpu.dma_semaphore, #tpu.memory_space<semaphore_mem>>)
      } else {
      }
      %add3A_119 = arith.constant 4 : i32
      %add3A_120 = arith.addi %add3A_109, %add3A_119 : i32
      %sub3A_121 = arith.constant 1 : i32
      %sub3A_122 = arith.subi %add3A_120, %sub3A_121 : i32
      %lt3A_123 = arith.constant 125 : i32
      %lt3A_124 = arith.cmpi slt, %sub3A_122, %lt3A_123 : i32
      %convert_element_type3A_125 = arith.extui %lt3A_124 : i1 to i32
      %cond3A_126 = arith.constant 0 : i32
      %cond3A_127 = arith.cmpi ne, %convert_element_type3A_125, %cond3A_126 : i32
      scf.if %cond3A_127 {
        %dma_wait3A_295 = arith.constant 0 : i32
        %dma_wait3A_296 = tpu.memref_slice %arg3[%dma_wait3A_295] : memref<320000xi32, #tpu.memory_space<hbm>> -> memref<80xi32, #tpu.memory_space<hbm>>
        %dma_wait3A_297 = arith.constant 0 : i32
        %dma_wait3A_298 = tpu.memref_slice %arg3[%dma_wait3A_297] : memref<320000xi32, #tpu.memory_space<hbm>> -> memref<80xi32, #tpu.memory_space<hbm>>
        tpu.wait_dma2 semaphore(%arg25 : memref<!tpu.dma_semaphore, #tpu.memory_space<semaphore_mem>>) src(%dma_wait3A_298 : memref<80xi32, #tpu.memory_space<hbm>>) dst(%arg23 : memref<80xi32, #tpu.memory_space<vmem>>)
        %dma_start3A_299 = arith.constant 0 : i32
        %dma_start3A_300 = arith.constant 0 : i32
        %dma_start3A_301 = tpu.memref_slice %arg2[%dma_start3A_299, %dma_start3A_300] : memref<10000x128xf32, #tpu.memory_space<hbm>> -> memref<10000x128xf32, #tpu.memory_space<hbm>>
        tpu.enqueue_indirect_dma source(%dma_start3A_301 : memref<10000x128xf32, #tpu.memory_space<hbm>>) target(%arg39 : memref<80x128xf32, #tpu.memory_space<vmem>>) offsets(%arg23 : memref<80xi32, #tpu.memory_space<vmem>>) semaphore(%arg40 : memref<!tpu.dma_semaphore, #tpu.memory_space<semaphore_mem>>)
      } else {
      }
      %lt3A_128 = arith.constant 125 : i32
      %lt3A_129 = arith.cmpi slt, %add3A_109, %lt3A_128 : i32
      %convert_element_type3A_130 = arith.extui %lt3A_129 : i1 to i32
      %cond3A_131 = arith.constant 0 : i32
      %cond3A_132 = arith.cmpi ne, %convert_element_type3A_130, %cond3A_131 : i32
      scf.if %cond3A_132 {
        %dma_wait3A_295 = arith.constant 0 : i32
        %dma_wait3A_296 = arith.constant 0 : i32
        %dma_wait3A_297 = tpu.memref_slice %arg2[%dma_wait3A_295, %dma_wait3A_296] : memref<10000x128xf32, #tpu.memory_space<hbm>> -> memref<10000x128xf32, #tpu.memory_space<hbm>>
        tpu.wait_indirect_dma semaphore(%arg42 : memref<!tpu.dma_semaphore, #tpu.memory_space<semaphore_mem>>) src(%dma_wait3A_297 : memref<10000x128xf32, #tpu.memory_space<hbm>>) dst(%arg41 : memref<80x128xf32, #tpu.memory_space<vmem>>)
        %dma_wait3A_298 = arith.constant 0 : i32
        %dma_wait3A_299 = tpu.memref_slice %arg4[%dma_wait3A_298] : memref<320000xi32, #tpu.memory_space<hbm>> -> memref<80xi32, #tpu.memory_space<hbm>>
        %dma_wait3A_300 = arith.constant 0 : i32
        %dma_wait3A_301 = tpu.memref_slice %arg4[%dma_wait3A_300] : memref<320000xi32, #tpu.memory_space<hbm>> -> memref<80xi32, #tpu.memory_space<hbm>>
        tpu.wait_dma2 semaphore(%arg14 : memref<!tpu.dma_semaphore, #tpu.memory_space<semaphore_mem>>) src(%dma_wait3A_301 : memref<80xi32, #tpu.memory_space<hbm>>) dst(%arg12 : memref<80xi32, #tpu.memory_space<vmem>>)
        "tpu.region"() ({
          %run_scoped3A = tpu.sem_alloc : memref<!tpu.dma_semaphore, #tpu.memory_space<semaphore_mem>>
          %dma_start3A_302 = arith.constant 0 : i32
          %dma_start3A_303 = arith.constant 0 : i32
          %dma_start3A_304 = tpu.memref_slice %arg47[%dma_start3A_302, %dma_start3A_303] : memref<10000x128xf32, #tpu.memory_space<vmem_shared>> -> memref<10000x128xf32, #tpu.memory_space<vmem_shared>>
          tpu.enqueue_indirect_dma source(%arg41 : memref<80x128xf32, #tpu.memory_space<vmem>>) target(%dma_start3A_304 : memref<10000x128xf32, #tpu.memory_space<vmem_shared>>) offsets(%arg12 : memref<80xi32, #tpu.memory_space<vmem>>) semaphore(%run_scoped3A : memref<!tpu.dma_semaphore, #tpu.memory_space<semaphore_mem>>) {add = true}
          %dma_wait3A_305 = arith.constant 0 : i32
          %dma_wait3A_306 = arith.constant 0 : i32
          %dma_wait3A_307 = tpu.memref_slice %arg47[%dma_wait3A_305, %dma_wait3A_306] : memref<10000x128xf32, #tpu.memory_space<vmem_shared>> -> memref<10000x128xf32, #tpu.memory_space<vmem_shared>>
          tpu.wait_indirect_dma semaphore(%run_scoped3A : memref<!tpu.dma_semaphore, #tpu.memory_space<semaphore_mem>>) src(%arg41 : memref<80x128xf32, #tpu.memory_space<vmem>>) dst(%dma_wait3A_307 : memref<10000x128xf32, #tpu.memory_space<vmem_shared>>)
          tpu.yield
        }) : () -> ()
      } else {
      }
      %mul3A_133 = arith.constant 8 : i32
      %mul3A_134 = arith.muli %scan3A_82, %mul3A_133 : i32
      %add3A_135 = arith.constant 2 : i32
      %add3A_136 = arith.addi %mul3A_134, %add3A_135 : i32
      %add3A_137 = arith.constant 8 : i32
      %add3A_138 = arith.addi %add3A_136, %add3A_137 : i32
      %sub3A_139 = arith.constant 1 : i32
      %sub3A_140 = arith.subi %add3A_138, %sub3A_139 : i32
      %lt3A_141 = arith.constant 125 : i32
      %lt3A_142 = arith.cmpi slt, %sub3A_140, %lt3A_141 : i32
      %convert_element_type3A_143 = arith.extui %lt3A_142 : i1 to i32
      %cond3A_144 = arith.constant 0 : i32
      %cond3A_145 = arith.cmpi ne, %convert_element_type3A_143, %cond3A_144 : i32
      scf.if %cond3A_145 {
        %add3A_295 = arith.constant 8 : i32
        %add3A_296 = arith.addi %add3A_136, %add3A_295 : i32
        %sub3A_297 = arith.constant 1 : i32
        %sub3A_298 = arith.subi %add3A_296, %sub3A_297 : i32
        %mul3A_299 = arith.constant 80 : i32
        %mul3A_300 = arith.muli %sub3A_298, %mul3A_299 : i32
        %add3A_301 = arith.addi %mul3A_2, %mul3A_300 : i32
        %dma_start3A_302 = tpu.memref_slice %arg3[%add3A_301] : memref<320000xi32, #tpu.memory_space<hbm>> -> memref<80xi32, #tpu.memory_space<hbm>>
        %dma_start3A_303 = tpu.memref_slice %arg3[%add3A_301] : memref<320000xi32, #tpu.memory_space<hbm>> -> memref<80xi32, #tpu.memory_space<hbm>>
        tpu.enqueue_dma source(%dma_start3A_303 : memref<80xi32, #tpu.memory_space<hbm>>) target(%arg11 : memref<80xi32, #tpu.memory_space<vmem>>) target_semaphore(%arg13 : memref<!tpu.dma_semaphore, #tpu.memory_space<semaphore_mem>>)
        %dma_start3A_304 = tpu.memref_slice %arg4[%add3A_301] : memref<320000xi32, #tpu.memory_space<hbm>> -> memref<80xi32, #tpu.memory_space<hbm>>
        %dma_start3A_305 = tpu.memref_slice %arg4[%add3A_301] : memref<320000xi32, #tpu.memory_space<hbm>> -> memref<80xi32, #tpu.memory_space<hbm>>
        tpu.enqueue_dma source(%dma_start3A_305 : memref<80xi32, #tpu.memory_space<hbm>>) target(%arg12 : memref<80xi32, #tpu.memory_space<vmem>>) target_semaphore(%arg14 : memref<!tpu.dma_semaphore, #tpu.memory_space<semaphore_mem>>)
      } else {
      }
      %add3A_146 = arith.constant 4 : i32
      %add3A_147 = arith.addi %add3A_136, %add3A_146 : i32
      %sub3A_148 = arith.constant 1 : i32
      %sub3A_149 = arith.subi %add3A_147, %sub3A_148 : i32
      %lt3A_150 = arith.constant 125 : i32
      %lt3A_151 = arith.cmpi slt, %sub3A_149, %lt3A_150 : i32
      %convert_element_type3A_152 = arith.extui %lt3A_151 : i1 to i32
      %cond3A_153 = arith.constant 0 : i32
      %cond3A_154 = arith.cmpi ne, %convert_element_type3A_152, %cond3A_153 : i32
      scf.if %cond3A_154 {
        %dma_wait3A_295 = arith.constant 0 : i32
        %dma_wait3A_296 = tpu.memref_slice %arg3[%dma_wait3A_295] : memref<320000xi32, #tpu.memory_space<hbm>> -> memref<80xi32, #tpu.memory_space<hbm>>
        %dma_wait3A_297 = arith.constant 0 : i32
        %dma_wait3A_298 = tpu.memref_slice %arg3[%dma_wait3A_297] : memref<320000xi32, #tpu.memory_space<hbm>> -> memref<80xi32, #tpu.memory_space<hbm>>
        tpu.wait_dma2 semaphore(%arg29 : memref<!tpu.dma_semaphore, #tpu.memory_space<semaphore_mem>>) src(%dma_wait3A_298 : memref<80xi32, #tpu.memory_space<hbm>>) dst(%arg27 : memref<80xi32, #tpu.memory_space<vmem>>)
        %dma_start3A_299 = arith.constant 0 : i32
        %dma_start3A_300 = arith.constant 0 : i32
        %dma_start3A_301 = tpu.memref_slice %arg2[%dma_start3A_299, %dma_start3A_300] : memref<10000x128xf32, #tpu.memory_space<hbm>> -> memref<10000x128xf32, #tpu.memory_space<hbm>>
        tpu.enqueue_indirect_dma source(%dma_start3A_301 : memref<10000x128xf32, #tpu.memory_space<hbm>>) target(%arg41 : memref<80x128xf32, #tpu.memory_space<vmem>>) offsets(%arg27 : memref<80xi32, #tpu.memory_space<vmem>>) semaphore(%arg42 : memref<!tpu.dma_semaphore, #tpu.memory_space<semaphore_mem>>)
      } else {
      }
      %lt3A_155 = arith.constant 125 : i32
      %lt3A_156 = arith.cmpi slt, %add3A_136, %lt3A_155 : i32
      %convert_element_type3A_157 = arith.extui %lt3A_156 : i1 to i32
      %cond3A_158 = arith.constant 0 : i32
      %cond3A_159 = arith.cmpi ne, %convert_element_type3A_157, %cond3A_158 : i32
      scf.if %cond3A_159 {
        %dma_wait3A_295 = arith.constant 0 : i32
        %dma_wait3A_296 = arith.constant 0 : i32
        %dma_wait3A_297 = tpu.memref_slice %arg2[%dma_wait3A_295, %dma_wait3A_296] : memref<10000x128xf32, #tpu.memory_space<hbm>> -> memref<10000x128xf32, #tpu.memory_space<hbm>>
        tpu.wait_indirect_dma semaphore(%arg44 : memref<!tpu.dma_semaphore, #tpu.memory_space<semaphore_mem>>) src(%dma_wait3A_297 : memref<10000x128xf32, #tpu.memory_space<hbm>>) dst(%arg43 : memref<80x128xf32, #tpu.memory_space<vmem>>)
        %dma_wait3A_298 = arith.constant 0 : i32
        %dma_wait3A_299 = tpu.memref_slice %arg4[%dma_wait3A_298] : memref<320000xi32, #tpu.memory_space<hbm>> -> memref<80xi32, #tpu.memory_space<hbm>>
        %dma_wait3A_300 = arith.constant 0 : i32
        %dma_wait3A_301 = tpu.memref_slice %arg4[%dma_wait3A_300] : memref<320000xi32, #tpu.memory_space<hbm>> -> memref<80xi32, #tpu.memory_space<hbm>>
        tpu.wait_dma2 semaphore(%arg18 : memref<!tpu.dma_semaphore, #tpu.memory_space<semaphore_mem>>) src(%dma_wait3A_301 : memref<80xi32, #tpu.memory_space<hbm>>) dst(%arg16 : memref<80xi32, #tpu.memory_space<vmem>>)
        "tpu.region"() ({
          %run_scoped3A = tpu.sem_alloc : memref<!tpu.dma_semaphore, #tpu.memory_space<semaphore_mem>>
          %dma_start3A_302 = arith.constant 0 : i32
          %dma_start3A_303 = arith.constant 0 : i32
          %dma_start3A_304 = tpu.memref_slice %arg47[%dma_start3A_302, %dma_start3A_303] : memref<10000x128xf32, #tpu.memory_space<vmem_shared>> -> memref<10000x128xf32, #tpu.memory_space<vmem_shared>>
          tpu.enqueue_indirect_dma source(%arg43 : memref<80x128xf32, #tpu.memory_space<vmem>>) target(%dma_start3A_304 : memref<10000x128xf32, #tpu.memory_space<vmem_shared>>) offsets(%arg16 : memref<80xi32, #tpu.memory_space<vmem>>) semaphore(%run_scoped3A : memref<!tpu.dma_semaphore, #tpu.memory_space<semaphore_mem>>) {add = true}
          %dma_wait3A_305 = arith.constant 0 : i32
          %dma_wait3A_306 = arith.constant 0 : i32
          %dma_wait3A_307 = tpu.memref_slice %arg47[%dma_wait3A_305, %dma_wait3A_306] : memref<10000x128xf32, #tpu.memory_space<vmem_shared>> -> memref<10000x128xf32, #tpu.memory_space<vmem_shared>>
          tpu.wait_indirect_dma semaphore(%run_scoped3A : memref<!tpu.dma_semaphore, #tpu.memory_space<semaphore_mem>>) src(%arg43 : memref<80x128xf32, #tpu.memory_space<vmem>>) dst(%dma_wait3A_307 : memref<10000x128xf32, #tpu.memory_space<vmem_shared>>)
          tpu.yield
        }) : () -> ()
      } else {
      }
      %mul3A_160 = arith.constant 8 : i32
      %mul3A_161 = arith.muli %scan3A_82, %mul3A_160 : i32
      %add3A_162 = arith.constant 3 : i32
      %add3A_163 = arith.addi %mul3A_161, %add3A_162 : i32
      %add3A_164 = arith.constant 8 : i32
      %add3A_165 = arith.addi %add3A_163, %add3A_164 : i32
      %sub3A_166 = arith.constant 1 : i32
      %sub3A_167 = arith.subi %add3A_165, %sub3A_166 : i32
      %lt3A_168 = arith.constant 125 : i32
      %lt3A_169 = arith.cmpi slt, %sub3A_167, %lt3A_168 : i32
      %convert_element_type3A_170 = arith.extui %lt3A_169 : i1 to i32
      %cond3A_171 = arith.constant 0 : i32
      %cond3A_172 = arith.cmpi ne, %convert_element_type3A_170, %cond3A_171 : i32
      scf.if %cond3A_172 {
        %add3A_295 = arith.constant 8 : i32
        %add3A_296 = arith.addi %add3A_163, %add3A_295 : i32
        %sub3A_297 = arith.constant 1 : i32
        %sub3A_298 = arith.subi %add3A_296, %sub3A_297 : i32
        %mul3A_299 = arith.constant 80 : i32
        %mul3A_300 = arith.muli %sub3A_298, %mul3A_299 : i32
        %add3A_301 = arith.addi %mul3A_2, %mul3A_300 : i32
        %dma_start3A_302 = tpu.memref_slice %arg3[%add3A_301] : memref<320000xi32, #tpu.memory_space<hbm>> -> memref<80xi32, #tpu.memory_space<hbm>>
        %dma_start3A_303 = tpu.memref_slice %arg3[%add3A_301] : memref<320000xi32, #tpu.memory_space<hbm>> -> memref<80xi32, #tpu.memory_space<hbm>>
        tpu.enqueue_dma source(%dma_start3A_303 : memref<80xi32, #tpu.memory_space<hbm>>) target(%arg15 : memref<80xi32, #tpu.memory_space<vmem>>) target_semaphore(%arg17 : memref<!tpu.dma_semaphore, #tpu.memory_space<semaphore_mem>>)
        %dma_start3A_304 = tpu.memref_slice %arg4[%add3A_301] : memref<320000xi32, #tpu.memory_space<hbm>> -> memref<80xi32, #tpu.memory_space<hbm>>
        %dma_start3A_305 = tpu.memref_slice %arg4[%add3A_301] : memref<320000xi32, #tpu.memory_space<hbm>> -> memref<80xi32, #tpu.memory_space<hbm>>
        tpu.enqueue_dma source(%dma_start3A_305 : memref<80xi32, #tpu.memory_space<hbm>>) target(%arg16 : memref<80xi32, #tpu.memory_space<vmem>>) target_semaphore(%arg18 : memref<!tpu.dma_semaphore, #tpu.memory_space<semaphore_mem>>)
      } else {
      }
      %add3A_173 = arith.constant 4 : i32
      %add3A_174 = arith.addi %add3A_163, %add3A_173 : i32
      %sub3A_175 = arith.constant 1 : i32
      %sub3A_176 = arith.subi %add3A_174, %sub3A_175 : i32
      %lt3A_177 = arith.constant 125 : i32
      %lt3A_178 = arith.cmpi slt, %sub3A_176, %lt3A_177 : i32
      %convert_element_type3A_179 = arith.extui %lt3A_178 : i1 to i32
      %cond3A_180 = arith.constant 0 : i32
      %cond3A_181 = arith.cmpi ne, %convert_element_type3A_179, %cond3A_180 : i32
      scf.if %cond3A_181 {
        %dma_wait3A_295 = arith.constant 0 : i32
        %dma_wait3A_296 = tpu.memref_slice %arg3[%dma_wait3A_295] : memref<320000xi32, #tpu.memory_space<hbm>> -> memref<80xi32, #tpu.memory_space<hbm>>
        %dma_wait3A_297 = arith.constant 0 : i32
        %dma_wait3A_298 = tpu.memref_slice %arg3[%dma_wait3A_297] : memref<320000xi32, #tpu.memory_space<hbm>> -> memref<80xi32, #tpu.memory_space<hbm>>
        tpu.wait_dma2 semaphore(%arg33 : memref<!tpu.dma_semaphore, #tpu.memory_space<semaphore_mem>>) src(%dma_wait3A_298 : memref<80xi32, #tpu.memory_space<hbm>>) dst(%arg31 : memref<80xi32, #tpu.memory_space<vmem>>)
        %dma_start3A_299 = arith.constant 0 : i32
        %dma_start3A_300 = arith.constant 0 : i32
        %dma_start3A_301 = tpu.memref_slice %arg2[%dma_start3A_299, %dma_start3A_300] : memref<10000x128xf32, #tpu.memory_space<hbm>> -> memref<10000x128xf32, #tpu.memory_space<hbm>>
        tpu.enqueue_indirect_dma source(%dma_start3A_301 : memref<10000x128xf32, #tpu.memory_space<hbm>>) target(%arg43 : memref<80x128xf32, #tpu.memory_space<vmem>>) offsets(%arg31 : memref<80xi32, #tpu.memory_space<vmem>>) semaphore(%arg44 : memref<!tpu.dma_semaphore, #tpu.memory_space<semaphore_mem>>)
      } else {
      }
      %lt3A_182 = arith.constant 125 : i32
      %lt3A_183 = arith.cmpi slt, %add3A_163, %lt3A_182 : i32
      %convert_element_type3A_184 = arith.extui %lt3A_183 : i1 to i32
      %cond3A_185 = arith.constant 0 : i32
      %cond3A_186 = arith.cmpi ne, %convert_element_type3A_184, %cond3A_185 : i32
      scf.if %cond3A_186 {
        %dma_wait3A_295 = arith.constant 0 : i32
        %dma_wait3A_296 = arith.constant 0 : i32
        %dma_wait3A_297 = tpu.memref_slice %arg2[%dma_wait3A_295, %dma_wait3A_296] : memref<10000x128xf32, #tpu.memory_space<hbm>> -> memref<10000x128xf32, #tpu.memory_space<hbm>>
        tpu.wait_indirect_dma semaphore(%arg46 : memref<!tpu.dma_semaphore, #tpu.memory_space<semaphore_mem>>) src(%dma_wait3A_297 : memref<10000x128xf32, #tpu.memory_space<hbm>>) dst(%arg45 : memref<80x128xf32, #tpu.memory_space<vmem>>)
        %dma_wait3A_298 = arith.constant 0 : i32
        %dma_wait3A_299 = tpu.memref_slice %arg4[%dma_wait3A_298] : memref<320000xi32, #tpu.memory_space<hbm>> -> memref<80xi32, #tpu.memory_space<hbm>>
        %dma_wait3A_300 = arith.constant 0 : i32
        %dma_wait3A_301 = tpu.memref_slice %arg4[%dma_wait3A_300] : memref<320000xi32, #tpu.memory_space<hbm>> -> memref<80xi32, #tpu.memory_space<hbm>>
        tpu.wait_dma2 semaphore(%arg22 : memref<!tpu.dma_semaphore, #tpu.memory_space<semaphore_mem>>) src(%dma_wait3A_301 : memref<80xi32, #tpu.memory_space<hbm>>) dst(%arg20 : memref<80xi32, #tpu.memory_space<vmem>>)
        "tpu.region"() ({
          %run_scoped3A = tpu.sem_alloc : memref<!tpu.dma_semaphore, #tpu.memory_space<semaphore_mem>>
          %dma_start3A_302 = arith.constant 0 : i32
          %dma_start3A_303 = arith.constant 0 : i32
          %dma_start3A_304 = tpu.memref_slice %arg47[%dma_start3A_302, %dma_start3A_303] : memref<10000x128xf32, #tpu.memory_space<vmem_shared>> -> memref<10000x128xf32, #tpu.memory_space<vmem_shared>>
          tpu.enqueue_indirect_dma source(%arg45 : memref<80x128xf32, #tpu.memory_space<vmem>>) target(%dma_start3A_304 : memref<10000x128xf32, #tpu.memory_space<vmem_shared>>) offsets(%arg20 : memref<80xi32, #tpu.memory_space<vmem>>) semaphore(%run_scoped3A : memref<!tpu.dma_semaphore, #tpu.memory_space<semaphore_mem>>) {add = true}
          %dma_wait3A_305 = arith.constant 0 : i32
          %dma_wait3A_306 = arith.constant 0 : i32
          %dma_wait3A_307 = tpu.memref_slice %arg47[%dma_wait3A_305, %dma_wait3A_306] : memref<10000x128xf32, #tpu.memory_space<vmem_shared>> -> memref<10000x128xf32, #tpu.memory_space<vmem_shared>>
          tpu.wait_indirect_dma semaphore(%run_scoped3A : memref<!tpu.dma_semaphore, #tpu.memory_space<semaphore_mem>>) src(%arg45 : memref<80x128xf32, #tpu.memory_space<vmem>>) dst(%dma_wait3A_307 : memref<10000x128xf32, #tpu.memory_space<vmem_shared>>)
          tpu.yield
        }) : () -> ()
      } else {
      }
      %mul3A_187 = arith.constant 8 : i32
      %mul3A_188 = arith.muli %scan3A_82, %mul3A_187 : i32
      %add3A_189 = arith.constant 4 : i32
      %add3A_190 = arith.addi %mul3A_188, %add3A_189 : i32
      %add3A_191 = arith.constant 8 : i32
      %add3A_192 = arith.addi %add3A_190, %add3A_191 : i32
      %sub3A_193 = arith.constant 1 : i32
      %sub3A_194 = arith.subi %add3A_192, %sub3A_193 : i32
      %lt3A_195 = arith.constant 125 : i32
      %lt3A_196 = arith.cmpi slt, %sub3A_194, %lt3A_195 : i32
      %convert_element_type3A_197 = arith.extui %lt3A_196 : i1 to i32
      %cond3A_198 = arith.constant 0 : i32
      %cond3A_199 = arith.cmpi ne, %convert_element_type3A_197, %cond3A_198 : i32
      scf.if %cond3A_199 {
        %add3A_295 = arith.constant 8 : i32
        %add3A_296 = arith.addi %add3A_190, %add3A_295 : i32
        %sub3A_297 = arith.constant 1 : i32
        %sub3A_298 = arith.subi %add3A_296, %sub3A_297 : i32
        %mul3A_299 = arith.constant 80 : i32
        %mul3A_300 = arith.muli %sub3A_298, %mul3A_299 : i32
        %add3A_301 = arith.addi %mul3A_2, %mul3A_300 : i32
        %dma_start3A_302 = tpu.memref_slice %arg3[%add3A_301] : memref<320000xi32, #tpu.memory_space<hbm>> -> memref<80xi32, #tpu.memory_space<hbm>>
        %dma_start3A_303 = tpu.memref_slice %arg3[%add3A_301] : memref<320000xi32, #tpu.memory_space<hbm>> -> memref<80xi32, #tpu.memory_space<hbm>>
        tpu.enqueue_dma source(%dma_start3A_303 : memref<80xi32, #tpu.memory_space<hbm>>) target(%arg19 : memref<80xi32, #tpu.memory_space<vmem>>) target_semaphore(%arg21 : memref<!tpu.dma_semaphore, #tpu.memory_space<semaphore_mem>>)
        %dma_start3A_304 = tpu.memref_slice %arg4[%add3A_301] : memref<320000xi32, #tpu.memory_space<hbm>> -> memref<80xi32, #tpu.memory_space<hbm>>
        %dma_start3A_305 = tpu.memref_slice %arg4[%add3A_301] : memref<320000xi32, #tpu.memory_space<hbm>> -> memref<80xi32, #tpu.memory_space<hbm>>
        tpu.enqueue_dma source(%dma_start3A_305 : memref<80xi32, #tpu.memory_space<hbm>>) target(%arg20 : memref<80xi32, #tpu.memory_space<vmem>>) target_semaphore(%arg22 : memref<!tpu.dma_semaphore, #tpu.memory_space<semaphore_mem>>)
      } else {
      }
      %add3A_200 = arith.constant 4 : i32
      %add3A_201 = arith.addi %add3A_190, %add3A_200 : i32
      %sub3A_202 = arith.constant 1 : i32
      %sub3A_203 = arith.subi %add3A_201, %sub3A_202 : i32
      %lt3A_204 = arith.constant 125 : i32
      %lt3A_205 = arith.cmpi slt, %sub3A_203, %lt3A_204 : i32
      %convert_element_type3A_206 = arith.extui %lt3A_205 : i1 to i32
      %cond3A_207 = arith.constant 0 : i32
      %cond3A_208 = arith.cmpi ne, %convert_element_type3A_206, %cond3A_207 : i32
      scf.if %cond3A_208 {
        %dma_wait3A_295 = arith.constant 0 : i32
        %dma_wait3A_296 = tpu.memref_slice %arg3[%dma_wait3A_295] : memref<320000xi32, #tpu.memory_space<hbm>> -> memref<80xi32, #tpu.memory_space<hbm>>
        %dma_wait3A_297 = arith.constant 0 : i32
        %dma_wait3A_298 = tpu.memref_slice %arg3[%dma_wait3A_297] : memref<320000xi32, #tpu.memory_space<hbm>> -> memref<80xi32, #tpu.memory_space<hbm>>
        tpu.wait_dma2 semaphore(%arg37 : memref<!tpu.dma_semaphore, #tpu.memory_space<semaphore_mem>>) src(%dma_wait3A_298 : memref<80xi32, #tpu.memory_space<hbm>>) dst(%arg35 : memref<80xi32, #tpu.memory_space<vmem>>)
        %dma_start3A_299 = arith.constant 0 : i32
        %dma_start3A_300 = arith.constant 0 : i32
        %dma_start3A_301 = tpu.memref_slice %arg2[%dma_start3A_299, %dma_start3A_300] : memref<10000x128xf32, #tpu.memory_space<hbm>> -> memref<10000x128xf32, #tpu.memory_space<hbm>>
        tpu.enqueue_indirect_dma source(%dma_start3A_301 : memref<10000x128xf32, #tpu.memory_space<hbm>>) target(%arg45 : memref<80x128xf32, #tpu.memory_space<vmem>>) offsets(%arg35 : memref<80xi32, #tpu.memory_space<vmem>>) semaphore(%arg46 : memref<!tpu.dma_semaphore, #tpu.memory_space<semaphore_mem>>)
      } else {
      }
      %lt3A_209 = arith.constant 125 : i32
      %lt3A_210 = arith.cmpi slt, %add3A_190, %lt3A_209 : i32
      %convert_element_type3A_211 = arith.extui %lt3A_210 : i1 to i32
      %cond3A_212 = arith.constant 0 : i32
      %cond3A_213 = arith.cmpi ne, %convert_element_type3A_211, %cond3A_212 : i32
      scf.if %cond3A_213 {
        %dma_wait3A_295 = arith.constant 0 : i32
        %dma_wait3A_296 = arith.constant 0 : i32
        %dma_wait3A_297 = tpu.memref_slice %arg2[%dma_wait3A_295, %dma_wait3A_296] : memref<10000x128xf32, #tpu.memory_space<hbm>> -> memref<10000x128xf32, #tpu.memory_space<hbm>>
        tpu.wait_indirect_dma semaphore(%arg40 : memref<!tpu.dma_semaphore, #tpu.memory_space<semaphore_mem>>) src(%dma_wait3A_297 : memref<10000x128xf32, #tpu.memory_space<hbm>>) dst(%arg39 : memref<80x128xf32, #tpu.memory_space<vmem>>)
        %dma_wait3A_298 = arith.constant 0 : i32
        %dma_wait3A_299 = tpu.memref_slice %arg4[%dma_wait3A_298] : memref<320000xi32, #tpu.memory_space<hbm>> -> memref<80xi32, #tpu.memory_space<hbm>>
        %dma_wait3A_300 = arith.constant 0 : i32
        %dma_wait3A_301 = tpu.memref_slice %arg4[%dma_wait3A_300] : memref<320000xi32, #tpu.memory_space<hbm>> -> memref<80xi32, #tpu.memory_space<hbm>>
        tpu.wait_dma2 semaphore(%arg26 : memref<!tpu.dma_semaphore, #tpu.memory_space<semaphore_mem>>) src(%dma_wait3A_301 : memref<80xi32, #tpu.memory_space<hbm>>) dst(%arg24 : memref<80xi32, #tpu.memory_space<vmem>>)
        "tpu.region"() ({
          %run_scoped3A = tpu.sem_alloc : memref<!tpu.dma_semaphore, #tpu.memory_space<semaphore_mem>>
          %dma_start3A_302 = arith.constant 0 : i32
          %dma_start3A_303 = arith.constant 0 : i32
          %dma_start3A_304 = tpu.memref_slice %arg47[%dma_start3A_302, %dma_start3A_303] : memref<10000x128xf32, #tpu.memory_space<vmem_shared>> -> memref<10000x128xf32, #tpu.memory_space<vmem_shared>>
          tpu.enqueue_indirect_dma source(%arg39 : memref<80x128xf32, #tpu.memory_space<vmem>>) target(%dma_start3A_304 : memref<10000x128xf32, #tpu.memory_space<vmem_shared>>) offsets(%arg24 : memref<80xi32, #tpu.memory_space<vmem>>) semaphore(%run_scoped3A : memref<!tpu.dma_semaphore, #tpu.memory_space<semaphore_mem>>) {add = true}
          %dma_wait3A_305 = arith.constant 0 : i32
          %dma_wait3A_306 = arith.constant 0 : i32
          %dma_wait3A_307 = tpu.memref_slice %arg47[%dma_wait3A_305, %dma_wait3A_306] : memref<10000x128xf32, #tpu.memory_space<vmem_shared>> -> memref<10000x128xf32, #tpu.memory_space<vmem_shared>>
          tpu.wait_indirect_dma semaphore(%run_scoped3A : memref<!tpu.dma_semaphore, #tpu.memory_space<semaphore_mem>>) src(%arg39 : memref<80x128xf32, #tpu.memory_space<vmem>>) dst(%dma_wait3A_307 : memref<10000x128xf32, #tpu.memory_space<vmem_shared>>)
          tpu.yield
        }) : () -> ()
      } else {
      }
      %mul3A_214 = arith.constant 8 : i32
      %mul3A_215 = arith.muli %scan3A_82, %mul3A_214 : i32
      %add3A_216 = arith.constant 5 : i32
      %add3A_217 = arith.addi %mul3A_215, %add3A_216 : i32
      %add3A_218 = arith.constant 8 : i32
      %add3A_219 = arith.addi %add3A_217, %add3A_218 : i32
      %sub3A_220 = arith.constant 1 : i32
      %sub3A_221 = arith.subi %add3A_219, %sub3A_220 : i32
      %lt3A_222 = arith.constant 125 : i32
      %lt3A_223 = arith.cmpi slt, %sub3A_221, %lt3A_222 : i32
      %convert_element_type3A_224 = arith.extui %lt3A_223 : i1 to i32
      %cond3A_225 = arith.constant 0 : i32
      %cond3A_226 = arith.cmpi ne, %convert_element_type3A_224, %cond3A_225 : i32
      scf.if %cond3A_226 {
        %add3A_295 = arith.constant 8 : i32
        %add3A_296 = arith.addi %add3A_217, %add3A_295 : i32
        %sub3A_297 = arith.constant 1 : i32
        %sub3A_298 = arith.subi %add3A_296, %sub3A_297 : i32
        %mul3A_299 = arith.constant 80 : i32
        %mul3A_300 = arith.muli %sub3A_298, %mul3A_299 : i32
        %add3A_301 = arith.addi %mul3A_2, %mul3A_300 : i32
        %dma_start3A_302 = tpu.memref_slice %arg3[%add3A_301] : memref<320000xi32, #tpu.memory_space<hbm>> -> memref<80xi32, #tpu.memory_space<hbm>>
        %dma_start3A_303 = tpu.memref_slice %arg3[%add3A_301] : memref<320000xi32, #tpu.memory_space<hbm>> -> memref<80xi32, #tpu.memory_space<hbm>>
        tpu.enqueue_dma source(%dma_start3A_303 : memref<80xi32, #tpu.memory_space<hbm>>) target(%arg23 : memref<80xi32, #tpu.memory_space<vmem>>) target_semaphore(%arg25 : memref<!tpu.dma_semaphore, #tpu.memory_space<semaphore_mem>>)
        %dma_start3A_304 = tpu.memref_slice %arg4[%add3A_301] : memref<320000xi32, #tpu.memory_space<hbm>> -> memref<80xi32, #tpu.memory_space<hbm>>
        %dma_start3A_305 = tpu.memref_slice %arg4[%add3A_301] : memref<320000xi32, #tpu.memory_space<hbm>> -> memref<80xi32, #tpu.memory_space<hbm>>
        tpu.enqueue_dma source(%dma_start3A_305 : memref<80xi32, #tpu.memory_space<hbm>>) target(%arg24 : memref<80xi32, #tpu.memory_space<vmem>>) target_semaphore(%arg26 : memref<!tpu.dma_semaphore, #tpu.memory_space<semaphore_mem>>)
      } else {
      }
      %add3A_227 = arith.constant 4 : i32
      %add3A_228 = arith.addi %add3A_217, %add3A_227 : i32
      %sub3A_229 = arith.constant 1 : i32
      %sub3A_230 = arith.subi %add3A_228, %sub3A_229 : i32
      %lt3A_231 = arith.constant 125 : i32
      %lt3A_232 = arith.cmpi slt, %sub3A_230, %lt3A_231 : i32
      %convert_element_type3A_233 = arith.extui %lt3A_232 : i1 to i32
      %cond3A_234 = arith.constant 0 : i32
      %cond3A_235 = arith.cmpi ne, %convert_element_type3A_233, %cond3A_234 : i32
      scf.if %cond3A_235 {
        %dma_wait3A_295 = arith.constant 0 : i32
        %dma_wait3A_296 = tpu.memref_slice %arg3[%dma_wait3A_295] : memref<320000xi32, #tpu.memory_space<hbm>> -> memref<80xi32, #tpu.memory_space<hbm>>
        %dma_wait3A_297 = arith.constant 0 : i32
        %dma_wait3A_298 = tpu.memref_slice %arg3[%dma_wait3A_297] : memref<320000xi32, #tpu.memory_space<hbm>> -> memref<80xi32, #tpu.memory_space<hbm>>
        tpu.wait_dma2 semaphore(%arg9 : memref<!tpu.dma_semaphore, #tpu.memory_space<semaphore_mem>>) src(%dma_wait3A_298 : memref<80xi32, #tpu.memory_space<hbm>>) dst(%arg7 : memref<80xi32, #tpu.memory_space<vmem>>)
        %dma_start3A_299 = arith.constant 0 : i32
        %dma_start3A_300 = arith.constant 0 : i32
        %dma_start3A_301 = tpu.memref_slice %arg2[%dma_start3A_299, %dma_start3A_300] : memref<10000x128xf32, #tpu.memory_space<hbm>> -> memref<10000x128xf32, #tpu.memory_space<hbm>>
        tpu.enqueue_indirect_dma source(%dma_start3A_301 : memref<10000x128xf32, #tpu.memory_space<hbm>>) target(%arg39 : memref<80x128xf32, #tpu.memory_space<vmem>>) offsets(%arg7 : memref<80xi32, #tpu.memory_space<vmem>>) semaphore(%arg40 : memref<!tpu.dma_semaphore, #tpu.memory_space<semaphore_mem>>)
      } else {
      }
      %lt3A_236 = arith.constant 125 : i32
      %lt3A_237 = arith.cmpi slt, %add3A_217, %lt3A_236 : i32
      %convert_element_type3A_238 = arith.extui %lt3A_237 : i1 to i32
      %cond3A_239 = arith.constant 0 : i32
      %cond3A_240 = arith.cmpi ne, %convert_element_type3A_238, %cond3A_239 : i32
      scf.if %cond3A_240 {
        %dma_wait3A_295 = arith.constant 0 : i32
        %dma_wait3A_296 = arith.constant 0 : i32
        %dma_wait3A_297 = tpu.memref_slice %arg2[%dma_wait3A_295, %dma_wait3A_296] : memref<10000x128xf32, #tpu.memory_space<hbm>> -> memref<10000x128xf32, #tpu.memory_space<hbm>>
        tpu.wait_indirect_dma semaphore(%arg42 : memref<!tpu.dma_semaphore, #tpu.memory_space<semaphore_mem>>) src(%dma_wait3A_297 : memref<10000x128xf32, #tpu.memory_space<hbm>>) dst(%arg41 : memref<80x128xf32, #tpu.memory_space<vmem>>)
        %dma_wait3A_298 = arith.constant 0 : i32
        %dma_wait3A_299 = tpu.memref_slice %arg4[%dma_wait3A_298] : memref<320000xi32, #tpu.memory_space<hbm>> -> memref<80xi32, #tpu.memory_space<hbm>>
        %dma_wait3A_300 = arith.constant 0 : i32
        %dma_wait3A_301 = tpu.memref_slice %arg4[%dma_wait3A_300] : memref<320000xi32, #tpu.memory_space<hbm>> -> memref<80xi32, #tpu.memory_space<hbm>>
        tpu.wait_dma2 semaphore(%arg30 : memref<!tpu.dma_semaphore, #tpu.memory_space<semaphore_mem>>) src(%dma_wait3A_301 : memref<80xi32, #tpu.memory_space<hbm>>) dst(%arg28 : memref<80xi32, #tpu.memory_space<vmem>>)
        "tpu.region"() ({
          %run_scoped3A = tpu.sem_alloc : memref<!tpu.dma_semaphore, #tpu.memory_space<semaphore_mem>>
          %dma_start3A_302 = arith.constant 0 : i32
          %dma_start3A_303 = arith.constant 0 : i32
          %dma_start3A_304 = tpu.memref_slice %arg47[%dma_start3A_302, %dma_start3A_303] : memref<10000x128xf32, #tpu.memory_space<vmem_shared>> -> memref<10000x128xf32, #tpu.memory_space<vmem_shared>>
          tpu.enqueue_indirect_dma source(%arg41 : memref<80x128xf32, #tpu.memory_space<vmem>>) target(%dma_start3A_304 : memref<10000x128xf32, #tpu.memory_space<vmem_shared>>) offsets(%arg28 : memref<80xi32, #tpu.memory_space<vmem>>) semaphore(%run_scoped3A : memref<!tpu.dma_semaphore, #tpu.memory_space<semaphore_mem>>) {add = true}
          %dma_wait3A_305 = arith.constant 0 : i32
          %dma_wait3A_306 = arith.constant 0 : i32
          %dma_wait3A_307 = tpu.memref_slice %arg47[%dma_wait3A_305, %dma_wait3A_306] : memref<10000x128xf32, #tpu.memory_space<vmem_shared>> -> memref<10000x128xf32, #tpu.memory_space<vmem_shared>>
          tpu.wait_indirect_dma semaphore(%run_scoped3A : memref<!tpu.dma_semaphore, #tpu.memory_space<semaphore_mem>>) src(%arg41 : memref<80x128xf32, #tpu.memory_space<vmem>>) dst(%dma_wait3A_307 : memref<10000x128xf32, #tpu.memory_space<vmem_shared>>)
          tpu.yield
        }) : () -> ()
      } else {
      }
      %mul3A_241 = arith.constant 8 : i32
      %mul3A_242 = arith.muli %scan3A_82, %mul3A_241 : i32
      %add3A_243 = arith.constant 6 : i32
      %add3A_244 = arith.addi %mul3A_242, %add3A_243 : i32
      %add3A_245 = arith.constant 8 : i32
      %add3A_246 = arith.addi %add3A_244, %add3A_245 : i32
      %sub3A_247 = arith.constant 1 : i32
      %sub3A_248 = arith.subi %add3A_246, %sub3A_247 : i32
      %lt3A_249 = arith.constant 125 : i32
      %lt3A_250 = arith.cmpi slt, %sub3A_248, %lt3A_249 : i32
      %convert_element_type3A_251 = arith.extui %lt3A_250 : i1 to i32
      %cond3A_252 = arith.constant 0 : i32
      %cond3A_253 = arith.cmpi ne, %convert_element_type3A_251, %cond3A_252 : i32
      scf.if %cond3A_253 {
        %add3A_295 = arith.constant 8 : i32
        %add3A_296 = arith.addi %add3A_244, %add3A_295 : i32
        %sub3A_297 = arith.constant 1 : i32
        %sub3A_298 = arith.subi %add3A_296, %sub3A_297 : i32
        %mul3A_299 = arith.constant 80 : i32
        %mul3A_300 = arith.muli %sub3A_298, %mul3A_299 : i32
        %add3A_301 = arith.addi %mul3A_2, %mul3A_300 : i32
        %dma_start3A_302 = tpu.memref_slice %arg3[%add3A_301] : memref<320000xi32, #tpu.memory_space<hbm>> -> memref<80xi32, #tpu.memory_space<hbm>>
        %dma_start3A_303 = tpu.memref_slice %arg3[%add3A_301] : memref<320000xi32, #tpu.memory_space<hbm>> -> memref<80xi32, #tpu.memory_space<hbm>>
        tpu.enqueue_dma source(%dma_start3A_303 : memref<80xi32, #tpu.memory_space<hbm>>) target(%arg27 : memref<80xi32, #tpu.memory_space<vmem>>) target_semaphore(%arg29 : memref<!tpu.dma_semaphore, #tpu.memory_space<semaphore_mem>>)
        %dma_start3A_304 = tpu.memref_slice %arg4[%add3A_301] : memref<320000xi32, #tpu.memory_space<hbm>> -> memref<80xi32, #tpu.memory_space<hbm>>
        %dma_start3A_305 = tpu.memref_slice %arg4[%add3A_301] : memref<320000xi32, #tpu.memory_space<hbm>> -> memref<80xi32, #tpu.memory_space<hbm>>
        tpu.enqueue_dma source(%dma_start3A_305 : memref<80xi32, #tpu.memory_space<hbm>>) target(%arg28 : memref<80xi32, #tpu.memory_space<vmem>>) target_semaphore(%arg30 : memref<!tpu.dma_semaphore, #tpu.memory_space<semaphore_mem>>)
      } else {
      }
      %add3A_254 = arith.constant 4 : i32
      %add3A_255 = arith.addi %add3A_244, %add3A_254 : i32
      %sub3A_256 = arith.constant 1 : i32
      %sub3A_257 = arith.subi %add3A_255, %sub3A_256 : i32
      %lt3A_258 = arith.constant 125 : i32
      %lt3A_259 = arith.cmpi slt, %sub3A_257, %lt3A_258 : i32
      %convert_element_type3A_260 = arith.extui %lt3A_259 : i1 to i32
      %cond3A_261 = arith.constant 0 : i32
      %cond3A_262 = arith.cmpi ne, %convert_element_type3A_260, %cond3A_261 : i32
      scf.if %cond3A_262 {
        %dma_wait3A_295 = arith.constant 0 : i32
        %dma_wait3A_296 = tpu.memref_slice %arg3[%dma_wait3A_295] : memref<320000xi32, #tpu.memory_space<hbm>> -> memref<80xi32, #tpu.memory_space<hbm>>
        %dma_wait3A_297 = arith.constant 0 : i32
        %dma_wait3A_298 = tpu.memref_slice %arg3[%dma_wait3A_297] : memref<320000xi32, #tpu.memory_space<hbm>> -> memref<80xi32, #tpu.memory_space<hbm>>
        tpu.wait_dma2 semaphore(%arg13 : memref<!tpu.dma_semaphore, #tpu.memory_space<semaphore_mem>>) src(%dma_wait3A_298 : memref<80xi32, #tpu.memory_space<hbm>>) dst(%arg11 : memref<80xi32, #tpu.memory_space<vmem>>)
        %dma_start3A_299 = arith.constant 0 : i32
        %dma_start3A_300 = arith.constant 0 : i32
        %dma_start3A_301 = tpu.memref_slice %arg2[%dma_start3A_299, %dma_start3A_300] : memref<10000x128xf32, #tpu.memory_space<hbm>> -> memref<10000x128xf32, #tpu.memory_space<hbm>>
        tpu.enqueue_indirect_dma source(%dma_start3A_301 : memref<10000x128xf32, #tpu.memory_space<hbm>>) target(%arg41 : memref<80x128xf32, #tpu.memory_space<vmem>>) offsets(%arg11 : memref<80xi32, #tpu.memory_space<vmem>>) semaphore(%arg42 : memref<!tpu.dma_semaphore, #tpu.memory_space<semaphore_mem>>)
      } else {
      }
      %lt3A_263 = arith.constant 125 : i32
      %lt3A_264 = arith.cmpi slt, %add3A_244, %lt3A_263 : i32
      %convert_element_type3A_265 = arith.extui %lt3A_264 : i1 to i32
      %cond3A_266 = arith.constant 0 : i32
      %cond3A_267 = arith.cmpi ne, %convert_element_type3A_265, %cond3A_266 : i32
      scf.if %cond3A_267 {
        %dma_wait3A_295 = arith.constant 0 : i32
        %dma_wait3A_296 = arith.constant 0 : i32
        %dma_wait3A_297 = tpu.memref_slice %arg2[%dma_wait3A_295, %dma_wait3A_296] : memref<10000x128xf32, #tpu.memory_space<hbm>> -> memref<10000x128xf32, #tpu.memory_space<hbm>>
        tpu.wait_indirect_dma semaphore(%arg44 : memref<!tpu.dma_semaphore, #tpu.memory_space<semaphore_mem>>) src(%dma_wait3A_297 : memref<10000x128xf32, #tpu.memory_space<hbm>>) dst(%arg43 : memref<80x128xf32, #tpu.memory_space<vmem>>)
        %dma_wait3A_298 = arith.constant 0 : i32
        %dma_wait3A_299 = tpu.memref_slice %arg4[%dma_wait3A_298] : memref<320000xi32, #tpu.memory_space<hbm>> -> memref<80xi32, #tpu.memory_space<hbm>>
        %dma_wait3A_300 = arith.constant 0 : i32
        %dma_wait3A_301 = tpu.memref_slice %arg4[%dma_wait3A_300] : memref<320000xi32, #tpu.memory_space<hbm>> -> memref<80xi32, #tpu.memory_space<hbm>>
        tpu.wait_dma2 semaphore(%arg34 : memref<!tpu.dma_semaphore, #tpu.memory_space<semaphore_mem>>) src(%dma_wait3A_301 : memref<80xi32, #tpu.memory_space<hbm>>) dst(%arg32 : memref<80xi32, #tpu.memory_space<vmem>>)
        "tpu.region"() ({
          %run_scoped3A = tpu.sem_alloc : memref<!tpu.dma_semaphore, #tpu.memory_space<semaphore_mem>>
          %dma_start3A_302 = arith.constant 0 : i32
          %dma_start3A_303 = arith.constant 0 : i32
          %dma_start3A_304 = tpu.memref_slice %arg47[%dma_start3A_302, %dma_start3A_303] : memref<10000x128xf32, #tpu.memory_space<vmem_shared>> -> memref<10000x128xf32, #tpu.memory_space<vmem_shared>>
          tpu.enqueue_indirect_dma source(%arg43 : memref<80x128xf32, #tpu.memory_space<vmem>>) target(%dma_start3A_304 : memref<10000x128xf32, #tpu.memory_space<vmem_shared>>) offsets(%arg32 : memref<80xi32, #tpu.memory_space<vmem>>) semaphore(%run_scoped3A : memref<!tpu.dma_semaphore, #tpu.memory_space<semaphore_mem>>) {add = true}
          %dma_wait3A_305 = arith.constant 0 : i32
          %dma_wait3A_306 = arith.constant 0 : i32
          %dma_wait3A_307 = tpu.memref_slice %arg47[%dma_wait3A_305, %dma_wait3A_306] : memref<10000x128xf32, #tpu.memory_space<vmem_shared>> -> memref<10000x128xf32, #tpu.memory_space<vmem_shared>>
          tpu.wait_indirect_dma semaphore(%run_scoped3A : memref<!tpu.dma_semaphore, #tpu.memory_space<semaphore_mem>>) src(%arg43 : memref<80x128xf32, #tpu.memory_space<vmem>>) dst(%dma_wait3A_307 : memref<10000x128xf32, #tpu.memory_space<vmem_shared>>)
          tpu.yield
        }) : () -> ()
      } else {
      }
      %mul3A_268 = arith.constant 8 : i32
      %mul3A_269 = arith.muli %scan3A_82, %mul3A_268 : i32
      %add3A_270 = arith.constant 7 : i32
      %add3A_271 = arith.addi %mul3A_269, %add3A_270 : i32
      %add3A_272 = arith.constant 8 : i32
      %add3A_273 = arith.addi %add3A_271, %add3A_272 : i32
      %sub3A_274 = arith.constant 1 : i32
      %sub3A_275 = arith.subi %add3A_273, %sub3A_274 : i32
      %lt3A_276 = arith.constant 125 : i32
      %lt3A_277 = arith.cmpi slt, %sub3A_275, %lt3A_276 : i32
      %convert_element_type3A_278 = arith.extui %lt3A_277 : i1 to i32
      %cond3A_279 = arith.constant 0 : i32
      %cond3A_280 = arith.cmpi ne, %convert_element_type3A_278, %cond3A_279 : i32
      scf.if %cond3A_280 {
        %add3A_295 = arith.constant 8 : i32
        %add3A_296 = arith.addi %add3A_271, %add3A_295 : i32
        %sub3A_297 = arith.constant 1 : i32
        %sub3A_298 = arith.subi %add3A_296, %sub3A_297 : i32
        %mul3A_299 = arith.constant 80 : i32
        %mul3A_300 = arith.muli %sub3A_298, %mul3A_299 : i32
        %add3A_301 = arith.addi %mul3A_2, %mul3A_300 : i32
        %dma_start3A_302 = tpu.memref_slice %arg3[%add3A_301] : memref<320000xi32, #tpu.memory_space<hbm>> -> memref<80xi32, #tpu.memory_space<hbm>>
        %dma_start3A_303 = tpu.memref_slice %arg3[%add3A_301] : memref<320000xi32, #tpu.memory_space<hbm>> -> memref<80xi32, #tpu.memory_space<hbm>>
        tpu.enqueue_dma source(%dma_start3A_303 : memref<80xi32, #tpu.memory_space<hbm>>) target(%arg31 : memref<80xi32, #tpu.memory_space<vmem>>) target_semaphore(%arg33 : memref<!tpu.dma_semaphore, #tpu.memory_space<semaphore_mem>>)
        %dma_start3A_304 = tpu.memref_slice %arg4[%add3A_301] : memref<320000xi32, #tpu.memory_space<hbm>> -> memref<80xi32, #tpu.memory_space<hbm>>
        %dma_start3A_305 = tpu.memref_slice %arg4[%add3A_301] : memref<320000xi32, #tpu.memory_space<hbm>> -> memref<80xi32, #tpu.memory_space<hbm>>
        tpu.enqueue_dma source(%dma_start3A_305 : memref<80xi32, #tpu.memory_space<hbm>>) target(%arg32 : memref<80xi32, #tpu.memory_space<vmem>>) target_semaphore(%arg34 : memref<!tpu.dma_semaphore, #tpu.memory_space<semaphore_mem>>)
      } else {
      }
      %add3A_281 = arith.constant 4 : i32
      %add3A_282 = arith.addi %add3A_271, %add3A_281 : i32
      %sub3A_283 = arith.constant 1 : i32
      %sub3A_284 = arith.subi %add3A_282, %sub3A_283 : i32
      %lt3A_285 = arith.constant 125 : i32
      %lt3A_286 = arith.cmpi slt, %sub3A_284, %lt3A_285 : i32
      %convert_element_type3A_287 = arith.extui %lt3A_286 : i1 to i32
      %cond3A_288 = arith.constant 0 : i32
      %cond3A_289 = arith.cmpi ne, %convert_element_type3A_287, %cond3A_288 : i32
      scf.if %cond3A_289 {
        %dma_wait3A_295 = arith.constant 0 : i32
        %dma_wait3A_296 = tpu.memref_slice %arg3[%dma_wait3A_295] : memref<320000xi32, #tpu.memory_space<hbm>> -> memref<80xi32, #tpu.memory_space<hbm>>
        %dma_wait3A_297 = arith.constant 0 : i32
        %dma_wait3A_298 = tpu.memref_slice %arg3[%dma_wait3A_297] : memref<320000xi32, #tpu.memory_space<hbm>> -> memref<80xi32, #tpu.memory_space<hbm>>
        tpu.wait_dma2 semaphore(%arg17 : memref<!tpu.dma_semaphore, #tpu.memory_space<semaphore_mem>>) src(%dma_wait3A_298 : memref<80xi32, #tpu.memory_space<hbm>>) dst(%arg15 : memref<80xi32, #tpu.memory_space<vmem>>)
        %dma_start3A_299 = arith.constant 0 : i32
        %dma_start3A_300 = arith.constant 0 : i32
        %dma_start3A_301 = tpu.memref_slice %arg2[%dma_start3A_299, %dma_start3A_300] : memref<10000x128xf32, #tpu.memory_space<hbm>> -> memref<10000x128xf32, #tpu.memory_space<hbm>>
        tpu.enqueue_indirect_dma source(%dma_start3A_301 : memref<10000x128xf32, #tpu.memory_space<hbm>>) target(%arg43 : memref<80x128xf32, #tpu.memory_space<vmem>>) offsets(%arg15 : memref<80xi32, #tpu.memory_space<vmem>>) semaphore(%arg44 : memref<!tpu.dma_semaphore, #tpu.memory_space<semaphore_mem>>)
      } else {
      }
      %lt3A_290 = arith.constant 125 : i32
      %lt3A_291 = arith.cmpi slt, %add3A_271, %lt3A_290 : i32
      %convert_element_type3A_292 = arith.extui %lt3A_291 : i1 to i32
      %cond3A_293 = arith.constant 0 : i32
      %cond3A_294 = arith.cmpi ne, %convert_element_type3A_292, %cond3A_293 : i32
      scf.if %cond3A_294 {
        %dma_wait3A_295 = arith.constant 0 : i32
        %dma_wait3A_296 = arith.constant 0 : i32
        %dma_wait3A_297 = tpu.memref_slice %arg2[%dma_wait3A_295, %dma_wait3A_296] : memref<10000x128xf32, #tpu.memory_space<hbm>> -> memref<10000x128xf32, #tpu.memory_space<hbm>>
        tpu.wait_indirect_dma semaphore(%arg46 : memref<!tpu.dma_semaphore, #tpu.memory_space<semaphore_mem>>) src(%dma_wait3A_297 : memref<10000x128xf32, #tpu.memory_space<hbm>>) dst(%arg45 : memref<80x128xf32, #tpu.memory_space<vmem>>)
        %dma_wait3A_298 = arith.constant 0 : i32
        %dma_wait3A_299 = tpu.memref_slice %arg4[%dma_wait3A_298] : memref<320000xi32, #tpu.memory_space<hbm>> -> memref<80xi32, #tpu.memory_space<hbm>>
        %dma_wait3A_300 = arith.constant 0 : i32
        %dma_wait3A_301 = tpu.memref_slice %arg4[%dma_wait3A_300] : memref<320000xi32, #tpu.memory_space<hbm>> -> memref<80xi32, #tpu.memory_space<hbm>>
        tpu.wait_dma2 semaphore(%arg38 : memref<!tpu.dma_semaphore, #tpu.memory_space<semaphore_mem>>) src(%dma_wait3A_301 : memref<80xi32, #tpu.memory_space<hbm>>) dst(%arg36 : memref<80xi32, #tpu.memory_space<vmem>>)
        "tpu.region"() ({
          %run_scoped3A = tpu.sem_alloc : memref<!tpu.dma_semaphore, #tpu.memory_space<semaphore_mem>>
          %dma_start3A_302 = arith.constant 0 : i32
          %dma_start3A_303 = arith.constant 0 : i32
          %dma_start3A_304 = tpu.memref_slice %arg47[%dma_start3A_302, %dma_start3A_303] : memref<10000x128xf32, #tpu.memory_space<vmem_shared>> -> memref<10000x128xf32, #tpu.memory_space<vmem_shared>>
          tpu.enqueue_indirect_dma source(%arg45 : memref<80x128xf32, #tpu.memory_space<vmem>>) target(%dma_start3A_304 : memref<10000x128xf32, #tpu.memory_space<vmem_shared>>) offsets(%arg36 : memref<80xi32, #tpu.memory_space<vmem>>) semaphore(%run_scoped3A : memref<!tpu.dma_semaphore, #tpu.memory_space<semaphore_mem>>) {add = true}
          %dma_wait3A_305 = arith.constant 0 : i32
          %dma_wait3A_306 = arith.constant 0 : i32
          %dma_wait3A_307 = tpu.memref_slice %arg47[%dma_wait3A_305, %dma_wait3A_306] : memref<10000x128xf32, #tpu.memory_space<vmem_shared>> -> memref<10000x128xf32, #tpu.memory_space<vmem_shared>>
          tpu.wait_indirect_dma semaphore(%run_scoped3A : memref<!tpu.dma_semaphore, #tpu.memory_space<semaphore_mem>>) src(%arg45 : memref<80x128xf32, #tpu.memory_space<vmem>>) dst(%dma_wait3A_307 : memref<10000x128xf32, #tpu.memory_space<vmem_shared>>)
          tpu.yield
        }) : () -> ()
      } else {
      }
    }
    %scan3A_74 = arith.constant 16 : i32
    %barrier3A_75 = arith.constant 0 : index
    tpu.barrier barrier_id(%barrier3A_75)
    %scan3A_76 = arith.constant 0 : i32
    %scan3A_77 = arith.constant 0 : i32
    %scan3A_78 = arith.constant 8 : i32
    %scan3A_79 = arith.addi %scan3A_77, %scan3A_78 : i32
    %scan3A_80 = arith.constant 1 : i32
    scf.for %scan3A_82 = %scan3A_77 to %scan3A_79 step %scan3A_80  : i32 {
      %mul3A_83 = arith.constant 16 : i32
      %mul3A_84 = arith.muli %mul3A_83, %scan3A_82 : i32
      %add3A_85 = arith.addi %arg1, %mul3A_84 : i32
      %lt3A = arith.constant 125 : i32
      %lt3A_86 = arith.cmpi slt, %add3A_85, %lt3A : i32
      %convert_element_type3A = arith.extui %lt3A_86 : i1 to i32
      %cond3A = arith.constant 0 : i32
      %cond3A_87 = arith.cmpi ne, %convert_element_type3A, %cond3A : i32
      scf.if %cond3A_87 {
        %mul3A_88 = arith.constant 80 : i32
        %mul3A_89 = arith.muli %add3A_85, %mul3A_88 : i32
        "tpu.region"() ({
          %run_scoped3A = tpu.sem_alloc : memref<!tpu.dma_semaphore, #tpu.memory_space<semaphore_mem>>
          %dma_start3A_90 = arith.constant 0 : i32
          %dma_start3A_91 = arith.constant 0 : i32
          %dma_start3A_92 = tpu.memref_slice %arg39[%dma_start3A_90, %dma_start3A_91] : memref<80x128xf32, #tpu.memory_space<vmem>> -> memref<80x128xf32, #tpu.memory_space<vmem>>
          %dma_start3A_93 = arith.constant 0 : i32
          %dma_start3A_94 = tpu.memref_slice %arg47[%mul3A_89, %dma_start3A_93] : memref<10000x128xf32, #tpu.memory_space<vmem_shared>> -> memref<80x128xf32, #tpu.memory_space<vmem_shared>>
          %dma_start3A_95 = arith.constant 0 : i32
          %dma_start3A_96 = arith.constant 0 : i32
          %dma_start3A_97 = tpu.memref_slice %arg39[%dma_start3A_95, %dma_start3A_96] : memref<80x128xf32, #tpu.memory_space<vmem>> -> memref<80x128xf32, #tpu.memory_space<vmem>>
          %dma_start3A_98 = arith.constant 0 : i32
          %dma_start3A_99 = tpu.memref_slice %arg47[%mul3A_89, %dma_start3A_98] : memref<10000x128xf32, #tpu.memory_space<vmem_shared>> -> memref<80x128xf32, #tpu.memory_space<vmem_shared>>
          tpu.enqueue_dma source(%dma_start3A_99 : memref<80x128xf32, #tpu.memory_space<vmem_shared>>) target(%dma_start3A_97 : memref<80x128xf32, #tpu.memory_space<vmem>>) target_semaphore(%run_scoped3A : memref<!tpu.dma_semaphore, #tpu.memory_space<semaphore_mem>>)
          %dma_wait3A_100 = arith.constant 0 : i32
          %dma_wait3A_101 = arith.constant 0 : i32
          %dma_wait3A_102 = tpu.memref_slice %arg39[%dma_wait3A_100, %dma_wait3A_101] : memref<80x128xf32, #tpu.memory_space<vmem>> -> memref<80x128xf32, #tpu.memory_space<vmem>>
          %dma_wait3A_103 = arith.constant 0 : i32
          %dma_wait3A_104 = tpu.memref_slice %arg47[%mul3A_89, %dma_wait3A_103] : memref<10000x128xf32, #tpu.memory_space<vmem_shared>> -> memref<80x128xf32, #tpu.memory_space<vmem_shared>>
          %dma_wait3A_105 = arith.constant 0 : i32
          %dma_wait3A_106 = arith.constant 0 : i32
          %dma_wait3A_107 = tpu.memref_slice %arg39[%dma_wait3A_105, %dma_wait3A_106] : memref<80x128xf32, #tpu.memory_space<vmem>> -> memref<80x128xf32, #tpu.memory_space<vmem>>
          %dma_wait3A_108 = arith.constant 0 : i32
          %dma_wait3A_109 = tpu.memref_slice %arg47[%mul3A_89, %dma_wait3A_108] : memref<10000x128xf32, #tpu.memory_space<vmem_shared>> -> memref<80x128xf32, #tpu.memory_space<vmem_shared>>
          tpu.wait_dma2 semaphore(%run_scoped3A : memref<!tpu.dma_semaphore, #tpu.memory_space<semaphore_mem>>) src(%dma_wait3A_109 : memref<80x128xf32, #tpu.memory_space<vmem_shared>>) dst(%dma_wait3A_107 : memref<80x128xf32, #tpu.memory_space<vmem>>)
          tpu.yield
        }) : () -> ()
        "tpu.region"() ({
          %run_scoped3A = tpu.sem_alloc : memref<!tpu.dma_semaphore, #tpu.memory_space<semaphore_mem>>
          %dma_start3A_90 = arith.constant 0 : i32
          %dma_start3A_91 = arith.constant 0 : i32
          %dma_start3A_92 = tpu.memref_slice %arg39[%dma_start3A_90, %dma_start3A_91] : memref<80x128xf32, #tpu.memory_space<vmem>> -> memref<80x128xf32, #tpu.memory_space<vmem>>
          %dma_start3A_93 = arith.constant 0 : i32
          %dma_start3A_94 = tpu.memref_slice %arg6[%arg0, %mul3A_89, %dma_start3A_93] : memref<2x10000x128xf32, #tpu.memory_space<hbm>> -> memref<1x80x128xf32, #tpu.memory_space<hbm>>
          %dma_start3A_95 = tpu.memref_squeeze %dma_start3A_94 : memref<1x80x128xf32, #tpu.memory_space<hbm>> -> memref<80x128xf32, #tpu.memory_space<hbm>>
          %dma_start3A_96 = arith.constant 0 : i32
          %dma_start3A_97 = tpu.memref_slice %arg6[%arg0, %mul3A_89, %dma_start3A_96] : memref<2x10000x128xf32, #tpu.memory_space<hbm>> -> memref<1x80x128xf32, #tpu.memory_space<hbm>>
          %dma_start3A_98 = tpu.memref_squeeze %dma_start3A_97 : memref<1x80x128xf32, #tpu.memory_space<hbm>> -> memref<80x128xf32, #tpu.memory_space<hbm>>
          %dma_start3A_99 = arith.constant 0 : i32
          %dma_start3A_100 = arith.constant 0 : i32
          %dma_start3A_101 = tpu.memref_slice %arg39[%dma_start3A_99, %dma_start3A_100] : memref<80x128xf32, #tpu.memory_space<vmem>> -> memref<80x128xf32, #tpu.memory_space<vmem>>
          tpu.enqueue_dma source(%dma_start3A_101 : memref<80x128xf32, #tpu.memory_space<vmem>>) target(%dma_start3A_98 : memref<80x128xf32, #tpu.memory_space<hbm>>) target_semaphore(%run_scoped3A : memref<!tpu.dma_semaphore, #tpu.memory_space<semaphore_mem>>)
          %dma_wait3A_102 = arith.constant 0 : i32
          %dma_wait3A_103 = arith.constant 0 : i32
          %dma_wait3A_104 = tpu.memref_slice %arg39[%dma_wait3A_102, %dma_wait3A_103] : memref<80x128xf32, #tpu.memory_space<vmem>> -> memref<80x128xf32, #tpu.memory_space<vmem>>
          %dma_wait3A_105 = arith.constant 0 : i32
          %dma_wait3A_106 = tpu.memref_slice %arg6[%arg0, %mul3A_89, %dma_wait3A_105] : memref<2x10000x128xf32, #tpu.memory_space<hbm>> -> memref<1x80x128xf32, #tpu.memory_space<hbm>>
          %dma_wait3A_107 = tpu.memref_squeeze %dma_wait3A_106 : memref<1x80x128xf32, #tpu.memory_space<hbm>> -> memref<80x128xf32, #tpu.memory_space<hbm>>
          %dma_wait3A_108 = arith.constant 0 : i32
          %dma_wait3A_109 = tpu.memref_slice %arg6[%arg0, %mul3A_89, %dma_wait3A_108] : memref<2x10000x128xf32, #tpu.memory_space<hbm>> -> memref<1x80x128xf32, #tpu.memory_space<hbm>>
          %dma_wait3A_110 = tpu.memref_squeeze %dma_wait3A_109 : memref<1x80x128xf32, #tpu.memory_space<hbm>> -> memref<80x128xf32, #tpu.memory_space<hbm>>
          %dma_wait3A_111 = arith.constant 0 : i32
          %dma_wait3A_112 = arith.constant 0 : i32
          %dma_wait3A_113 = tpu.memref_slice %arg39[%dma_wait3A_111, %dma_wait3A_112] : memref<80x128xf32, #tpu.memory_space<vmem>> -> memref<80x128xf32, #tpu.memory_space<vmem>>
          tpu.wait_dma2 semaphore(%run_scoped3A : memref<!tpu.dma_semaphore, #tpu.memory_space<semaphore_mem>>) src(%dma_wait3A_113 : memref<80x128xf32, #tpu.memory_space<vmem>>) dst(%dma_wait3A_110 : memref<80x128xf32, #tpu.memory_space<hbm>>)
          tpu.yield
        }) : () -> ()
      } else {
      }
    }
    %scan3A_81 = arith.constant 8 : i32
    return
  }
}

#map = affine_map<(d0, d1) -> (0, 0)>
#map1 = affine_map<(d0, d1) -> (0)>
#map2 = affine_map<(d0, d1) -> (0, 0, 0)>
module attributes {stable_mosaic.version = 14 : i64} {
  func.func @seg(%arg0: i32, %arg1: i32, %arg2: memref<10000x128xf32, #tpu.memory_space<hbm>>, %arg3: memref<320000xi32, #tpu.memory_space<hbm>>, %arg4: memref<320000xi32, #tpu.memory_space<hbm>>, %arg5: memref<80x128xf32, #tpu.memory_space<hbm>>, %arg6: memref<2x10000x128xf32, #tpu.memory_space<hbm>>, %arg7: memref<80xi32, #tpu.memory_space<vmem>>, %arg8: memref<80xi32, #tpu.memory_space<vmem>>, %arg9: memref<!tpu.dma_semaphore, #tpu.memory_space<semaphore_mem>>, %arg10: memref<!tpu.dma_semaphore, #tpu.memory_space<semaphore_mem>>, %arg11: memref<80xi32, #tpu.memory_space<vmem>>, %arg12: memref<80xi32, #tpu.memory_space<vmem>>, %arg13: memref<!tpu.dma_semaphore, #tpu.memory_space<semaphore_mem>>, %arg14: memref<!tpu.dma_semaphore, #tpu.memory_space<semaphore_mem>>, %arg15: memref<80xi32, #tpu.memory_space<vmem>>, %arg16: memref<80xi32, #tpu.memory_space<vmem>>, %arg17: memref<!tpu.dma_semaphore, #tpu.memory_space<semaphore_mem>>, %arg18: memref<!tpu.dma_semaphore, #tpu.memory_space<semaphore_mem>>, %arg19: memref<80xi32, #tpu.memory_space<vmem>>, %arg20: memref<80xi32, #tpu.memory_space<vmem>>, %arg21: memref<!tpu.dma_semaphore, #tpu.memory_space<semaphore_mem>>, %arg22: memref<!tpu.dma_semaphore, #tpu.memory_space<semaphore_mem>>, %arg23: memref<80xi32, #tpu.memory_space<vmem>>, %arg24: memref<80xi32, #tpu.memory_space<vmem>>, %arg25: memref<!tpu.dma_semaphore, #tpu.memory_space<semaphore_mem>>, %arg26: memref<!tpu.dma_semaphore, #tpu.memory_space<semaphore_mem>>, %arg27: memref<80xi32, #tpu.memory_space<vmem>>, %arg28: memref<80xi32, #tpu.memory_space<vmem>>, %arg29: memref<!tpu.dma_semaphore, #tpu.memory_space<semaphore_mem>>, %arg30: memref<!tpu.dma_semaphore, #tpu.memory_space<semaphore_mem>>, %arg31: memref<80xi32, #tpu.memory_space<vmem>>, %arg32: memref<80xi32, #tpu.memory_space<vmem>>, %arg33: memref<!tpu.dma_semaphore, #tpu.memory_space<semaphore_mem>>, %arg34: memref<!tpu.dma_semaphore, #tpu.memory_space<semaphore_mem>>, %arg35: memref<80xi32, #tpu.memory_space<vmem>>, %arg36: memref<80xi32, #tpu.memory_space<vmem>>, %arg37: memref<!tpu.dma_semaphore, #tpu.memory_space<semaphore_mem>>, %arg38: memref<!tpu.dma_semaphore, #tpu.memory_space<semaphore_mem>>, %arg39: memref<80x128xf32, #tpu.memory_space<vmem>>, %arg40: memref<!tpu.dma_semaphore, #tpu.memory_space<semaphore_mem>>, %arg41: memref<80x128xf32, #tpu.memory_space<vmem>>, %arg42: memref<!tpu.dma_semaphore, #tpu.memory_space<semaphore_mem>>, %arg43: memref<80x128xf32, #tpu.memory_space<vmem>>, %arg44: memref<!tpu.dma_semaphore, #tpu.memory_space<semaphore_mem>>, %arg45: memref<80x128xf32, #tpu.memory_space<vmem>>, %arg46: memref<!tpu.dma_semaphore, #tpu.memory_space<semaphore_mem>>, %arg47: memref<10000x128xf32, #tpu.memory_space<vmem_shared>>) attributes {dimension_semantics = [#tpu.dimension_semantics<core_parallel>, #tpu.dimension_semantics<subcore_parallel>], iteration_bounds = array<i64: 2, 16>, scalar_prefetch = 0 : i64, scratch_operands = 41 : i64, tpu.core_type = #tpu.core_type<sc_vector_subcore>, window_params = [{transform_indices = #map}, {transform_indices = #map1}, {transform_indices = #map1}, {transform_indices = #map}, {transform_indices = #map2}]} {
    %mul3A = arith.constant 2 : i32
    %mul3A_0 = arith.muli %arg1, %mul3A : i32
    %add3A = arith.addi %mul3A_0, %arg0 : i32
    %mul3A_1 = arith.constant 10000 : i32
    %mul3A_2 = arith.muli %add3A, %mul3A_1 : i32
    %add3A_3 = arith.constant 0 : i32
    %add3A_4 = arith.addi %mul3A_2, %add3A_3 : i32
    %dma_start3A = tpu.memref_slice %arg3[%add3A_4] : memref<320000xi32, #tpu.memory_space<hbm>> -> memref<80xi32, #tpu.memory_space<hbm>>
    %dma_start3A_5 = tpu.memref_slice %arg3[%add3A_4] : memref<320000xi32, #tpu.memory_space<hbm>> -> memref<80xi32, #tpu.memory_space<hbm>>
    tpu.enqueue_dma source(%dma_start3A_5 : memref<80xi32, #tpu.memory_space<hbm>>) target(%arg7 : memref<80xi32, #tpu.memory_space<vmem>>) target_semaphore(%arg9 : memref<!tpu.dma_semaphore, #tpu.memory_space<semaphore_mem>>)
    %dma_start3A_6 = tpu.memref_slice %arg4[%add3A_4] : memref<320000xi32, #tpu.memory_space<hbm>> -> memref<80xi32, #tpu.memory_space<hbm>>
    %dma_start3A_7 = tpu.memref_slice %arg4[%add3A_4] : memref<320000xi32, #tpu.memory_space<hbm>> -> memref<80xi32, #tpu.memory_space<hbm>>
    tpu.enqueue_dma source(%dma_start3A_7 : memref<80xi32, #tpu.memory_space<hbm>>) target(%arg8 : memref<80xi32, #tpu.memory_space<vmem>>) target_semaphore(%arg10 : memref<!tpu.dma_semaphore, #tpu.memory_space<semaphore_mem>>)
    %add3A_8 = arith.constant 80 : i32
    %add3A_9 = arith.addi %mul3A_2, %add3A_8 : i32
    %dma_start3A_10 = tpu.memref_slice %arg3[%add3A_9] : memref<320000xi32, #tpu.memory_space<hbm>> -> memref<80xi32, #tpu.memory_space<hbm>>
    %dma_start3A_11 = tpu.memref_slice %arg3[%add3A_9] : memref<320000xi32, #tpu.memory_space<hbm>> -> memref<80xi32, #tpu.memory_space<hbm>>
    tpu.enqueue_dma source(%dma_start3A_11 : memref<80xi32, #tpu.memory_space<hbm>>) target(%arg11 : memref<80xi32, #tpu.memory_space<vmem>>) target_semaphore(%arg13 : memref<!tpu.dma_semaphore, #tpu.memory_space<semaphore_mem>>)
    %dma_start3A_12 = tpu.memref_slice %arg4[%add3A_9] : memref<320000xi32, #tpu.memory_space<hbm>> -> memref<80xi32, #tpu.memory_space<hbm>>
    %dma_start3A_13 = tpu.memref_slice %arg4[%add3A_9] : memref<320000xi32, #tpu.memory_space<hbm>> -> memref<80xi32, #tpu.memory_space<hbm>>
    tpu.enqueue_dma source(%dma_start3A_13 : memref<80xi32, #tpu.memory_space<hbm>>) target(%arg12 : memref<80xi32, #tpu.memory_space<vmem>>) target_semaphore(%arg14 : memref<!tpu.dma_semaphore, #tpu.memory_space<semaphore_mem>>)
    %add3A_14 = arith.constant 160 : i32
    %add3A_15 = arith.addi %mul3A_2, %add3A_14 : i32
    %dma_start3A_16 = tpu.memref_slice %arg3[%add3A_15] : memref<320000xi32, #tpu.memory_space<hbm>> -> memref<80xi32, #tpu.memory_space<hbm>>
    %dma_start3A_17 = tpu.memref_slice %arg3[%add3A_15] : memref<320000xi32, #tpu.memory_space<hbm>> -> memref<80xi32, #tpu.memory_space<hbm>>
    tpu.enqueue_dma source(%dma_start3A_17 : memref<80xi32, #tpu.memory_space<hbm>>) target(%arg15 : memref<80xi32, #tpu.memory_space<vmem>>) target_semaphore(%arg17 : memref<!tpu.dma_semaphore, #tpu.memory_space<semaphore_mem>>)
    %dma_start3A_18 = tpu.memref_slice %arg4[%add3A_15] : memref<320000xi32, #tpu.memory_space<hbm>> -> memref<80xi32, #tpu.memory_space<hbm>>
    %dma_start3A_19 = tpu.memref_slice %arg4[%add3A_15] : memref<320000xi32, #tpu.memory_space<hbm>> -> memref<80xi32, #tpu.memory_space<hbm>>
    tpu.enqueue_dma source(%dma_start3A_19 : memref<80xi32, #tpu.memory_space<hbm>>) target(%arg16 : memref<80xi32, #tpu.memory_space<vmem>>) target_semaphore(%arg18 : memref<!tpu.dma_semaphore, #tpu.memory_space<semaphore_mem>>)
    %add3A_20 = arith.constant 240 : i32
    %add3A_21 = arith.addi %mul3A_2, %add3A_20 : i32
    %dma_start3A_22 = tpu.memref_slice %arg3[%add3A_21] : memref<320000xi32, #tpu.memory_space<hbm>> -> memref<80xi32, #tpu.memory_space<hbm>>
    %dma_start3A_23 = tpu.memref_slice %arg3[%add3A_21] : memref<320000xi32, #tpu.memory_space<hbm>> -> memref<80xi32, #tpu.memory_space<hbm>>
    tpu.enqueue_dma source(%dma_start3A_23 : memref<80xi32, #tpu.memory_space<hbm>>) target(%arg19 : memref<80xi32, #tpu.memory_space<vmem>>) target_semaphore(%arg21 : memref<!tpu.dma_semaphore, #tpu.memory_space<semaphore_mem>>)
    %dma_start3A_24 = tpu.memref_slice %arg4[%add3A_21] : memref<320000xi32, #tpu.memory_space<hbm>> -> memref<80xi32, #tpu.memory_space<hbm>>
    %dma_start3A_25 = tpu.memref_slice %arg4[%add3A_21] : memref<320000xi32, #tpu.memory_space<hbm>> -> memref<80xi32, #tpu.memory_space<hbm>>
    tpu.enqueue_dma source(%dma_start3A_25 : memref<80xi32, #tpu.memory_space<hbm>>) target(%arg20 : memref<80xi32, #tpu.memory_space<vmem>>) target_semaphore(%arg22 : memref<!tpu.dma_semaphore, #tpu.memory_space<semaphore_mem>>)
    %add3A_26 = arith.constant 320 : i32
    %add3A_27 = arith.addi %mul3A_2, %add3A_26 : i32
    %dma_start3A_28 = tpu.memref_slice %arg3[%add3A_27] : memref<320000xi32, #tpu.memory_space<hbm>> -> memref<80xi32, #tpu.memory_space<hbm>>
    %dma_start3A_29 = tpu.memref_slice %arg3[%add3A_27] : memref<320000xi32, #tpu.memory_space<hbm>> -> memref<80xi32, #tpu.memory_space<hbm>>
    tpu.enqueue_dma source(%dma_start3A_29 : memref<80xi32, #tpu.memory_space<hbm>>) target(%arg23 : memref<80xi32, #tpu.memory_space<vmem>>) target_semaphore(%arg25 : memref<!tpu.dma_semaphore, #tpu.memory_space<semaphore_mem>>)
    %dma_start3A_30 = tpu.memref_slice %arg4[%add3A_27] : memref<320000xi32, #tpu.memory_space<hbm>> -> memref<80xi32, #tpu.memory_space<hbm>>
    %dma_start3A_31 = tpu.memref_slice %arg4[%add3A_27] : memref<320000xi32, #tpu.memory_space<hbm>> -> memref<80xi32, #tpu.memory_space<hbm>>
    tpu.enqueue_dma source(%dma_start3A_31 : memref<80xi32, #tpu.memory_space<hbm>>) target(%arg24 : memref<80xi32, #tpu.memory_space<vmem>>) target_semaphore(%arg26 : memref<!tpu.dma_semaphore, #tpu.memory_space<semaphore_mem>>)
    %add3A_32 = arith.constant 400 : i32
    %add3A_33 = arith.addi %mul3A_2, %add3A_32 : i32
    %dma_start3A_34 = tpu.memref_slice %arg3[%add3A_33] : memref<320000xi32, #tpu.memory_space<hbm>> -> memref<80xi32, #tpu.memory_space<hbm>>
    %dma_start3A_35 = tpu.memref_slice %arg3[%add3A_33] : memref<320000xi32, #tpu.memory_space<hbm>> -> memref<80xi32, #tpu.memory_space<hbm>>
    tpu.enqueue_dma source(%dma_start3A_35 : memref<80xi32, #tpu.memory_space<hbm>>) target(%arg27 : memref<80xi32, #tpu.memory_space<vmem>>) target_semaphore(%arg29 : memref<!tpu.dma_semaphore, #tpu.memory_space<semaphore_mem>>)
    %dma_start3A_36 = tpu.memref_slice %arg4[%add3A_33] : memref<320000xi32, #tpu.memory_space<hbm>> -> memref<80xi32, #tpu.memory_space<hbm>>
    %dma_start3A_37 = tpu.memref_slice %arg4[%add3A_33] : memref<320000xi32, #tpu.memory_space<hbm>> -> memref<80xi32, #tpu.memory_space<hbm>>
    tpu.enqueue_dma source(%dma_start3A_37 : memref<80xi32, #tpu.memory_space<hbm>>) target(%arg28 : memref<80xi32, #tpu.memory_space<vmem>>) target_semaphore(%arg30 : memref<!tpu.dma_semaphore, #tpu.memory_space<semaphore_mem>>)
    %add3A_38 = arith.constant 480 : i32
    %add3A_39 = arith.addi %mul3A_2, %add3A_38 : i32
    %dma_start3A_40 = tpu.memref_slice %arg3[%add3A_39] : memref<320000xi32, #tpu.memory_space<hbm>> -> memref<80xi32, #tpu.memory_space<hbm>>
    %dma_start3A_41 = tpu.memref_slice %arg3[%add3A_39] : memref<320000xi32, #tpu.memory_space<hbm>> -> memref<80xi32, #tpu.memory_space<hbm>>
    tpu.enqueue_dma source(%dma_start3A_41 : memref<80xi32, #tpu.memory_space<hbm>>) target(%arg31 : memref<80xi32, #tpu.memory_space<vmem>>) target_semaphore(%arg33 : memref<!tpu.dma_semaphore, #tpu.memory_space<semaphore_mem>>)
    %dma_start3A_42 = tpu.memref_slice %arg4[%add3A_39] : memref<320000xi32, #tpu.memory_space<hbm>> -> memref<80xi32, #tpu.memory_space<hbm>>
    %dma_start3A_43 = tpu.memref_slice %arg4[%add3A_39] : memref<320000xi32, #tpu.memory_space<hbm>> -> memref<80xi32, #tpu.memory_space<hbm>>
    tpu.enqueue_dma source(%dma_start3A_43 : memref<80xi32, #tpu.memory_space<hbm>>) target(%arg32 : memref<80xi32, #tpu.memory_space<vmem>>) target_semaphore(%arg34 : memref<!tpu.dma_semaphore, #tpu.memory_space<semaphore_mem>>)
    "tpu.region"() ({
      %run_scoped3A = tpu.sem_alloc : memref<!tpu.dma_semaphore, #tpu.memory_space<semaphore_mem>>
      %dma_start3A_82 = arith.constant 0 : i32
      %dma_start3A_83 = arith.constant 0 : i32
      %dma_start3A_84 = tpu.memref_slice %arg39[%dma_start3A_82, %dma_start3A_83] : memref<80x128xf32, #tpu.memory_space<vmem>> -> memref<80x128xf32, #tpu.memory_space<vmem>>
      %dma_start3A_85 = arith.constant 0 : i32
      %dma_start3A_86 = arith.constant 0 : i32
      %dma_start3A_87 = tpu.memref_slice %arg39[%dma_start3A_85, %dma_start3A_86] : memref<80x128xf32, #tpu.memory_space<vmem>> -> memref<80x128xf32, #tpu.memory_space<vmem>>
      tpu.enqueue_dma source(%arg5 : memref<80x128xf32, #tpu.memory_space<hbm>>) target(%dma_start3A_87 : memref<80x128xf32, #tpu.memory_space<vmem>>) target_semaphore(%run_scoped3A : memref<!tpu.dma_semaphore, #tpu.memory_space<semaphore_mem>>)
      %dma_wait3A_88 = arith.constant 0 : i32
      %dma_wait3A_89 = arith.constant 0 : i32
      %dma_wait3A_90 = tpu.memref_slice %arg39[%dma_wait3A_88, %dma_wait3A_89] : memref<80x128xf32, #tpu.memory_space<vmem>> -> memref<80x128xf32, #tpu.memory_space<vmem>>
      %dma_wait3A_91 = arith.constant 0 : i32
      %dma_wait3A_92 = arith.constant 0 : i32
      %dma_wait3A_93 = tpu.memref_slice %arg39[%dma_wait3A_91, %dma_wait3A_92] : memref<80x128xf32, #tpu.memory_space<vmem>> -> memref<80x128xf32, #tpu.memory_space<vmem>>
      tpu.wait_dma2 semaphore(%run_scoped3A : memref<!tpu.dma_semaphore, #tpu.memory_space<semaphore_mem>>) src(%arg5 : memref<80x128xf32, #tpu.memory_space<hbm>>) dst(%dma_wait3A_93 : memref<80x128xf32, #tpu.memory_space<vmem>>)
      tpu.yield
    }) : () -> ()
    %scan3A = arith.constant 0 : i32
    %scan3A_44 = arith.constant 0 : i32
    %scan3A_45 = arith.constant 8 : i32
    %scan3A_46 = arith.addi %scan3A_44, %scan3A_45 : i32
    %scan3A_47 = arith.constant 1 : i32
    scf.for %scan3A_82 = %scan3A_44 to %scan3A_46 step %scan3A_47  : i32 {
      %mul3A_83 = arith.constant 16 : i32
      %mul3A_84 = arith.muli %mul3A_83, %scan3A_82 : i32
      %add3A_85 = arith.addi %arg1, %mul3A_84 : i32
      %lt3A = arith.constant 125 : i32
      %lt3A_86 = arith.cmpi slt, %add3A_85, %lt3A : i32
      %convert_element_type3A = arith.extui %lt3A_86 : i1 to i32
      %cond3A = arith.constant 0 : i32
      %cond3A_87 = arith.cmpi ne, %convert_element_type3A, %cond3A : i32
      scf.if %cond3A_87 {
        %mul3A_88 = arith.constant 80 : i32
        %mul3A_89 = arith.muli %add3A_85, %mul3A_88 : i32
        "tpu.region"() ({
          %run_scoped3A = tpu.sem_alloc : memref<!tpu.dma_semaphore, #tpu.memory_space<semaphore_mem>>
          %dma_start3A_90 = arith.constant 0 : i32
          %dma_start3A_91 = arith.constant 0 : i32
          %dma_start3A_92 = tpu.memref_slice %arg39[%dma_start3A_90, %dma_start3A_91] : memref<80x128xf32, #tpu.memory_space<vmem>> -> memref<80x128xf32, #tpu.memory_space<vmem>>
          %dma_start3A_93 = arith.constant 0 : i32
          %dma_start3A_94 = tpu.memref_slice %arg47[%mul3A_89, %dma_start3A_93] : memref<10000x128xf32, #tpu.memory_space<vmem_shared>> -> memref<80x128xf32, #tpu.memory_space<vmem_shared>>
          %dma_start3A_95 = arith.constant 0 : i32
          %dma_start3A_96 = tpu.memref_slice %arg47[%mul3A_89, %dma_start3A_95] : memref<10000x128xf32, #tpu.memory_space<vmem_shared>> -> memref<80x128xf32, #tpu.memory_space<vmem_shared>>
          %dma_start3A_97 = arith.constant 0 : i32
          %dma_start3A_98 = arith.constant 0 : i32
          %dma_start3A_99 = tpu.memref_slice %arg39[%dma_start3A_97, %dma_start3A_98] : memref<80x128xf32, #tpu.memory_space<vmem>> -> memref<80x128xf32, #tpu.memory_space<vmem>>
          tpu.enqueue_dma source(%dma_start3A_99 : memref<80x128xf32, #tpu.memory_space<vmem>>) target(%dma_start3A_96 : memref<80x128xf32, #tpu.memory_space<vmem_shared>>) target_semaphore(%run_scoped3A : memref<!tpu.dma_semaphore, #tpu.memory_space<semaphore_mem>>)
          %dma_wait3A_100 = arith.constant 0 : i32
          %dma_wait3A_101 = arith.constant 0 : i32
          %dma_wait3A_102 = tpu.memref_slice %arg39[%dma_wait3A_100, %dma_wait3A_101] : memref<80x128xf32, #tpu.memory_space<vmem>> -> memref<80x128xf32, #tpu.memory_space<vmem>>
          %dma_wait3A_103 = arith.constant 0 : i32
          %dma_wait3A_104 = tpu.memref_slice %arg47[%mul3A_89, %dma_wait3A_103] : memref<10000x128xf32, #tpu.memory_space<vmem_shared>> -> memref<80x128xf32, #tpu.memory_space<vmem_shared>>
          %dma_wait3A_105 = arith.constant 0 : i32
          %dma_wait3A_106 = tpu.memref_slice %arg47[%mul3A_89, %dma_wait3A_105] : memref<10000x128xf32, #tpu.memory_space<vmem_shared>> -> memref<80x128xf32, #tpu.memory_space<vmem_shared>>
          %dma_wait3A_107 = arith.constant 0 : i32
          %dma_wait3A_108 = arith.constant 0 : i32
          %dma_wait3A_109 = tpu.memref_slice %arg39[%dma_wait3A_107, %dma_wait3A_108] : memref<80x128xf32, #tpu.memory_space<vmem>> -> memref<80x128xf32, #tpu.memory_space<vmem>>
          tpu.wait_dma2 semaphore(%run_scoped3A : memref<!tpu.dma_semaphore, #tpu.memory_space<semaphore_mem>>) src(%dma_wait3A_109 : memref<80x128xf32, #tpu.memory_space<vmem>>) dst(%dma_wait3A_106 : memref<80x128xf32, #tpu.memory_space<vmem_shared>>)
          tpu.yield
        }) : () -> ()
      } else {
      }
    }
    %scan3A_48 = arith.constant 8 : i32
    %dma_wait3A = arith.constant 0 : i32
    %dma_wait3A_49 = tpu.memref_slice %arg3[%dma_wait3A] : memref<320000xi32, #tpu.memory_space<hbm>> -> memref<80xi32, #tpu.memory_space<hbm>>
    %dma_wait3A_50 = arith.constant 0 : i32
    %dma_wait3A_51 = tpu.memref_slice %arg3[%dma_wait3A_50] : memref<320000xi32, #tpu.memory_space<hbm>> -> memref<80xi32, #tpu.memory_space<hbm>>
    tpu.wait_dma2 semaphore(%arg9 : memref<!tpu.dma_semaphore, #tpu.memory_space<semaphore_mem>>) src(%dma_wait3A_51 : memref<80xi32, #tpu.memory_space<hbm>>) dst(%arg7 : memref<80xi32, #tpu.memory_space<vmem>>)
    %dma_start3A_52 = arith.constant 0 : i32
    %dma_start3A_53 = arith.constant 0 : i32
    %dma_start3A_54 = tpu.memref_slice %arg2[%dma_start3A_52, %dma_start3A_53] : memref<10000x128xf32, #tpu.memory_space<hbm>> -> memref<10000x128xf32, #tpu.memory_space<hbm>>
    tpu.enqueue_indirect_dma source(%dma_start3A_54 : memref<10000x128xf32, #tpu.memory_space<hbm>>) target(%arg39 : memref<80x128xf32, #tpu.memory_space<vmem>>) offsets(%arg7 : memref<80xi32, #tpu.memory_space<vmem>>) semaphore(%arg40 : memref<!tpu.dma_semaphore, #tpu.memory_space<semaphore_mem>>)
    %dma_wait3A_55 = arith.constant 0 : i32
    %dma_wait3A_56 = tpu.memref_slice %arg3[%dma_wait3A_55] : memref<320000xi32, #tpu.memory_space<hbm>> -> memref<80xi32, #tpu.memory_space<hbm>>
    %dma_wait3A_57 = arith.constant 0 : i32
    %dma_wait3A_58 = tpu.memref_slice %arg3[%dma_wait3A_57] : memref<320000xi32, #tpu.memory_space<hbm>> -> memref<80xi32, #tpu.memory_space<hbm>>
    tpu.wait_dma2 semaphore(%arg13 : memref<!tpu.dma_semaphore, #tpu.memory_space<semaphore_mem>>) src(%dma_wait3A_58 : memref<80xi32, #tpu.memory_space<hbm>>) dst(%arg11 : memref<80xi32, #tpu.memory_space<vmem>>)
    %dma_start3A_59 = arith.constant 0 : i32
    %dma_start3A_60 = arith.constant 0 : i32
    %dma_start3A_61 = tpu.memref_slice %arg2[%dma_start3A_59, %dma_start3A_60] : memref<10000x128xf32, #tpu.memory_space<hbm>> -> memref<10000x128xf32, #tpu.memory_space<hbm>>
    tpu.enqueue_indirect_dma source(%dma_start3A_61 : memref<10000x128xf32, #tpu.memory_space<hbm>>) target(%arg41 : memref<80x128xf32, #tpu.memory_space<vmem>>) offsets(%arg11 : memref<80xi32, #tpu.memory_space<vmem>>) semaphore(%arg42 : memref<!tpu.dma_semaphore, #tpu.memory_space<semaphore_mem>>)
    %dma_wait3A_62 = arith.constant 0 : i32
    %dma_wait3A_63 = tpu.memref_slice %arg3[%dma_wait3A_62] : memref<320000xi32, #tpu.memory_space<hbm>> -> memref<80xi32, #tpu.memory_space<hbm>>
    %dma_wait3A_64 = arith.constant 0 : i32
    %dma_wait3A_65 = tpu.memref_slice %arg3[%dma_wait3A_64] : memref<320000xi32, #tpu.memory_space<hbm>> -> memref<80xi32, #tpu.memory_space<hbm>>
    tpu.wait_dma2 semaphore(%arg17 : memref<!tpu.dma_semaphore, #tpu.memory_space<semaphore_mem>>) src(%dma_wait3A_65 : memref<80xi32, #tpu.memory_space<hbm>>) dst(%arg15 : memref<80xi32, #tpu.memory_space<vmem>>)
    %dma_start3A_66 = arith.constant 0 : i32
    %dma_start3A_67 = arith.constant 0 : i32
    %dma_start3A_68 = tpu.memref_slice %arg2[%dma_start3A_66, %dma_start3A_67] : memref<10000x128xf32, #tpu.memory_space<hbm>> -> memref<10000x128xf32, #tpu.memory_space<hbm>>
    tpu.enqueue_indirect_dma source(%dma_start3A_68 : memref<10000x128xf32, #tpu.memory_space<hbm>>) target(%arg43 : memref<80x128xf32, #tpu.memory_space<vmem>>) offsets(%arg15 : memref<80xi32, #tpu.memory_space<vmem>>) semaphore(%arg44 : memref<!tpu.dma_semaphore, #tpu.memory_space<semaphore_mem>>)
    %barrier3A = arith.constant 0 : index
    tpu.barrier barrier_id(%barrier3A)
    %scan3A_69 = arith.constant 0 : i32
    %scan3A_70 = arith.constant 0 : i32
    %scan3A_71 = arith.constant 16 : i32
    %scan3A_72 = arith.addi %scan3A_70, %scan3A_71 : i32
    %scan3A_73 = arith.constant 1 : i32
    scf.for %scan3A_82 = %scan3A_70 to %scan3A_72 step %scan3A_73  : i32 {
      %mul3A_83 = arith.constant 8 : i32
      %mul3A_84 = arith.muli %scan3A_82, %mul3A_83 : i32
      %add3A_85 = arith.constant 0 : i32
      %add3A_86 = arith.addi %mul3A_84, %add3A_85 : i32
      %add3A_87 = arith.constant 8 : i32
      %add3A_88 = arith.addi %add3A_86, %add3A_87 : i32
      %sub3A = arith.constant 1 : i32
      %sub3A_89 = arith.subi %add3A_88, %sub3A : i32
      %lt3A = arith.constant 125 : i32
      %lt3A_90 = arith.cmpi slt, %sub3A_89, %lt3A : i32
      %convert_element_type3A = arith.extui %lt3A_90 : i1 to i32
      %cond3A = arith.constant 0 : i32
      %cond3A_91 = arith.cmpi ne, %convert_element_type3A, %cond3A : i32
      scf.if %cond3A_91 {
        %add3A_295 = arith.constant 8 : i32
        %add3A_296 = arith.addi %add3A_86, %add3A_295 : i32
        %sub3A_297 = arith.constant 1 : i32
        %sub3A_298 = arith.subi %add3A_296, %sub3A_297 : i32
        %mul3A_299 = arith.constant 80 : i32
        %mul3A_300 = arith.muli %sub3A_298, %mul3A_299 : i32
        %add3A_301 = arith.addi %mul3A_2, %mul3A_300 : i32
        %dma_start3A_302 = tpu.memref_slice %arg3[%add3A_301] : memref<320000xi32, #tpu.memory_space<hbm>> -> memref<80xi32, #tpu.memory_space<hbm>>
        %dma_start3A_303 = tpu.memref_slice %arg3[%add3A_301] : memref<320000xi32, #tpu.memory_space<hbm>> -> memref<80xi32, #tpu.memory_space<hbm>>
        tpu.enqueue_dma source(%dma_start3A_303 : memref<80xi32, #tpu.memory_space<hbm>>) target(%arg35 : memref<80xi32, #tpu.memory_space<vmem>>) target_semaphore(%arg37 : memref<!tpu.dma_semaphore, #tpu.memory_space<semaphore_mem>>)
        %dma_start3A_304 = tpu.memref_slice %arg4[%add3A_301] : memref<320000xi32, #tpu.memory_space<hbm>> -> memref<80xi32, #tpu.memory_space<hbm>>
        %dma_start3A_305 = tpu.memref_slice %arg4[%add3A_301] : memref<320000xi32, #tpu.memory_space<hbm>> -> memref<80xi32, #tpu.memory_space<hbm>>
        tpu.enqueue_dma source(%dma_start3A_305 : memref<80xi32, #tpu.memory_space<hbm>>) target(%arg36 : memref<80xi32, #tpu.memory_space<vmem>>) target_semaphore(%arg38 : memref<!tpu.dma_semaphore, #tpu.memory_space<semaphore_mem>>)
      } else {
      }
      %add3A_92 = arith.constant 4 : i32
      %add3A_93 = arith.addi %add3A_86, %add3A_92 : i32
      %sub3A_94 = arith.constant 1 : i32
      %sub3A_95 = arith.subi %add3A_93, %sub3A_94 : i32
      %lt3A_96 = arith.constant 125 : i32
      %lt3A_97 = arith.cmpi slt, %sub3A_95, %lt3A_96 : i32
      %convert_element_type3A_98 = arith.extui %lt3A_97 : i1 to i32
      %cond3A_99 = arith.constant 0 : i32
      %cond3A_100 = arith.cmpi ne, %convert_element_type3A_98, %cond3A_99 : i32
      scf.if %cond3A_100 {
        %dma_wait3A_295 = arith.constant 0 : i32
        %dma_wait3A_296 = tpu.memref_slice %arg3[%dma_wait3A_295] : memref<320000xi32, #tpu.memory_space<hbm>> -> memref<80xi32, #tpu.memory_space<hbm>>
        %dma_wait3A_297 = arith.constant 0 : i32
        %dma_wait3A_298 = tpu.memref_slice %arg3[%dma_wait3A_297] : memref<320000xi32, #tpu.memory_space<hbm>> -> memref<80xi32, #tpu.memory_space<hbm>>
        tpu.wait_dma2 semaphore(%arg21 : memref<!tpu.dma_semaphore, #tpu.memory_space<semaphore_mem>>) src(%dma_wait3A_298 : memref<80xi32, #tpu.memory_space<hbm>>) dst(%arg19 : memref<80xi32, #tpu.memory_space<vmem>>)
        %dma_start3A_299 = arith.constant 0 : i32
        %dma_start3A_300 = arith.constant 0 : i32
        %dma_start3A_301 = tpu.memref_slice %arg2[%dma_start3A_299, %dma_start3A_300] : memref<10000x128xf32, #tpu.memory_space<hbm>> -> memref<10000x128xf32, #tpu.memory_space<hbm>>
        tpu.enqueue_indirect_dma source(%dma_start3A_301 : memref<10000x128xf32, #tpu.memory_space<hbm>>) target(%arg45 : memref<80x128xf32, #tpu.memory_space<vmem>>) offsets(%arg19 : memref<80xi32, #tpu.memory_space<vmem>>) semaphore(%arg46 : memref<!tpu.dma_semaphore, #tpu.memory_space<semaphore_mem>>)
      } else {
      }
      %lt3A_101 = arith.constant 125 : i32
      %lt3A_102 = arith.cmpi slt, %add3A_86, %lt3A_101 : i32
      %convert_element_type3A_103 = arith.extui %lt3A_102 : i1 to i32
      %cond3A_104 = arith.constant 0 : i32
      %cond3A_105 = arith.cmpi ne, %convert_element_type3A_103, %cond3A_104 : i32
      scf.if %cond3A_105 {
        %dma_wait3A_295 = arith.constant 0 : i32
        %dma_wait3A_296 = arith.constant 0 : i32
        %dma_wait3A_297 = tpu.memref_slice %arg2[%dma_wait3A_295, %dma_wait3A_296] : memref<10000x128xf32, #tpu.memory_space<hbm>> -> memref<10000x128xf32, #tpu.memory_space<hbm>>
        tpu.wait_indirect_dma semaphore(%arg40 : memref<!tpu.dma_semaphore, #tpu.memory_space<semaphore_mem>>) src(%dma_wait3A_297 : memref<10000x128xf32, #tpu.memory_space<hbm>>) dst(%arg39 : memref<80x128xf32, #tpu.memory_space<vmem>>)
        %dma_wait3A_298 = arith.constant 0 : i32
        %dma_wait3A_299 = tpu.memref_slice %arg4[%dma_wait3A_298] : memref<320000xi32, #tpu.memory_space<hbm>> -> memref<80xi32, #tpu.memory_space<hbm>>
        %dma_wait3A_300 = arith.constant 0 : i32
        %dma_wait3A_301 = tpu.memref_slice %arg4[%dma_wait3A_300] : memref<320000xi32, #tpu.memory_space<hbm>> -> memref<80xi32, #tpu.memory_space<hbm>>
        tpu.wait_dma2 semaphore(%arg10 : memref<!tpu.dma_semaphore, #tpu.memory_space<semaphore_mem>>) src(%dma_wait3A_301 : memref<80xi32, #tpu.memory_space<hbm>>) dst(%arg8 : memref<80xi32, #tpu.memory_space<vmem>>)
        "tpu.region"() ({
          %run_scoped3A = tpu.sem_alloc : memref<!tpu.dma_semaphore, #tpu.memory_space<semaphore_mem>>
          %dma_start3A_302 = arith.constant 0 : i32
          %dma_start3A_303 = arith.constant 0 : i32
          %dma_start3A_304 = tpu.memref_slice %arg47[%dma_start3A_302, %dma_start3A_303] : memref<10000x128xf32, #tpu.memory_space<vmem_shared>> -> memref<10000x128xf32, #tpu.memory_space<vmem_shared>>
          tpu.enqueue_indirect_dma source(%arg39 : memref<80x128xf32, #tpu.memory_space<vmem>>) target(%dma_start3A_304 : memref<10000x128xf32, #tpu.memory_space<vmem_shared>>) offsets(%arg8 : memref<80xi32, #tpu.memory_space<vmem>>) semaphore(%run_scoped3A : memref<!tpu.dma_semaphore, #tpu.memory_space<semaphore_mem>>) {add = true}
          %dma_wait3A_305 = arith.constant 0 : i32
          %dma_wait3A_306 = arith.constant 0 : i32
          %dma_wait3A_307 = tpu.memref_slice %arg47[%dma_wait3A_305, %dma_wait3A_306] : memref<10000x128xf32, #tpu.memory_space<vmem_shared>> -> memref<10000x128xf32, #tpu.memory_space<vmem_shared>>
          tpu.wait_indirect_dma semaphore(%run_scoped3A : memref<!tpu.dma_semaphore, #tpu.memory_space<semaphore_mem>>) src(%arg39 : memref<80x128xf32, #tpu.memory_space<vmem>>) dst(%dma_wait3A_307 : memref<10000x128xf32, #tpu.memory_space<vmem_shared>>)
          tpu.yield
        }) : () -> ()
      } else {
      }
      %mul3A_106 = arith.constant 8 : i32
      %mul3A_107 = arith.muli %scan3A_82, %mul3A_106 : i32
      %add3A_108 = arith.constant 1 : i32
      %add3A_109 = arith.addi %mul3A_107, %add3A_108 : i32
      %add3A_110 = arith.constant 8 : i32
      %add3A_111 = arith.addi %add3A_109, %add3A_110 : i32
      %sub3A_112 = arith.constant 1 : i32
      %sub3A_113 = arith.subi %add3A_111, %sub3A_112 : i32
      %lt3A_114 = arith.constant 125 : i32
      %lt3A_115 = arith.cmpi slt, %sub3A_113, %lt3A_114 : i32
      %convert_element_type3A_116 = arith.extui %lt3A_115 : i1 to i32
      %cond3A_117 = arith.constant 0 : i32
      %cond3A_118 = arith.cmpi ne, %convert_element_type3A_116, %cond3A_117 : i32
      scf.if %cond3A_118 {
        %add3A_295 = arith.constant 8 : i32
        %add3A_296 = arith.addi %add3A_109, %add3A_295 : i32
        %sub3A_297 = arith.constant 1 : i32
        %sub3A_298 = arith.subi %add3A_296, %sub3A_297 : i32
        %mul3A_299 = arith.constant 80 : i32
        %mul3A_300 = arith.muli %sub3A_298, %mul3A_299 : i32
        %add3A_301 = arith.addi %mul3A_2, %mul3A_300 : i32
        %dma_start3A_302 = tpu.memref_slice %arg3[%add3A_301] : memref<320000xi32, #tpu.memory_space<hbm>> -> memref<80xi32, #tpu.memory_space<hbm>>
        %dma_start3A_303 = tpu.memref_slice %arg3[%add3A_301] : memref<320000xi32, #tpu.memory_space<hbm>> -> memref<80xi32, #tpu.memory_space<hbm>>
        tpu.enqueue_dma source(%dma_start3A_303 : memref<80xi32, #tpu.memory_space<hbm>>) target(%arg7 : memref<80xi32, #tpu.memory_space<vmem>>) target_semaphore(%arg9 : memref<!tpu.dma_semaphore, #tpu.memory_space<semaphore_mem>>)
        %dma_start3A_304 = tpu.memref_slice %arg4[%add3A_301] : memref<320000xi32, #tpu.memory_space<hbm>> -> memref<80xi32, #tpu.memory_space<hbm>>
        %dma_start3A_305 = tpu.memref_slice %arg4[%add3A_301] : memref<320000xi32, #tpu.memory_space<hbm>> -> memref<80xi32, #tpu.memory_space<hbm>>
        tpu.enqueue_dma source(%dma_start3A_305 : memref<80xi32, #tpu.memory_space<hbm>>) target(%arg8 : memref<80xi32, #tpu.memory_space<vmem>>) target_semaphore(%arg10 : memref<!tpu.dma_semaphore, #tpu.memory_space<semaphore_mem>>)
      } else {
      }
      %add3A_119 = arith.constant 4 : i32
      %add3A_120 = arith.addi %add3A_109, %add3A_119 : i32
      %sub3A_121 = arith.constant 1 : i32
      %sub3A_122 = arith.subi %add3A_120, %sub3A_121 : i32
      %lt3A_123 = arith.constant 125 : i32
      %lt3A_124 = arith.cmpi slt, %sub3A_122, %lt3A_123 : i32
      %convert_element_type3A_125 = arith.extui %lt3A_124 : i1 to i32
      %cond3A_126 = arith.constant 0 : i32
      %cond3A_127 = arith.cmpi ne, %convert_element_type3A_125, %cond3A_126 : i32
      scf.if %cond3A_127 {
        %dma_wait3A_295 = arith.constant 0 : i32
        %dma_wait3A_296 = tpu.memref_slice %arg3[%dma_wait3A_295] : memref<320000xi32, #tpu.memory_space<hbm>> -> memref<80xi32, #tpu.memory_space<hbm>>
        %dma_wait3A_297 = arith.constant 0 : i32
        %dma_wait3A_298 = tpu.memref_slice %arg3[%dma_wait3A_297] : memref<320000xi32, #tpu.memory_space<hbm>> -> memref<80xi32, #tpu.memory_space<hbm>>
        tpu.wait_dma2 semaphore(%arg25 : memref<!tpu.dma_semaphore, #tpu.memory_space<semaphore_mem>>) src(%dma_wait3A_298 : memref<80xi32, #tpu.memory_space<hbm>>) dst(%arg23 : memref<80xi32, #tpu.memory_space<vmem>>)
        %dma_start3A_299 = arith.constant 0 : i32
        %dma_start3A_300 = arith.constant 0 : i32
        %dma_start3A_301 = tpu.memref_slice %arg2[%dma_start3A_299, %dma_start3A_300] : memref<10000x128xf32, #tpu.memory_space<hbm>> -> memref<10000x128xf32, #tpu.memory_space<hbm>>
        tpu.enqueue_indirect_dma source(%dma_start3A_301 : memref<10000x128xf32, #tpu.memory_space<hbm>>) target(%arg39 : memref<80x128xf32, #tpu.memory_space<vmem>>) offsets(%arg23 : memref<80xi32, #tpu.memory_space<vmem>>) semaphore(%arg40 : memref<!tpu.dma_semaphore, #tpu.memory_space<semaphore_mem>>)
      } else {
      }
      %lt3A_128 = arith.constant 125 : i32
      %lt3A_129 = arith.cmpi slt, %add3A_109, %lt3A_128 : i32
      %convert_element_type3A_130 = arith.extui %lt3A_129 : i1 to i32
      %cond3A_131 = arith.constant 0 : i32
      %cond3A_132 = arith.cmpi ne, %convert_element_type3A_130, %cond3A_131 : i32
      scf.if %cond3A_132 {
        %dma_wait3A_295 = arith.constant 0 : i32
        %dma_wait3A_296 = arith.constant 0 : i32
        %dma_wait3A_297 = tpu.memref_slice %arg2[%dma_wait3A_295, %dma_wait3A_296] : memref<10000x128xf32, #tpu.memory_space<hbm>> -> memref<10000x128xf32, #tpu.memory_space<hbm>>
        tpu.wait_indirect_dma semaphore(%arg42 : memref<!tpu.dma_semaphore, #tpu.memory_space<semaphore_mem>>) src(%dma_wait3A_297 : memref<10000x128xf32, #tpu.memory_space<hbm>>) dst(%arg41 : memref<80x128xf32, #tpu.memory_space<vmem>>)
        %dma_wait3A_298 = arith.constant 0 : i32
        %dma_wait3A_299 = tpu.memref_slice %arg4[%dma_wait3A_298] : memref<320000xi32, #tpu.memory_space<hbm>> -> memref<80xi32, #tpu.memory_space<hbm>>
        %dma_wait3A_300 = arith.constant 0 : i32
        %dma_wait3A_301 = tpu.memref_slice %arg4[%dma_wait3A_300] : memref<320000xi32, #tpu.memory_space<hbm>> -> memref<80xi32, #tpu.memory_space<hbm>>
        tpu.wait_dma2 semaphore(%arg14 : memref<!tpu.dma_semaphore, #tpu.memory_space<semaphore_mem>>) src(%dma_wait3A_301 : memref<80xi32, #tpu.memory_space<hbm>>) dst(%arg12 : memref<80xi32, #tpu.memory_space<vmem>>)
        "tpu.region"() ({
          %run_scoped3A = tpu.sem_alloc : memref<!tpu.dma_semaphore, #tpu.memory_space<semaphore_mem>>
          %dma_start3A_302 = arith.constant 0 : i32
          %dma_start3A_303 = arith.constant 0 : i32
          %dma_start3A_304 = tpu.memref_slice %arg47[%dma_start3A_302, %dma_start3A_303] : memref<10000x128xf32, #tpu.memory_space<vmem_shared>> -> memref<10000x128xf32, #tpu.memory_space<vmem_shared>>
          tpu.enqueue_indirect_dma source(%arg41 : memref<80x128xf32, #tpu.memory_space<vmem>>) target(%dma_start3A_304 : memref<10000x128xf32, #tpu.memory_space<vmem_shared>>) offsets(%arg12 : memref<80xi32, #tpu.memory_space<vmem>>) semaphore(%run_scoped3A : memref<!tpu.dma_semaphore, #tpu.memory_space<semaphore_mem>>) {add = true}
          %dma_wait3A_305 = arith.constant 0 : i32
          %dma_wait3A_306 = arith.constant 0 : i32
          %dma_wait3A_307 = tpu.memref_slice %arg47[%dma_wait3A_305, %dma_wait3A_306] : memref<10000x128xf32, #tpu.memory_space<vmem_shared>> -> memref<10000x128xf32, #tpu.memory_space<vmem_shared>>
          tpu.wait_indirect_dma semaphore(%run_scoped3A : memref<!tpu.dma_semaphore, #tpu.memory_space<semaphore_mem>>) src(%arg41 : memref<80x128xf32, #tpu.memory_space<vmem>>) dst(%dma_wait3A_307 : memref<10000x128xf32, #tpu.memory_space<vmem_shared>>)
          tpu.yield
        }) : () -> ()
      } else {
      }
      %mul3A_133 = arith.constant 8 : i32
      %mul3A_134 = arith.muli %scan3A_82, %mul3A_133 : i32
      %add3A_135 = arith.constant 2 : i32
      %add3A_136 = arith.addi %mul3A_134, %add3A_135 : i32
      %add3A_137 = arith.constant 8 : i32
      %add3A_138 = arith.addi %add3A_136, %add3A_137 : i32
      %sub3A_139 = arith.constant 1 : i32
      %sub3A_140 = arith.subi %add3A_138, %sub3A_139 : i32
      %lt3A_141 = arith.constant 125 : i32
      %lt3A_142 = arith.cmpi slt, %sub3A_140, %lt3A_141 : i32
      %convert_element_type3A_143 = arith.extui %lt3A_142 : i1 to i32
      %cond3A_144 = arith.constant 0 : i32
      %cond3A_145 = arith.cmpi ne, %convert_element_type3A_143, %cond3A_144 : i32
      scf.if %cond3A_145 {
        %add3A_295 = arith.constant 8 : i32
        %add3A_296 = arith.addi %add3A_136, %add3A_295 : i32
        %sub3A_297 = arith.constant 1 : i32
        %sub3A_298 = arith.subi %add3A_296, %sub3A_297 : i32
        %mul3A_299 = arith.constant 80 : i32
        %mul3A_300 = arith.muli %sub3A_298, %mul3A_299 : i32
        %add3A_301 = arith.addi %mul3A_2, %mul3A_300 : i32
        %dma_start3A_302 = tpu.memref_slice %arg3[%add3A_301] : memref<320000xi32, #tpu.memory_space<hbm>> -> memref<80xi32, #tpu.memory_space<hbm>>
        %dma_start3A_303 = tpu.memref_slice %arg3[%add3A_301] : memref<320000xi32, #tpu.memory_space<hbm>> -> memref<80xi32, #tpu.memory_space<hbm>>
        tpu.enqueue_dma source(%dma_start3A_303 : memref<80xi32, #tpu.memory_space<hbm>>) target(%arg11 : memref<80xi32, #tpu.memory_space<vmem>>) target_semaphore(%arg13 : memref<!tpu.dma_semaphore, #tpu.memory_space<semaphore_mem>>)
        %dma_start3A_304 = tpu.memref_slice %arg4[%add3A_301] : memref<320000xi32, #tpu.memory_space<hbm>> -> memref<80xi32, #tpu.memory_space<hbm>>
        %dma_start3A_305 = tpu.memref_slice %arg4[%add3A_301] : memref<320000xi32, #tpu.memory_space<hbm>> -> memref<80xi32, #tpu.memory_space<hbm>>
        tpu.enqueue_dma source(%dma_start3A_305 : memref<80xi32, #tpu.memory_space<hbm>>) target(%arg12 : memref<80xi32, #tpu.memory_space<vmem>>) target_semaphore(%arg14 : memref<!tpu.dma_semaphore, #tpu.memory_space<semaphore_mem>>)
      } else {
      }
      %add3A_146 = arith.constant 4 : i32
      %add3A_147 = arith.addi %add3A_136, %add3A_146 : i32
      %sub3A_148 = arith.constant 1 : i32
      %sub3A_149 = arith.subi %add3A_147, %sub3A_148 : i32
      %lt3A_150 = arith.constant 125 : i32
      %lt3A_151 = arith.cmpi slt, %sub3A_149, %lt3A_150 : i32
      %convert_element_type3A_152 = arith.extui %lt3A_151 : i1 to i32
      %cond3A_153 = arith.constant 0 : i32
      %cond3A_154 = arith.cmpi ne, %convert_element_type3A_152, %cond3A_153 : i32
      scf.if %cond3A_154 {
        %dma_wait3A_295 = arith.constant 0 : i32
        %dma_wait3A_296 = tpu.memref_slice %arg3[%dma_wait3A_295] : memref<320000xi32, #tpu.memory_space<hbm>> -> memref<80xi32, #tpu.memory_space<hbm>>
        %dma_wait3A_297 = arith.constant 0 : i32
        %dma_wait3A_298 = tpu.memref_slice %arg3[%dma_wait3A_297] : memref<320000xi32, #tpu.memory_space<hbm>> -> memref<80xi32, #tpu.memory_space<hbm>>
        tpu.wait_dma2 semaphore(%arg29 : memref<!tpu.dma_semaphore, #tpu.memory_space<semaphore_mem>>) src(%dma_wait3A_298 : memref<80xi32, #tpu.memory_space<hbm>>) dst(%arg27 : memref<80xi32, #tpu.memory_space<vmem>>)
        %dma_start3A_299 = arith.constant 0 : i32
        %dma_start3A_300 = arith.constant 0 : i32
        %dma_start3A_301 = tpu.memref_slice %arg2[%dma_start3A_299, %dma_start3A_300] : memref<10000x128xf32, #tpu.memory_space<hbm>> -> memref<10000x128xf32, #tpu.memory_space<hbm>>
        tpu.enqueue_indirect_dma source(%dma_start3A_301 : memref<10000x128xf32, #tpu.memory_space<hbm>>) target(%arg41 : memref<80x128xf32, #tpu.memory_space<vmem>>) offsets(%arg27 : memref<80xi32, #tpu.memory_space<vmem>>) semaphore(%arg42 : memref<!tpu.dma_semaphore, #tpu.memory_space<semaphore_mem>>)
      } else {
      }
      %lt3A_155 = arith.constant 125 : i32
      %lt3A_156 = arith.cmpi slt, %add3A_136, %lt3A_155 : i32
      %convert_element_type3A_157 = arith.extui %lt3A_156 : i1 to i32
      %cond3A_158 = arith.constant 0 : i32
      %cond3A_159 = arith.cmpi ne, %convert_element_type3A_157, %cond3A_158 : i32
      scf.if %cond3A_159 {
        %dma_wait3A_295 = arith.constant 0 : i32
        %dma_wait3A_296 = arith.constant 0 : i32
        %dma_wait3A_297 = tpu.memref_slice %arg2[%dma_wait3A_295, %dma_wait3A_296] : memref<10000x128xf32, #tpu.memory_space<hbm>> -> memref<10000x128xf32, #tpu.memory_space<hbm>>
        tpu.wait_indirect_dma semaphore(%arg44 : memref<!tpu.dma_semaphore, #tpu.memory_space<semaphore_mem>>) src(%dma_wait3A_297 : memref<10000x128xf32, #tpu.memory_space<hbm>>) dst(%arg43 : memref<80x128xf32, #tpu.memory_space<vmem>>)
        %dma_wait3A_298 = arith.constant 0 : i32
        %dma_wait3A_299 = tpu.memref_slice %arg4[%dma_wait3A_298] : memref<320000xi32, #tpu.memory_space<hbm>> -> memref<80xi32, #tpu.memory_space<hbm>>
        %dma_wait3A_300 = arith.constant 0 : i32
        %dma_wait3A_301 = tpu.memref_slice %arg4[%dma_wait3A_300] : memref<320000xi32, #tpu.memory_space<hbm>> -> memref<80xi32, #tpu.memory_space<hbm>>
        tpu.wait_dma2 semaphore(%arg18 : memref<!tpu.dma_semaphore, #tpu.memory_space<semaphore_mem>>) src(%dma_wait3A_301 : memref<80xi32, #tpu.memory_space<hbm>>) dst(%arg16 : memref<80xi32, #tpu.memory_space<vmem>>)
        "tpu.region"() ({
          %run_scoped3A = tpu.sem_alloc : memref<!tpu.dma_semaphore, #tpu.memory_space<semaphore_mem>>
          %dma_start3A_302 = arith.constant 0 : i32
          %dma_start3A_303 = arith.constant 0 : i32
          %dma_start3A_304 = tpu.memref_slice %arg47[%dma_start3A_302, %dma_start3A_303] : memref<10000x128xf32, #tpu.memory_space<vmem_shared>> -> memref<10000x128xf32, #tpu.memory_space<vmem_shared>>
          tpu.enqueue_indirect_dma source(%arg43 : memref<80x128xf32, #tpu.memory_space<vmem>>) target(%dma_start3A_304 : memref<10000x128xf32, #tpu.memory_space<vmem_shared>>) offsets(%arg16 : memref<80xi32, #tpu.memory_space<vmem>>) semaphore(%run_scoped3A : memref<!tpu.dma_semaphore, #tpu.memory_space<semaphore_mem>>) {add = true}
          %dma_wait3A_305 = arith.constant 0 : i32
          %dma_wait3A_306 = arith.constant 0 : i32
          %dma_wait3A_307 = tpu.memref_slice %arg47[%dma_wait3A_305, %dma_wait3A_306] : memref<10000x128xf32, #tpu.memory_space<vmem_shared>> -> memref<10000x128xf32, #tpu.memory_space<vmem_shared>>
          tpu.wait_indirect_dma semaphore(%run_scoped3A : memref<!tpu.dma_semaphore, #tpu.memory_space<semaphore_mem>>) src(%arg43 : memref<80x128xf32, #tpu.memory_space<vmem>>) dst(%dma_wait3A_307 : memref<10000x128xf32, #tpu.memory_space<vmem_shared>>)
          tpu.yield
        }) : () -> ()
      } else {
      }
      %mul3A_160 = arith.constant 8 : i32
      %mul3A_161 = arith.muli %scan3A_82, %mul3A_160 : i32
      %add3A_162 = arith.constant 3 : i32
      %add3A_163 = arith.addi %mul3A_161, %add3A_162 : i32
      %add3A_164 = arith.constant 8 : i32
      %add3A_165 = arith.addi %add3A_163, %add3A_164 : i32
      %sub3A_166 = arith.constant 1 : i32
      %sub3A_167 = arith.subi %add3A_165, %sub3A_166 : i32
      %lt3A_168 = arith.constant 125 : i32
      %lt3A_169 = arith.cmpi slt, %sub3A_167, %lt3A_168 : i32
      %convert_element_type3A_170 = arith.extui %lt3A_169 : i1 to i32
      %cond3A_171 = arith.constant 0 : i32
      %cond3A_172 = arith.cmpi ne, %convert_element_type3A_170, %cond3A_171 : i32
      scf.if %cond3A_172 {
        %add3A_295 = arith.constant 8 : i32
        %add3A_296 = arith.addi %add3A_163, %add3A_295 : i32
        %sub3A_297 = arith.constant 1 : i32
        %sub3A_298 = arith.subi %add3A_296, %sub3A_297 : i32
        %mul3A_299 = arith.constant 80 : i32
        %mul3A_300 = arith.muli %sub3A_298, %mul3A_299 : i32
        %add3A_301 = arith.addi %mul3A_2, %mul3A_300 : i32
        %dma_start3A_302 = tpu.memref_slice %arg3[%add3A_301] : memref<320000xi32, #tpu.memory_space<hbm>> -> memref<80xi32, #tpu.memory_space<hbm>>
        %dma_start3A_303 = tpu.memref_slice %arg3[%add3A_301] : memref<320000xi32, #tpu.memory_space<hbm>> -> memref<80xi32, #tpu.memory_space<hbm>>
        tpu.enqueue_dma source(%dma_start3A_303 : memref<80xi32, #tpu.memory_space<hbm>>) target(%arg15 : memref<80xi32, #tpu.memory_space<vmem>>) target_semaphore(%arg17 : memref<!tpu.dma_semaphore, #tpu.memory_space<semaphore_mem>>)
        %dma_start3A_304 = tpu.memref_slice %arg4[%add3A_301] : memref<320000xi32, #tpu.memory_space<hbm>> -> memref<80xi32, #tpu.memory_space<hbm>>
        %dma_start3A_305 = tpu.memref_slice %arg4[%add3A_301] : memref<320000xi32, #tpu.memory_space<hbm>> -> memref<80xi32, #tpu.memory_space<hbm>>
        tpu.enqueue_dma source(%dma_start3A_305 : memref<80xi32, #tpu.memory_space<hbm>>) target(%arg16 : memref<80xi32, #tpu.memory_space<vmem>>) target_semaphore(%arg18 : memref<!tpu.dma_semaphore, #tpu.memory_space<semaphore_mem>>)
      } else {
      }
      %add3A_173 = arith.constant 4 : i32
      %add3A_174 = arith.addi %add3A_163, %add3A_173 : i32
      %sub3A_175 = arith.constant 1 : i32
      %sub3A_176 = arith.subi %add3A_174, %sub3A_175 : i32
      %lt3A_177 = arith.constant 125 : i32
      %lt3A_178 = arith.cmpi slt, %sub3A_176, %lt3A_177 : i32
      %convert_element_type3A_179 = arith.extui %lt3A_178 : i1 to i32
      %cond3A_180 = arith.constant 0 : i32
      %cond3A_181 = arith.cmpi ne, %convert_element_type3A_179, %cond3A_180 : i32
      scf.if %cond3A_181 {
        %dma_wait3A_295 = arith.constant 0 : i32
        %dma_wait3A_296 = tpu.memref_slice %arg3[%dma_wait3A_295] : memref<320000xi32, #tpu.memory_space<hbm>> -> memref<80xi32, #tpu.memory_space<hbm>>
        %dma_wait3A_297 = arith.constant 0 : i32
        %dma_wait3A_298 = tpu.memref_slice %arg3[%dma_wait3A_297] : memref<320000xi32, #tpu.memory_space<hbm>> -> memref<80xi32, #tpu.memory_space<hbm>>
        tpu.wait_dma2 semaphore(%arg33 : memref<!tpu.dma_semaphore, #tpu.memory_space<semaphore_mem>>) src(%dma_wait3A_298 : memref<80xi32, #tpu.memory_space<hbm>>) dst(%arg31 : memref<80xi32, #tpu.memory_space<vmem>>)
        %dma_start3A_299 = arith.constant 0 : i32
        %dma_start3A_300 = arith.constant 0 : i32
        %dma_start3A_301 = tpu.memref_slice %arg2[%dma_start3A_299, %dma_start3A_300] : memref<10000x128xf32, #tpu.memory_space<hbm>> -> memref<10000x128xf32, #tpu.memory_space<hbm>>
        tpu.enqueue_indirect_dma source(%dma_start3A_301 : memref<10000x128xf32, #tpu.memory_space<hbm>>) target(%arg43 : memref<80x128xf32, #tpu.memory_space<vmem>>) offsets(%arg31 : memref<80xi32, #tpu.memory_space<vmem>>) semaphore(%arg44 : memref<!tpu.dma_semaphore, #tpu.memory_space<semaphore_mem>>)
      } else {
      }
      %lt3A_182 = arith.constant 125 : i32
      %lt3A_183 = arith.cmpi slt, %add3A_163, %lt3A_182 : i32
      %convert_element_type3A_184 = arith.extui %lt3A_183 : i1 to i32
      %cond3A_185 = arith.constant 0 : i32
      %cond3A_186 = arith.cmpi ne, %convert_element_type3A_184, %cond3A_185 : i32
      scf.if %cond3A_186 {
        %dma_wait3A_295 = arith.constant 0 : i32
        %dma_wait3A_296 = arith.constant 0 : i32
        %dma_wait3A_297 = tpu.memref_slice %arg2[%dma_wait3A_295, %dma_wait3A_296] : memref<10000x128xf32, #tpu.memory_space<hbm>> -> memref<10000x128xf32, #tpu.memory_space<hbm>>
        tpu.wait_indirect_dma semaphore(%arg46 : memref<!tpu.dma_semaphore, #tpu.memory_space<semaphore_mem>>) src(%dma_wait3A_297 : memref<10000x128xf32, #tpu.memory_space<hbm>>) dst(%arg45 : memref<80x128xf32, #tpu.memory_space<vmem>>)
        %dma_wait3A_298 = arith.constant 0 : i32
        %dma_wait3A_299 = tpu.memref_slice %arg4[%dma_wait3A_298] : memref<320000xi32, #tpu.memory_space<hbm>> -> memref<80xi32, #tpu.memory_space<hbm>>
        %dma_wait3A_300 = arith.constant 0 : i32
        %dma_wait3A_301 = tpu.memref_slice %arg4[%dma_wait3A_300] : memref<320000xi32, #tpu.memory_space<hbm>> -> memref<80xi32, #tpu.memory_space<hbm>>
        tpu.wait_dma2 semaphore(%arg22 : memref<!tpu.dma_semaphore, #tpu.memory_space<semaphore_mem>>) src(%dma_wait3A_301 : memref<80xi32, #tpu.memory_space<hbm>>) dst(%arg20 : memref<80xi32, #tpu.memory_space<vmem>>)
        "tpu.region"() ({
          %run_scoped3A = tpu.sem_alloc : memref<!tpu.dma_semaphore, #tpu.memory_space<semaphore_mem>>
          %dma_start3A_302 = arith.constant 0 : i32
          %dma_start3A_303 = arith.constant 0 : i32
          %dma_start3A_304 = tpu.memref_slice %arg47[%dma_start3A_302, %dma_start3A_303] : memref<10000x128xf32, #tpu.memory_space<vmem_shared>> -> memref<10000x128xf32, #tpu.memory_space<vmem_shared>>
          tpu.enqueue_indirect_dma source(%arg45 : memref<80x128xf32, #tpu.memory_space<vmem>>) target(%dma_start3A_304 : memref<10000x128xf32, #tpu.memory_space<vmem_shared>>) offsets(%arg20 : memref<80xi32, #tpu.memory_space<vmem>>) semaphore(%run_scoped3A : memref<!tpu.dma_semaphore, #tpu.memory_space<semaphore_mem>>) {add = true}
          %dma_wait3A_305 = arith.constant 0 : i32
          %dma_wait3A_306 = arith.constant 0 : i32
          %dma_wait3A_307 = tpu.memref_slice %arg47[%dma_wait3A_305, %dma_wait3A_306] : memref<10000x128xf32, #tpu.memory_space<vmem_shared>> -> memref<10000x128xf32, #tpu.memory_space<vmem_shared>>
          tpu.wait_indirect_dma semaphore(%run_scoped3A : memref<!tpu.dma_semaphore, #tpu.memory_space<semaphore_mem>>) src(%arg45 : memref<80x128xf32, #tpu.memory_space<vmem>>) dst(%dma_wait3A_307 : memref<10000x128xf32, #tpu.memory_space<vmem_shared>>)
          tpu.yield
        }) : () -> ()
      } else {
      }
      %mul3A_187 = arith.constant 8 : i32
      %mul3A_188 = arith.muli %scan3A_82, %mul3A_187 : i32
      %add3A_189 = arith.constant 4 : i32
      %add3A_190 = arith.addi %mul3A_188, %add3A_189 : i32
      %add3A_191 = arith.constant 8 : i32
      %add3A_192 = arith.addi %add3A_190, %add3A_191 : i32
      %sub3A_193 = arith.constant 1 : i32
      %sub3A_194 = arith.subi %add3A_192, %sub3A_193 : i32
      %lt3A_195 = arith.constant 125 : i32
      %lt3A_196 = arith.cmpi slt, %sub3A_194, %lt3A_195 : i32
      %convert_element_type3A_197 = arith.extui %lt3A_196 : i1 to i32
      %cond3A_198 = arith.constant 0 : i32
      %cond3A_199 = arith.cmpi ne, %convert_element_type3A_197, %cond3A_198 : i32
      scf.if %cond3A_199 {
        %add3A_295 = arith.constant 8 : i32
        %add3A_296 = arith.addi %add3A_190, %add3A_295 : i32
        %sub3A_297 = arith.constant 1 : i32
        %sub3A_298 = arith.subi %add3A_296, %sub3A_297 : i32
        %mul3A_299 = arith.constant 80 : i32
        %mul3A_300 = arith.muli %sub3A_298, %mul3A_299 : i32
        %add3A_301 = arith.addi %mul3A_2, %mul3A_300 : i32
        %dma_start3A_302 = tpu.memref_slice %arg3[%add3A_301] : memref<320000xi32, #tpu.memory_space<hbm>> -> memref<80xi32, #tpu.memory_space<hbm>>
        %dma_start3A_303 = tpu.memref_slice %arg3[%add3A_301] : memref<320000xi32, #tpu.memory_space<hbm>> -> memref<80xi32, #tpu.memory_space<hbm>>
        tpu.enqueue_dma source(%dma_start3A_303 : memref<80xi32, #tpu.memory_space<hbm>>) target(%arg19 : memref<80xi32, #tpu.memory_space<vmem>>) target_semaphore(%arg21 : memref<!tpu.dma_semaphore, #tpu.memory_space<semaphore_mem>>)
        %dma_start3A_304 = tpu.memref_slice %arg4[%add3A_301] : memref<320000xi32, #tpu.memory_space<hbm>> -> memref<80xi32, #tpu.memory_space<hbm>>
        %dma_start3A_305 = tpu.memref_slice %arg4[%add3A_301] : memref<320000xi32, #tpu.memory_space<hbm>> -> memref<80xi32, #tpu.memory_space<hbm>>
        tpu.enqueue_dma source(%dma_start3A_305 : memref<80xi32, #tpu.memory_space<hbm>>) target(%arg20 : memref<80xi32, #tpu.memory_space<vmem>>) target_semaphore(%arg22 : memref<!tpu.dma_semaphore, #tpu.memory_space<semaphore_mem>>)
      } else {
      }
      %add3A_200 = arith.constant 4 : i32
      %add3A_201 = arith.addi %add3A_190, %add3A_200 : i32
      %sub3A_202 = arith.constant 1 : i32
      %sub3A_203 = arith.subi %add3A_201, %sub3A_202 : i32
      %lt3A_204 = arith.constant 125 : i32
      %lt3A_205 = arith.cmpi slt, %sub3A_203, %lt3A_204 : i32
      %convert_element_type3A_206 = arith.extui %lt3A_205 : i1 to i32
      %cond3A_207 = arith.constant 0 : i32
      %cond3A_208 = arith.cmpi ne, %convert_element_type3A_206, %cond3A_207 : i32
      scf.if %cond3A_208 {
        %dma_wait3A_295 = arith.constant 0 : i32
        %dma_wait3A_296 = tpu.memref_slice %arg3[%dma_wait3A_295] : memref<320000xi32, #tpu.memory_space<hbm>> -> memref<80xi32, #tpu.memory_space<hbm>>
        %dma_wait3A_297 = arith.constant 0 : i32
        %dma_wait3A_298 = tpu.memref_slice %arg3[%dma_wait3A_297] : memref<320000xi32, #tpu.memory_space<hbm>> -> memref<80xi32, #tpu.memory_space<hbm>>
        tpu.wait_dma2 semaphore(%arg37 : memref<!tpu.dma_semaphore, #tpu.memory_space<semaphore_mem>>) src(%dma_wait3A_298 : memref<80xi32, #tpu.memory_space<hbm>>) dst(%arg35 : memref<80xi32, #tpu.memory_space<vmem>>)
        %dma_start3A_299 = arith.constant 0 : i32
        %dma_start3A_300 = arith.constant 0 : i32
        %dma_start3A_301 = tpu.memref_slice %arg2[%dma_start3A_299, %dma_start3A_300] : memref<10000x128xf32, #tpu.memory_space<hbm>> -> memref<10000x128xf32, #tpu.memory_space<hbm>>
        tpu.enqueue_indirect_dma source(%dma_start3A_301 : memref<10000x128xf32, #tpu.memory_space<hbm>>) target(%arg45 : memref<80x128xf32, #tpu.memory_space<vmem>>) offsets(%arg35 : memref<80xi32, #tpu.memory_space<vmem>>) semaphore(%arg46 : memref<!tpu.dma_semaphore, #tpu.memory_space<semaphore_mem>>)
      } else {
      }
      %lt3A_209 = arith.constant 125 : i32
      %lt3A_210 = arith.cmpi slt, %add3A_190, %lt3A_209 : i32
      %convert_element_type3A_211 = arith.extui %lt3A_210 : i1 to i32
      %cond3A_212 = arith.constant 0 : i32
      %cond3A_213 = arith.cmpi ne, %convert_element_type3A_211, %cond3A_212 : i32
      scf.if %cond3A_213 {
        %dma_wait3A_295 = arith.constant 0 : i32
        %dma_wait3A_296 = arith.constant 0 : i32
        %dma_wait3A_297 = tpu.memref_slice %arg2[%dma_wait3A_295, %dma_wait3A_296] : memref<10000x128xf32, #tpu.memory_space<hbm>> -> memref<10000x128xf32, #tpu.memory_space<hbm>>
        tpu.wait_indirect_dma semaphore(%arg40 : memref<!tpu.dma_semaphore, #tpu.memory_space<semaphore_mem>>) src(%dma_wait3A_297 : memref<10000x128xf32, #tpu.memory_space<hbm>>) dst(%arg39 : memref<80x128xf32, #tpu.memory_space<vmem>>)
        %dma_wait3A_298 = arith.constant 0 : i32
        %dma_wait3A_299 = tpu.memref_slice %arg4[%dma_wait3A_298] : memref<320000xi32, #tpu.memory_space<hbm>> -> memref<80xi32, #tpu.memory_space<hbm>>
        %dma_wait3A_300 = arith.constant 0 : i32
        %dma_wait3A_301 = tpu.memref_slice %arg4[%dma_wait3A_300] : memref<320000xi32, #tpu.memory_space<hbm>> -> memref<80xi32, #tpu.memory_space<hbm>>
        tpu.wait_dma2 semaphore(%arg26 : memref<!tpu.dma_semaphore, #tpu.memory_space<semaphore_mem>>) src(%dma_wait3A_301 : memref<80xi32, #tpu.memory_space<hbm>>) dst(%arg24 : memref<80xi32, #tpu.memory_space<vmem>>)
        "tpu.region"() ({
          %run_scoped3A = tpu.sem_alloc : memref<!tpu.dma_semaphore, #tpu.memory_space<semaphore_mem>>
          %dma_start3A_302 = arith.constant 0 : i32
          %dma_start3A_303 = arith.constant 0 : i32
          %dma_start3A_304 = tpu.memref_slice %arg47[%dma_start3A_302, %dma_start3A_303] : memref<10000x128xf32, #tpu.memory_space<vmem_shared>> -> memref<10000x128xf32, #tpu.memory_space<vmem_shared>>
          tpu.enqueue_indirect_dma source(%arg39 : memref<80x128xf32, #tpu.memory_space<vmem>>) target(%dma_start3A_304 : memref<10000x128xf32, #tpu.memory_space<vmem_shared>>) offsets(%arg24 : memref<80xi32, #tpu.memory_space<vmem>>) semaphore(%run_scoped3A : memref<!tpu.dma_semaphore, #tpu.memory_space<semaphore_mem>>) {add = true}
          %dma_wait3A_305 = arith.constant 0 : i32
          %dma_wait3A_306 = arith.constant 0 : i32
          %dma_wait3A_307 = tpu.memref_slice %arg47[%dma_wait3A_305, %dma_wait3A_306] : memref<10000x128xf32, #tpu.memory_space<vmem_shared>> -> memref<10000x128xf32, #tpu.memory_space<vmem_shared>>
          tpu.wait_indirect_dma semaphore(%run_scoped3A : memref<!tpu.dma_semaphore, #tpu.memory_space<semaphore_mem>>) src(%arg39 : memref<80x128xf32, #tpu.memory_space<vmem>>) dst(%dma_wait3A_307 : memref<10000x128xf32, #tpu.memory_space<vmem_shared>>)
          tpu.yield
        }) : () -> ()
      } else {
      }
      %mul3A_214 = arith.constant 8 : i32
      %mul3A_215 = arith.muli %scan3A_82, %mul3A_214 : i32
      %add3A_216 = arith.constant 5 : i32
      %add3A_217 = arith.addi %mul3A_215, %add3A_216 : i32
      %add3A_218 = arith.constant 8 : i32
      %add3A_219 = arith.addi %add3A_217, %add3A_218 : i32
      %sub3A_220 = arith.constant 1 : i32
      %sub3A_221 = arith.subi %add3A_219, %sub3A_220 : i32
      %lt3A_222 = arith.constant 125 : i32
      %lt3A_223 = arith.cmpi slt, %sub3A_221, %lt3A_222 : i32
      %convert_element_type3A_224 = arith.extui %lt3A_223 : i1 to i32
      %cond3A_225 = arith.constant 0 : i32
      %cond3A_226 = arith.cmpi ne, %convert_element_type3A_224, %cond3A_225 : i32
      scf.if %cond3A_226 {
        %add3A_295 = arith.constant 8 : i32
        %add3A_296 = arith.addi %add3A_217, %add3A_295 : i32
        %sub3A_297 = arith.constant 1 : i32
        %sub3A_298 = arith.subi %add3A_296, %sub3A_297 : i32
        %mul3A_299 = arith.constant 80 : i32
        %mul3A_300 = arith.muli %sub3A_298, %mul3A_299 : i32
        %add3A_301 = arith.addi %mul3A_2, %mul3A_300 : i32
        %dma_start3A_302 = tpu.memref_slice %arg3[%add3A_301] : memref<320000xi32, #tpu.memory_space<hbm>> -> memref<80xi32, #tpu.memory_space<hbm>>
        %dma_start3A_303 = tpu.memref_slice %arg3[%add3A_301] : memref<320000xi32, #tpu.memory_space<hbm>> -> memref<80xi32, #tpu.memory_space<hbm>>
        tpu.enqueue_dma source(%dma_start3A_303 : memref<80xi32, #tpu.memory_space<hbm>>) target(%arg23 : memref<80xi32, #tpu.memory_space<vmem>>) target_semaphore(%arg25 : memref<!tpu.dma_semaphore, #tpu.memory_space<semaphore_mem>>)
        %dma_start3A_304 = tpu.memref_slice %arg4[%add3A_301] : memref<320000xi32, #tpu.memory_space<hbm>> -> memref<80xi32, #tpu.memory_space<hbm>>
        %dma_start3A_305 = tpu.memref_slice %arg4[%add3A_301] : memref<320000xi32, #tpu.memory_space<hbm>> -> memref<80xi32, #tpu.memory_space<hbm>>
        tpu.enqueue_dma source(%dma_start3A_305 : memref<80xi32, #tpu.memory_space<hbm>>) target(%arg24 : memref<80xi32, #tpu.memory_space<vmem>>) target_semaphore(%arg26 : memref<!tpu.dma_semaphore, #tpu.memory_space<semaphore_mem>>)
      } else {
      }
      %add3A_227 = arith.constant 4 : i32
      %add3A_228 = arith.addi %add3A_217, %add3A_227 : i32
      %sub3A_229 = arith.constant 1 : i32
      %sub3A_230 = arith.subi %add3A_228, %sub3A_229 : i32
      %lt3A_231 = arith.constant 125 : i32
      %lt3A_232 = arith.cmpi slt, %sub3A_230, %lt3A_231 : i32
      %convert_element_type3A_233 = arith.extui %lt3A_232 : i1 to i32
      %cond3A_234 = arith.constant 0 : i32
      %cond3A_235 = arith.cmpi ne, %convert_element_type3A_233, %cond3A_234 : i32
      scf.if %cond3A_235 {
        %dma_wait3A_295 = arith.constant 0 : i32
        %dma_wait3A_296 = tpu.memref_slice %arg3[%dma_wait3A_295] : memref<320000xi32, #tpu.memory_space<hbm>> -> memref<80xi32, #tpu.memory_space<hbm>>
        %dma_wait3A_297 = arith.constant 0 : i32
        %dma_wait3A_298 = tpu.memref_slice %arg3[%dma_wait3A_297] : memref<320000xi32, #tpu.memory_space<hbm>> -> memref<80xi32, #tpu.memory_space<hbm>>
        tpu.wait_dma2 semaphore(%arg9 : memref<!tpu.dma_semaphore, #tpu.memory_space<semaphore_mem>>) src(%dma_wait3A_298 : memref<80xi32, #tpu.memory_space<hbm>>) dst(%arg7 : memref<80xi32, #tpu.memory_space<vmem>>)
        %dma_start3A_299 = arith.constant 0 : i32
        %dma_start3A_300 = arith.constant 0 : i32
        %dma_start3A_301 = tpu.memref_slice %arg2[%dma_start3A_299, %dma_start3A_300] : memref<10000x128xf32, #tpu.memory_space<hbm>> -> memref<10000x128xf32, #tpu.memory_space<hbm>>
        tpu.enqueue_indirect_dma source(%dma_start3A_301 : memref<10000x128xf32, #tpu.memory_space<hbm>>) target(%arg39 : memref<80x128xf32, #tpu.memory_space<vmem>>) offsets(%arg7 : memref<80xi32, #tpu.memory_space<vmem>>) semaphore(%arg40 : memref<!tpu.dma_semaphore, #tpu.memory_space<semaphore_mem>>)
      } else {
      }
      %lt3A_236 = arith.constant 125 : i32
      %lt3A_237 = arith.cmpi slt, %add3A_217, %lt3A_236 : i32
      %convert_element_type3A_238 = arith.extui %lt3A_237 : i1 to i32
      %cond3A_239 = arith.constant 0 : i32
      %cond3A_240 = arith.cmpi ne, %convert_element_type3A_238, %cond3A_239 : i32
      scf.if %cond3A_240 {
        %dma_wait3A_295 = arith.constant 0 : i32
        %dma_wait3A_296 = arith.constant 0 : i32
        %dma_wait3A_297 = tpu.memref_slice %arg2[%dma_wait3A_295, %dma_wait3A_296] : memref<10000x128xf32, #tpu.memory_space<hbm>> -> memref<10000x128xf32, #tpu.memory_space<hbm>>
        tpu.wait_indirect_dma semaphore(%arg42 : memref<!tpu.dma_semaphore, #tpu.memory_space<semaphore_mem>>) src(%dma_wait3A_297 : memref<10000x128xf32, #tpu.memory_space<hbm>>) dst(%arg41 : memref<80x128xf32, #tpu.memory_space<vmem>>)
        %dma_wait3A_298 = arith.constant 0 : i32
        %dma_wait3A_299 = tpu.memref_slice %arg4[%dma_wait3A_298] : memref<320000xi32, #tpu.memory_space<hbm>> -> memref<80xi32, #tpu.memory_space<hbm>>
        %dma_wait3A_300 = arith.constant 0 : i32
        %dma_wait3A_301 = tpu.memref_slice %arg4[%dma_wait3A_300] : memref<320000xi32, #tpu.memory_space<hbm>> -> memref<80xi32, #tpu.memory_space<hbm>>
        tpu.wait_dma2 semaphore(%arg30 : memref<!tpu.dma_semaphore, #tpu.memory_space<semaphore_mem>>) src(%dma_wait3A_301 : memref<80xi32, #tpu.memory_space<hbm>>) dst(%arg28 : memref<80xi32, #tpu.memory_space<vmem>>)
        "tpu.region"() ({
          %run_scoped3A = tpu.sem_alloc : memref<!tpu.dma_semaphore, #tpu.memory_space<semaphore_mem>>
          %dma_start3A_302 = arith.constant 0 : i32
          %dma_start3A_303 = arith.constant 0 : i32
          %dma_start3A_304 = tpu.memref_slice %arg47[%dma_start3A_302, %dma_start3A_303] : memref<10000x128xf32, #tpu.memory_space<vmem_shared>> -> memref<10000x128xf32, #tpu.memory_space<vmem_shared>>
          tpu.enqueue_indirect_dma source(%arg41 : memref<80x128xf32, #tpu.memory_space<vmem>>) target(%dma_start3A_304 : memref<10000x128xf32, #tpu.memory_space<vmem_shared>>) offsets(%arg28 : memref<80xi32, #tpu.memory_space<vmem>>) semaphore(%run_scoped3A : memref<!tpu.dma_semaphore, #tpu.memory_space<semaphore_mem>>) {add = true}
          %dma_wait3A_305 = arith.constant 0 : i32
          %dma_wait3A_306 = arith.constant 0 : i32
          %dma_wait3A_307 = tpu.memref_slice %arg47[%dma_wait3A_305, %dma_wait3A_306] : memref<10000x128xf32, #tpu.memory_space<vmem_shared>> -> memref<10000x128xf32, #tpu.memory_space<vmem_shared>>
          tpu.wait_indirect_dma semaphore(%run_scoped3A : memref<!tpu.dma_semaphore, #tpu.memory_space<semaphore_mem>>) src(%arg41 : memref<80x128xf32, #tpu.memory_space<vmem>>) dst(%dma_wait3A_307 : memref<10000x128xf32, #tpu.memory_space<vmem_shared>>)
          tpu.yield
        }) : () -> ()
      } else {
      }
      %mul3A_241 = arith.constant 8 : i32
      %mul3A_242 = arith.muli %scan3A_82, %mul3A_241 : i32
      %add3A_243 = arith.constant 6 : i32
      %add3A_244 = arith.addi %mul3A_242, %add3A_243 : i32
      %add3A_245 = arith.constant 8 : i32
      %add3A_246 = arith.addi %add3A_244, %add3A_245 : i32
      %sub3A_247 = arith.constant 1 : i32
      %sub3A_248 = arith.subi %add3A_246, %sub3A_247 : i32
      %lt3A_249 = arith.constant 125 : i32
      %lt3A_250 = arith.cmpi slt, %sub3A_248, %lt3A_249 : i32
      %convert_element_type3A_251 = arith.extui %lt3A_250 : i1 to i32
      %cond3A_252 = arith.constant 0 : i32
      %cond3A_253 = arith.cmpi ne, %convert_element_type3A_251, %cond3A_252 : i32
      scf.if %cond3A_253 {
        %add3A_295 = arith.constant 8 : i32
        %add3A_296 = arith.addi %add3A_244, %add3A_295 : i32
        %sub3A_297 = arith.constant 1 : i32
        %sub3A_298 = arith.subi %add3A_296, %sub3A_297 : i32
        %mul3A_299 = arith.constant 80 : i32
        %mul3A_300 = arith.muli %sub3A_298, %mul3A_299 : i32
        %add3A_301 = arith.addi %mul3A_2, %mul3A_300 : i32
        %dma_start3A_302 = tpu.memref_slice %arg3[%add3A_301] : memref<320000xi32, #tpu.memory_space<hbm>> -> memref<80xi32, #tpu.memory_space<hbm>>
        %dma_start3A_303 = tpu.memref_slice %arg3[%add3A_301] : memref<320000xi32, #tpu.memory_space<hbm>> -> memref<80xi32, #tpu.memory_space<hbm>>
        tpu.enqueue_dma source(%dma_start3A_303 : memref<80xi32, #tpu.memory_space<hbm>>) target(%arg27 : memref<80xi32, #tpu.memory_space<vmem>>) target_semaphore(%arg29 : memref<!tpu.dma_semaphore, #tpu.memory_space<semaphore_mem>>)
        %dma_start3A_304 = tpu.memref_slice %arg4[%add3A_301] : memref<320000xi32, #tpu.memory_space<hbm>> -> memref<80xi32, #tpu.memory_space<hbm>>
        %dma_start3A_305 = tpu.memref_slice %arg4[%add3A_301] : memref<320000xi32, #tpu.memory_space<hbm>> -> memref<80xi32, #tpu.memory_space<hbm>>
        tpu.enqueue_dma source(%dma_start3A_305 : memref<80xi32, #tpu.memory_space<hbm>>) target(%arg28 : memref<80xi32, #tpu.memory_space<vmem>>) target_semaphore(%arg30 : memref<!tpu.dma_semaphore, #tpu.memory_space<semaphore_mem>>)
      } else {
      }
      %add3A_254 = arith.constant 4 : i32
      %add3A_255 = arith.addi %add3A_244, %add3A_254 : i32
      %sub3A_256 = arith.constant 1 : i32
      %sub3A_257 = arith.subi %add3A_255, %sub3A_256 : i32
      %lt3A_258 = arith.constant 125 : i32
      %lt3A_259 = arith.cmpi slt, %sub3A_257, %lt3A_258 : i32
      %convert_element_type3A_260 = arith.extui %lt3A_259 : i1 to i32
      %cond3A_261 = arith.constant 0 : i32
      %cond3A_262 = arith.cmpi ne, %convert_element_type3A_260, %cond3A_261 : i32
      scf.if %cond3A_262 {
        %dma_wait3A_295 = arith.constant 0 : i32
        %dma_wait3A_296 = tpu.memref_slice %arg3[%dma_wait3A_295] : memref<320000xi32, #tpu.memory_space<hbm>> -> memref<80xi32, #tpu.memory_space<hbm>>
        %dma_wait3A_297 = arith.constant 0 : i32
        %dma_wait3A_298 = tpu.memref_slice %arg3[%dma_wait3A_297] : memref<320000xi32, #tpu.memory_space<hbm>> -> memref<80xi32, #tpu.memory_space<hbm>>
        tpu.wait_dma2 semaphore(%arg13 : memref<!tpu.dma_semaphore, #tpu.memory_space<semaphore_mem>>) src(%dma_wait3A_298 : memref<80xi32, #tpu.memory_space<hbm>>) dst(%arg11 : memref<80xi32, #tpu.memory_space<vmem>>)
        %dma_start3A_299 = arith.constant 0 : i32
        %dma_start3A_300 = arith.constant 0 : i32
        %dma_start3A_301 = tpu.memref_slice %arg2[%dma_start3A_299, %dma_start3A_300] : memref<10000x128xf32, #tpu.memory_space<hbm>> -> memref<10000x128xf32, #tpu.memory_space<hbm>>
        tpu.enqueue_indirect_dma source(%dma_start3A_301 : memref<10000x128xf32, #tpu.memory_space<hbm>>) target(%arg41 : memref<80x128xf32, #tpu.memory_space<vmem>>) offsets(%arg11 : memref<80xi32, #tpu.memory_space<vmem>>) semaphore(%arg42 : memref<!tpu.dma_semaphore, #tpu.memory_space<semaphore_mem>>)
      } else {
      }
      %lt3A_263 = arith.constant 125 : i32
      %lt3A_264 = arith.cmpi slt, %add3A_244, %lt3A_263 : i32
      %convert_element_type3A_265 = arith.extui %lt3A_264 : i1 to i32
      %cond3A_266 = arith.constant 0 : i32
      %cond3A_267 = arith.cmpi ne, %convert_element_type3A_265, %cond3A_266 : i32
      scf.if %cond3A_267 {
        %dma_wait3A_295 = arith.constant 0 : i32
        %dma_wait3A_296 = arith.constant 0 : i32
        %dma_wait3A_297 = tpu.memref_slice %arg2[%dma_wait3A_295, %dma_wait3A_296] : memref<10000x128xf32, #tpu.memory_space<hbm>> -> memref<10000x128xf32, #tpu.memory_space<hbm>>
        tpu.wait_indirect_dma semaphore(%arg44 : memref<!tpu.dma_semaphore, #tpu.memory_space<semaphore_mem>>) src(%dma_wait3A_297 : memref<10000x128xf32, #tpu.memory_space<hbm>>) dst(%arg43 : memref<80x128xf32, #tpu.memory_space<vmem>>)
        %dma_wait3A_298 = arith.constant 0 : i32
        %dma_wait3A_299 = tpu.memref_slice %arg4[%dma_wait3A_298] : memref<320000xi32, #tpu.memory_space<hbm>> -> memref<80xi32, #tpu.memory_space<hbm>>
        %dma_wait3A_300 = arith.constant 0 : i32
        %dma_wait3A_301 = tpu.memref_slice %arg4[%dma_wait3A_300] : memref<320000xi32, #tpu.memory_space<hbm>> -> memref<80xi32, #tpu.memory_space<hbm>>
        tpu.wait_dma2 semaphore(%arg34 : memref<!tpu.dma_semaphore, #tpu.memory_space<semaphore_mem>>) src(%dma_wait3A_301 : memref<80xi32, #tpu.memory_space<hbm>>) dst(%arg32 : memref<80xi32, #tpu.memory_space<vmem>>)
        "tpu.region"() ({
          %run_scoped3A = tpu.sem_alloc : memref<!tpu.dma_semaphore, #tpu.memory_space<semaphore_mem>>
          %dma_start3A_302 = arith.constant 0 : i32
          %dma_start3A_303 = arith.constant 0 : i32
          %dma_start3A_304 = tpu.memref_slice %arg47[%dma_start3A_302, %dma_start3A_303] : memref<10000x128xf32, #tpu.memory_space<vmem_shared>> -> memref<10000x128xf32, #tpu.memory_space<vmem_shared>>
          tpu.enqueue_indirect_dma source(%arg43 : memref<80x128xf32, #tpu.memory_space<vmem>>) target(%dma_start3A_304 : memref<10000x128xf32, #tpu.memory_space<vmem_shared>>) offsets(%arg32 : memref<80xi32, #tpu.memory_space<vmem>>) semaphore(%run_scoped3A : memref<!tpu.dma_semaphore, #tpu.memory_space<semaphore_mem>>) {add = true}
          %dma_wait3A_305 = arith.constant 0 : i32
          %dma_wait3A_306 = arith.constant 0 : i32
          %dma_wait3A_307 = tpu.memref_slice %arg47[%dma_wait3A_305, %dma_wait3A_306] : memref<10000x128xf32, #tpu.memory_space<vmem_shared>> -> memref<10000x128xf32, #tpu.memory_space<vmem_shared>>
          tpu.wait_indirect_dma semaphore(%run_scoped3A : memref<!tpu.dma_semaphore, #tpu.memory_space<semaphore_mem>>) src(%arg43 : memref<80x128xf32, #tpu.memory_space<vmem>>) dst(%dma_wait3A_307 : memref<10000x128xf32, #tpu.memory_space<vmem_shared>>)
          tpu.yield
        }) : () -> ()
      } else {
      }
      %mul3A_268 = arith.constant 8 : i32
      %mul3A_269 = arith.muli %scan3A_82, %mul3A_268 : i32
      %add3A_270 = arith.constant 7 : i32
      %add3A_271 = arith.addi %mul3A_269, %add3A_270 : i32
      %add3A_272 = arith.constant 8 : i32
      %add3A_273 = arith.addi %add3A_271, %add3A_272 : i32
      %sub3A_274 = arith.constant 1 : i32
      %sub3A_275 = arith.subi %add3A_273, %sub3A_274 : i32
      %lt3A_276 = arith.constant 125 : i32
      %lt3A_277 = arith.cmpi slt, %sub3A_275, %lt3A_276 : i32
      %convert_element_type3A_278 = arith.extui %lt3A_277 : i1 to i32
      %cond3A_279 = arith.constant 0 : i32
      %cond3A_280 = arith.cmpi ne, %convert_element_type3A_278, %cond3A_279 : i32
      scf.if %cond3A_280 {
        %add3A_295 = arith.constant 8 : i32
        %add3A_296 = arith.addi %add3A_271, %add3A_295 : i32
        %sub3A_297 = arith.constant 1 : i32
        %sub3A_298 = arith.subi %add3A_296, %sub3A_297 : i32
        %mul3A_299 = arith.constant 80 : i32
        %mul3A_300 = arith.muli %sub3A_298, %mul3A_299 : i32
        %add3A_301 = arith.addi %mul3A_2, %mul3A_300 : i32
        %dma_start3A_302 = tpu.memref_slice %arg3[%add3A_301] : memref<320000xi32, #tpu.memory_space<hbm>> -> memref<80xi32, #tpu.memory_space<hbm>>
        %dma_start3A_303 = tpu.memref_slice %arg3[%add3A_301] : memref<320000xi32, #tpu.memory_space<hbm>> -> memref<80xi32, #tpu.memory_space<hbm>>
        tpu.enqueue_dma source(%dma_start3A_303 : memref<80xi32, #tpu.memory_space<hbm>>) target(%arg31 : memref<80xi32, #tpu.memory_space<vmem>>) target_semaphore(%arg33 : memref<!tpu.dma_semaphore, #tpu.memory_space<semaphore_mem>>)
        %dma_start3A_304 = tpu.memref_slice %arg4[%add3A_301] : memref<320000xi32, #tpu.memory_space<hbm>> -> memref<80xi32, #tpu.memory_space<hbm>>
        %dma_start3A_305 = tpu.memref_slice %arg4[%add3A_301] : memref<320000xi32, #tpu.memory_space<hbm>> -> memref<80xi32, #tpu.memory_space<hbm>>
        tpu.enqueue_dma source(%dma_start3A_305 : memref<80xi32, #tpu.memory_space<hbm>>) target(%arg32 : memref<80xi32, #tpu.memory_space<vmem>>) target_semaphore(%arg34 : memref<!tpu.dma_semaphore, #tpu.memory_space<semaphore_mem>>)
      } else {
      }
      %add3A_281 = arith.constant 4 : i32
      %add3A_282 = arith.addi %add3A_271, %add3A_281 : i32
      %sub3A_283 = arith.constant 1 : i32
      %sub3A_284 = arith.subi %add3A_282, %sub3A_283 : i32
      %lt3A_285 = arith.constant 125 : i32
      %lt3A_286 = arith.cmpi slt, %sub3A_284, %lt3A_285 : i32
      %convert_element_type3A_287 = arith.extui %lt3A_286 : i1 to i32
      %cond3A_288 = arith.constant 0 : i32
      %cond3A_289 = arith.cmpi ne, %convert_element_type3A_287, %cond3A_288 : i32
      scf.if %cond3A_289 {
        %dma_wait3A_295 = arith.constant 0 : i32
        %dma_wait3A_296 = tpu.memref_slice %arg3[%dma_wait3A_295] : memref<320000xi32, #tpu.memory_space<hbm>> -> memref<80xi32, #tpu.memory_space<hbm>>
        %dma_wait3A_297 = arith.constant 0 : i32
        %dma_wait3A_298 = tpu.memref_slice %arg3[%dma_wait3A_297] : memref<320000xi32, #tpu.memory_space<hbm>> -> memref<80xi32, #tpu.memory_space<hbm>>
        tpu.wait_dma2 semaphore(%arg17 : memref<!tpu.dma_semaphore, #tpu.memory_space<semaphore_mem>>) src(%dma_wait3A_298 : memref<80xi32, #tpu.memory_space<hbm>>) dst(%arg15 : memref<80xi32, #tpu.memory_space<vmem>>)
        %dma_start3A_299 = arith.constant 0 : i32
        %dma_start3A_300 = arith.constant 0 : i32
        %dma_start3A_301 = tpu.memref_slice %arg2[%dma_start3A_299, %dma_start3A_300] : memref<10000x128xf32, #tpu.memory_space<hbm>> -> memref<10000x128xf32, #tpu.memory_space<hbm>>
        tpu.enqueue_indirect_dma source(%dma_start3A_301 : memref<10000x128xf32, #tpu.memory_space<hbm>>) target(%arg43 : memref<80x128xf32, #tpu.memory_space<vmem>>) offsets(%arg15 : memref<80xi32, #tpu.memory_space<vmem>>) semaphore(%arg44 : memref<!tpu.dma_semaphore, #tpu.memory_space<semaphore_mem>>)
      } else {
      }
      %lt3A_290 = arith.constant 125 : i32
      %lt3A_291 = arith.cmpi slt, %add3A_271, %lt3A_290 : i32
      %convert_element_type3A_292 = arith.extui %lt3A_291 : i1 to i32
      %cond3A_293 = arith.constant 0 : i32
      %cond3A_294 = arith.cmpi ne, %convert_element_type3A_292, %cond3A_293 : i32
      scf.if %cond3A_294 {
        %dma_wait3A_295 = arith.constant 0 : i32
        %dma_wait3A_296 = arith.constant 0 : i32
        %dma_wait3A_297 = tpu.memref_slice %arg2[%dma_wait3A_295, %dma_wait3A_296] : memref<10000x128xf32, #tpu.memory_space<hbm>> -> memref<10000x128xf32, #tpu.memory_space<hbm>>
        tpu.wait_indirect_dma semaphore(%arg46 : memref<!tpu.dma_semaphore, #tpu.memory_space<semaphore_mem>>) src(%dma_wait3A_297 : memref<10000x128xf32, #tpu.memory_space<hbm>>) dst(%arg45 : memref<80x128xf32, #tpu.memory_space<vmem>>)
        %dma_wait3A_298 = arith.constant 0 : i32
        %dma_wait3A_299 = tpu.memref_slice %arg4[%dma_wait3A_298] : memref<320000xi32, #tpu.memory_space<hbm>> -> memref<80xi32, #tpu.memory_space<hbm>>
        %dma_wait3A_300 = arith.constant 0 : i32
        %dma_wait3A_301 = tpu.memref_slice %arg4[%dma_wait3A_300] : memref<320000xi32, #tpu.memory_space<hbm>> -> memref<80xi32, #tpu.memory_space<hbm>>
        tpu.wait_dma2 semaphore(%arg38 : memref<!tpu.dma_semaphore, #tpu.memory_space<semaphore_mem>>) src(%dma_wait3A_301 : memref<80xi32, #tpu.memory_space<hbm>>) dst(%arg36 : memref<80xi32, #tpu.memory_space<vmem>>)
        "tpu.region"() ({
          %run_scoped3A = tpu.sem_alloc : memref<!tpu.dma_semaphore, #tpu.memory_space<semaphore_mem>>
          %dma_start3A_302 = arith.constant 0 : i32
          %dma_start3A_303 = arith.constant 0 : i32
          %dma_start3A_304 = tpu.memref_slice %arg47[%dma_start3A_302, %dma_start3A_303] : memref<10000x128xf32, #tpu.memory_space<vmem_shared>> -> memref<10000x128xf32, #tpu.memory_space<vmem_shared>>
          tpu.enqueue_indirect_dma source(%arg45 : memref<80x128xf32, #tpu.memory_space<vmem>>) target(%dma_start3A_304 : memref<10000x128xf32, #tpu.memory_space<vmem_shared>>) offsets(%arg36 : memref<80xi32, #tpu.memory_space<vmem>>) semaphore(%run_scoped3A : memref<!tpu.dma_semaphore, #tpu.memory_space<semaphore_mem>>) {add = true}
          %dma_wait3A_305 = arith.constant 0 : i32
          %dma_wait3A_306 = arith.constant 0 : i32
          %dma_wait3A_307 = tpu.memref_slice %arg47[%dma_wait3A_305, %dma_wait3A_306] : memref<10000x128xf32, #tpu.memory_space<vmem_shared>> -> memref<10000x128xf32, #tpu.memory_space<vmem_shared>>
          tpu.wait_indirect_dma semaphore(%run_scoped3A : memref<!tpu.dma_semaphore, #tpu.memory_space<semaphore_mem>>) src(%arg45 : memref<80x128xf32, #tpu.memory_space<vmem>>) dst(%dma_wait3A_307 : memref<10000x128xf32, #tpu.memory_space<vmem_shared>>)
          tpu.yield
        }) : () -> ()
      } else {
      }
    }
    %scan3A_74 = arith.constant 16 : i32
    %barrier3A_75 = arith.constant 0 : index
    tpu.barrier barrier_id(%barrier3A_75)
    %scan3A_76 = arith.constant 0 : i32
    %scan3A_77 = arith.constant 0 : i32
    %scan3A_78 = arith.constant 8 : i32
    %scan3A_79 = arith.addi %scan3A_77, %scan3A_78 : i32
    %scan3A_80 = arith.constant 1 : i32
    scf.for %scan3A_82 = %scan3A_77 to %scan3A_79 step %scan3A_80  : i32 {
      %mul3A_83 = arith.constant 16 : i32
      %mul3A_84 = arith.muli %mul3A_83, %scan3A_82 : i32
      %add3A_85 = arith.addi %arg1, %mul3A_84 : i32
      %lt3A = arith.constant 125 : i32
      %lt3A_86 = arith.cmpi slt, %add3A_85, %lt3A : i32
      %convert_element_type3A = arith.extui %lt3A_86 : i1 to i32
      %cond3A = arith.constant 0 : i32
      %cond3A_87 = arith.cmpi ne, %convert_element_type3A, %cond3A : i32
      scf.if %cond3A_87 {
        %mul3A_88 = arith.constant 80 : i32
        %mul3A_89 = arith.muli %add3A_85, %mul3A_88 : i32
        "tpu.region"() ({
          %run_scoped3A = tpu.sem_alloc : memref<!tpu.dma_semaphore, #tpu.memory_space<semaphore_mem>>
          %dma_start3A_90 = arith.constant 0 : i32
          %dma_start3A_91 = arith.constant 0 : i32
          %dma_start3A_92 = tpu.memref_slice %arg39[%dma_start3A_90, %dma_start3A_91] : memref<80x128xf32, #tpu.memory_space<vmem>> -> memref<80x128xf32, #tpu.memory_space<vmem>>
          %dma_start3A_93 = arith.constant 0 : i32
          %dma_start3A_94 = tpu.memref_slice %arg47[%mul3A_89, %dma_start3A_93] : memref<10000x128xf32, #tpu.memory_space<vmem_shared>> -> memref<80x128xf32, #tpu.memory_space<vmem_shared>>
          %dma_start3A_95 = arith.constant 0 : i32
          %dma_start3A_96 = arith.constant 0 : i32
          %dma_start3A_97 = tpu.memref_slice %arg39[%dma_start3A_95, %dma_start3A_96] : memref<80x128xf32, #tpu.memory_space<vmem>> -> memref<80x128xf32, #tpu.memory_space<vmem>>
          %dma_start3A_98 = arith.constant 0 : i32
          %dma_start3A_99 = tpu.memref_slice %arg47[%mul3A_89, %dma_start3A_98] : memref<10000x128xf32, #tpu.memory_space<vmem_shared>> -> memref<80x128xf32, #tpu.memory_space<vmem_shared>>
          tpu.enqueue_dma source(%dma_start3A_99 : memref<80x128xf32, #tpu.memory_space<vmem_shared>>) target(%dma_start3A_97 : memref<80x128xf32, #tpu.memory_space<vmem>>) target_semaphore(%run_scoped3A : memref<!tpu.dma_semaphore, #tpu.memory_space<semaphore_mem>>)
          %dma_wait3A_100 = arith.constant 0 : i32
          %dma_wait3A_101 = arith.constant 0 : i32
          %dma_wait3A_102 = tpu.memref_slice %arg39[%dma_wait3A_100, %dma_wait3A_101] : memref<80x128xf32, #tpu.memory_space<vmem>> -> memref<80x128xf32, #tpu.memory_space<vmem>>
          %dma_wait3A_103 = arith.constant 0 : i32
          %dma_wait3A_104 = tpu.memref_slice %arg47[%mul3A_89, %dma_wait3A_103] : memref<10000x128xf32, #tpu.memory_space<vmem_shared>> -> memref<80x128xf32, #tpu.memory_space<vmem_shared>>
          %dma_wait3A_105 = arith.constant 0 : i32
          %dma_wait3A_106 = arith.constant 0 : i32
          %dma_wait3A_107 = tpu.memref_slice %arg39[%dma_wait3A_105, %dma_wait3A_106] : memref<80x128xf32, #tpu.memory_space<vmem>> -> memref<80x128xf32, #tpu.memory_space<vmem>>
          %dma_wait3A_108 = arith.constant 0 : i32
          %dma_wait3A_109 = tpu.memref_slice %arg47[%mul3A_89, %dma_wait3A_108] : memref<10000x128xf32, #tpu.memory_space<vmem_shared>> -> memref<80x128xf32, #tpu.memory_space<vmem_shared>>
          tpu.wait_dma2 semaphore(%run_scoped3A : memref<!tpu.dma_semaphore, #tpu.memory_space<semaphore_mem>>) src(%dma_wait3A_109 : memref<80x128xf32, #tpu.memory_space<vmem_shared>>) dst(%dma_wait3A_107 : memref<80x128xf32, #tpu.memory_space<vmem>>)
          tpu.yield
        }) : () -> ()
        "tpu.region"() ({
          %run_scoped3A = tpu.sem_alloc : memref<!tpu.dma_semaphore, #tpu.memory_space<semaphore_mem>>
          %dma_start3A_90 = arith.constant 0 : i32
          %dma_start3A_91 = arith.constant 0 : i32
          %dma_start3A_92 = tpu.memref_slice %arg39[%dma_start3A_90, %dma_start3A_91] : memref<80x128xf32, #tpu.memory_space<vmem>> -> memref<80x128xf32, #tpu.memory_space<vmem>>
          %dma_start3A_93 = arith.constant 0 : i32
          %dma_start3A_94 = tpu.memref_slice %arg6[%arg0, %mul3A_89, %dma_start3A_93] : memref<2x10000x128xf32, #tpu.memory_space<hbm>> -> memref<1x80x128xf32, #tpu.memory_space<hbm>>
          %dma_start3A_95 = tpu.memref_squeeze %dma_start3A_94 : memref<1x80x128xf32, #tpu.memory_space<hbm>> -> memref<80x128xf32, #tpu.memory_space<hbm>>
          %dma_start3A_96 = arith.constant 0 : i32
          %dma_start3A_97 = tpu.memref_slice %arg6[%arg0, %mul3A_89, %dma_start3A_96] : memref<2x10000x128xf32, #tpu.memory_space<hbm>> -> memref<1x80x128xf32, #tpu.memory_space<hbm>>
          %dma_start3A_98 = tpu.memref_squeeze %dma_start3A_97 : memref<1x80x128xf32, #tpu.memory_space<hbm>> -> memref<80x128xf32, #tpu.memory_space<hbm>>
          %dma_start3A_99 = arith.constant 0 : i32
          %dma_start3A_100 = arith.constant 0 : i32
          %dma_start3A_101 = tpu.memref_slice %arg39[%dma_start3A_99, %dma_start3A_100] : memref<80x128xf32, #tpu.memory_space<vmem>> -> memref<80x128xf32, #tpu.memory_space<vmem>>
          tpu.enqueue_dma source(%dma_start3A_101 : memref<80x128xf32, #tpu.memory_space<vmem>>) target(%dma_start3A_98 : memref<80x128xf32, #tpu.memory_space<hbm>>) target_semaphore(%run_scoped3A : memref<!tpu.dma_semaphore, #tpu.memory_space<semaphore_mem>>)
          %dma_wait3A_102 = arith.constant 0 : i32
          %dma_wait3A_103 = arith.constant 0 : i32
          %dma_wait3A_104 = tpu.memref_slice %arg39[%dma_wait3A_102, %dma_wait3A_103] : memref<80x128xf32, #tpu.memory_space<vmem>> -> memref<80x128xf32, #tpu.memory_space<vmem>>
          %dma_wait3A_105 = arith.constant 0 : i32
          %dma_wait3A_106 = tpu.memref_slice %arg6[%arg0, %mul3A_89, %dma_wait3A_105] : memref<2x10000x128xf32, #tpu.memory_space<hbm>> -> memref<1x80x128xf32, #tpu.memory_space<hbm>>
          %dma_wait3A_107 = tpu.memref_squeeze %dma_wait3A_106 : memref<1x80x128xf32, #tpu.memory_space<hbm>> -> memref<80x128xf32, #tpu.memory_space<hbm>>
          %dma_wait3A_108 = arith.constant 0 : i32
          %dma_wait3A_109 = tpu.memref_slice %arg6[%arg0, %mul3A_89, %dma_wait3A_108] : memref<2x10000x128xf32, #tpu.memory_space<hbm>> -> memref<1x80x128xf32, #tpu.memory_space<hbm>>
          %dma_wait3A_110 = tpu.memref_squeeze %dma_wait3A_109 : memref<1x80x128xf32, #tpu.memory_space<hbm>> -> memref<80x128xf32, #tpu.memory_space<hbm>>
          %dma_wait3A_111 = arith.constant 0 : i32
          %dma_wait3A_112 = arith.constant 0 : i32
          %dma_wait3A_113 = tpu.memref_slice %arg39[%dma_wait3A_111, %dma_wait3A_112] : memref<80x128xf32, #tpu.memory_space<vmem>> -> memref<80x128xf32, #tpu.memory_space<vmem>>
          tpu.wait_dma2 semaphore(%run_scoped3A : memref<!tpu.dma_semaphore, #tpu.memory_space<semaphore_mem>>) src(%dma_wait3A_113 : memref<80x128xf32, #tpu.memory_space<vmem>>) dst(%dma_wait3A_110 : memref<80x128xf32, #tpu.memory_space<hbm>>)
          tpu.yield
        }) : () -> ()
      } else {
      }
    }
    %scan3A_81 = arith.constant 8 : i32
    return
  }
}

module attributes {stable_mosaic.version = 14 : i64} {
  func.func @_fused_mm_body(%arg0: i32, %arg1: memref<1000x128xf32, #tpu.memory_space<vmem>>, %arg2: memref<2x1000x128xf32, #tpu.memory_space<vmem>>, %arg3: memref<1x128xf32, #tpu.memory_space<vmem>>, %arg4: memref<128x128xf32, #tpu.memory_space<vmem>>, %arg5: memref<1000x128xf32, #tpu.memory_space<vmem>>) attributes {dimension_semantics = [#tpu.dimension_semantics<arbitrary>], iteration_bounds = array<i64: 10>, scalar_prefetch = 0 : i64, scratch_operands = 0 : i64, tpu.core_type = #tpu.core_type<tc>, window_params = [{transform_indices = @transform_0, window_bounds = array<i64: 1000, 128>}, {transform_indices = @transform_1, window_bounds = array<i64: 2, 1000, 128>}, {pipeline_mode = #tpu.pipeline_mode<synchronous>, transform_indices = @transform_2, window_bounds = array<i64: 1, 128>}, {pipeline_mode = #tpu.pipeline_mode<synchronous>, transform_indices = @transform_3, window_bounds = array<i64: 128, 128>}, {transform_indices = @transform_4, window_bounds = array<i64: 1000, 128>}]} {
    %get3A = arith.constant 0 : index
    %get3A_0 = arith.constant 0 : index
    %get3A_1 = vector.load %arg1[%get3A, %get3A_0] : memref<1000x128xf32, #tpu.memory_space<vmem>>, vector<1000x128xf32>
    %get3A_2 = arith.constant 0 : index
    %get3A_3 = arith.constant 0 : index
    %get3A_4 = arith.constant 0 : index
    %get3A_5 = vector.load %arg2[%get3A_2, %get3A_3, %get3A_4] : memref<2x1000x128xf32, #tpu.memory_space<vmem>>, vector<1x1000x128xf32>
    %get3A_6 = vector.shape_cast %get3A_5 : vector<1x1000x128xf32> to vector<1000x128xf32>
    %add3A = arith.addf %get3A_1, %get3A_6 : vector<1000x128xf32>
    %get3A_7 = arith.constant 1 : index
    %get3A_8 = arith.constant 0 : index
    %get3A_9 = arith.constant 0 : index
    %get3A_10 = vector.load %arg2[%get3A_7, %get3A_8, %get3A_9] : memref<2x1000x128xf32, #tpu.memory_space<vmem>>, vector<1x1000x128xf32>
    %get3A_11 = vector.shape_cast %get3A_10 : vector<1x1000x128xf32> to vector<1000x128xf32>
    %add3A_12 = arith.addf %add3A, %get3A_11 : vector<1000x128xf32>
    %get3A_13 = arith.constant 0 : index
    %get3A_14 = arith.constant 0 : index
    %get3A_15 = vector.load %arg4[%get3A_13, %get3A_14] : memref<128x128xf32, #tpu.memory_space<vmem>>, vector<128x128xf32>
    %dot_general3A = arith.constant dense<0.000000e+00> : vector<1000x128xf32>
    %dot_general3A_16 = tpu.matmul %add3A_12, %get3A_15, %dot_general3A {dimension_numbers = #tpu.dot_dimension_numbers<[1], [0], [0], [1], [0, 0, 1, 1], [], []>, transpose_lhs_hint = false} : vector<1000x128xf32>, vector<128x128xf32>, vector<1000x128xf32> -> vector<1000x128xf32>
    %get3A_17 = arith.constant 0 : index
    %get3A_18 = arith.constant 0 : index
    %get3A_19 = vector.load %arg3[%get3A_17, %get3A_18] : memref<1x128xf32, #tpu.memory_space<vmem>>, vector<1x128xf32>
    %add3A_20 = vector.broadcast %get3A_19 : vector<1x128xf32> to vector<1000x128xf32>
    %add3A_21 = arith.addf %dot_general3A_16, %add3A_20 : vector<1000x128xf32>
    %max3A = arith.constant 0.000000e+00 : f32
    %max3A_22 = vector.broadcast %max3A : f32 to vector<1000x128xf32>
    %max3A_23 = arith.maximumf %add3A_21, %max3A_22 : vector<1000x128xf32>
    %swap3A = arith.constant 0 : index
    %swap3A_24 = arith.constant 0 : index
    %swap3A_25 = vector.load %arg5[%swap3A, %swap3A_24] : memref<1000x128xf32, #tpu.memory_space<vmem>>, vector<1000x128xf32>
    tpu.vector_store %arg5[%swap3A, %swap3A_24], %max3A_23 {strides = array<i32>} : memref<1000x128xf32, #tpu.memory_space<vmem>>, vector<1000x128xf32>,
    return
  }
  func.func @transform_0(%arg0: i32) -> (i32, i32) {
    %c0_i32 = arith.constant 0 : i32
    %c0_i32_0 = arith.constant 0 : i32
    return %arg0, %c0_i32 : i32, i32
  }
  func.func @transform_1(%arg0: i32) -> (i32, i32, i32) {
    %c0_i32 = arith.constant 0 : i32
    %c0_i32_0 = arith.constant 0 : i32
    %c0_i32_1 = arith.constant 0 : i32
    return %c0_i32, %arg0, %c0_i32_0 : i32, i32, i32
  }
  func.func @transform_2(%arg0: i32) -> (i32, i32) {
    %c0_i32 = arith.constant 0 : i32
    %c0_i32_0 = arith.constant 0 : i32
    %c0_i32_1 = arith.constant 0 : i32
    return %c0_i32, %c0_i32_0 : i32, i32
  }
  func.func @transform_3(%arg0: i32) -> (i32, i32) {
    %c0_i32 = arith.constant 0 : i32
    %c0_i32_0 = arith.constant 0 : i32
    %c0_i32_1 = arith.constant 0 : i32
    return %c0_i32, %c0_i32_0 : i32, i32
  }
  func.func @transform_4(%arg0: i32) -> (i32, i32) {
    %c0_i32 = arith.constant 0 : i32
    %c0_i32_0 = arith.constant 0 : i32
    return %arg0, %c0_i32 : i32, i32
  }
}

module attributes {stable_mosaic.version = 14 : i64} {
  func.func @_fused_mm_body(%arg0: i32, %arg1: memref<1000x128xf32, #tpu.memory_space<vmem>>, %arg2: memref<2x1000x128xf32, #tpu.memory_space<vmem>>, %arg3: memref<1x64xf32, #tpu.memory_space<vmem>>, %arg4: memref<128x64xf32, #tpu.memory_space<vmem>>, %arg5: memref<1000x64xf32, #tpu.memory_space<vmem>>) attributes {dimension_semantics = [#tpu.dimension_semantics<arbitrary>], iteration_bounds = array<i64: 10>, scalar_prefetch = 0 : i64, scratch_operands = 0 : i64, tpu.core_type = #tpu.core_type<tc>, window_params = [{transform_indices = @transform_0, window_bounds = array<i64: 1000, 128>}, {transform_indices = @transform_1, window_bounds = array<i64: 2, 1000, 128>}, {pipeline_mode = #tpu.pipeline_mode<synchronous>, transform_indices = @transform_2, window_bounds = array<i64: 1, 64>}, {pipeline_mode = #tpu.pipeline_mode<synchronous>, transform_indices = @transform_3, window_bounds = array<i64: 128, 64>}, {transform_indices = @transform_4, window_bounds = array<i64: 1000, 64>}]} {
    %get3A = arith.constant 0 : index
    %get3A_0 = arith.constant 0 : index
    %get3A_1 = vector.load %arg1[%get3A, %get3A_0] : memref<1000x128xf32, #tpu.memory_space<vmem>>, vector<1000x128xf32>
    %get3A_2 = arith.constant 0 : index
    %get3A_3 = arith.constant 0 : index
    %get3A_4 = arith.constant 0 : index
    %get3A_5 = vector.load %arg2[%get3A_2, %get3A_3, %get3A_4] : memref<2x1000x128xf32, #tpu.memory_space<vmem>>, vector<1x1000x128xf32>
    %get3A_6 = vector.shape_cast %get3A_5 : vector<1x1000x128xf32> to vector<1000x128xf32>
    %add3A = arith.addf %get3A_1, %get3A_6 : vector<1000x128xf32>
    %get3A_7 = arith.constant 1 : index
    %get3A_8 = arith.constant 0 : index
    %get3A_9 = arith.constant 0 : index
    %get3A_10 = vector.load %arg2[%get3A_7, %get3A_8, %get3A_9] : memref<2x1000x128xf32, #tpu.memory_space<vmem>>, vector<1x1000x128xf32>
    %get3A_11 = vector.shape_cast %get3A_10 : vector<1x1000x128xf32> to vector<1000x128xf32>
    %add3A_12 = arith.addf %add3A, %get3A_11 : vector<1000x128xf32>
    %get3A_13 = arith.constant 0 : index
    %get3A_14 = arith.constant 0 : index
    %get3A_15 = vector.load %arg4[%get3A_13, %get3A_14] : memref<128x64xf32, #tpu.memory_space<vmem>>, vector<128x64xf32>
    %dot_general3A = arith.constant dense<0.000000e+00> : vector<1000x64xf32>
    %dot_general3A_16 = tpu.matmul %add3A_12, %get3A_15, %dot_general3A {dimension_numbers = #tpu.dot_dimension_numbers<[1], [0], [0], [1], [0, 0, 1, 1], [], []>, transpose_lhs_hint = false} : vector<1000x128xf32>, vector<128x64xf32>, vector<1000x64xf32> -> vector<1000x64xf32>
    %get3A_17 = arith.constant 0 : index
    %get3A_18 = arith.constant 0 : index
    %get3A_19 = vector.load %arg3[%get3A_17, %get3A_18] : memref<1x64xf32, #tpu.memory_space<vmem>>, vector<1x64xf32>
    %add3A_20 = vector.broadcast %get3A_19 : vector<1x64xf32> to vector<1000x64xf32>
    %add3A_21 = arith.addf %dot_general3A_16, %add3A_20 : vector<1000x64xf32>
    %swap3A = arith.constant 0 : index
    %swap3A_22 = arith.constant 0 : index
    %swap3A_23 = vector.load %arg5[%swap3A, %swap3A_22] : memref<1000x64xf32, #tpu.memory_space<vmem>>, vector<1000x64xf32>
    tpu.vector_store %arg5[%swap3A, %swap3A_22], %add3A_21 {strides = array<i32>} : memref<1000x64xf32, #tpu.memory_space<vmem>>, vector<1000x64xf32>,
    return
  }
  func.func @transform_0(%arg0: i32) -> (i32, i32) {
    %c0_i32 = arith.constant 0 : i32
    %c0_i32_0 = arith.constant 0 : i32
    return %arg0, %c0_i32 : i32, i32
  }
  func.func @transform_1(%arg0: i32) -> (i32, i32, i32) {
    %c0_i32 = arith.constant 0 : i32
    %c0_i32_0 = arith.constant 0 : i32
    %c0_i32_1 = arith.constant 0 : i32
    return %c0_i32, %arg0, %c0_i32_0 : i32, i32, i32
  }
  func.func @transform_2(%arg0: i32) -> (i32, i32) {
    %c0_i32 = arith.constant 0 : i32
    %c0_i32_0 = arith.constant 0 : i32
    %c0_i32_1 = arith.constant 0 : i32
    return %c0_i32, %c0_i32_0 : i32, i32
  }
  func.func @transform_3(%arg0: i32) -> (i32, i32) {
    %c0_i32 = arith.constant 0 : i32
    %c0_i32_0 = arith.constant 0 : i32
    %c0_i32_1 = arith.constant 0 : i32
    return %c0_i32, %c0_i32_0 : i32, i32
  }
  func.func @transform_4(%arg0: i32) -> (i32, i32) {
    %c0_i32 = arith.constant 0 : i32
    %c0_i32_0 = arith.constant 0 : i32
    return %arg0, %c0_i32 : i32, i32
  }
}

</mosaic_0001>

<sc_bundles>
// kernel: kernel.6.cloned.1.call-start
scs
__scs_entry_jumppad:
0x0: {  	(pc) =	sbr.rel $0x88, $3  }
0x1: {  	(tag) =	ssettag $0x0;
	lr =	simm.s32 $0x1  }
0x2: {  	[smem:$0x3F9B] =	sst lr;
	_ =	strace $0xD0000000  }
0x3: {  	_ = 	snop  }
0x4: {  	_ = 	snop  }
0x5: {  	_ = 	snop  }
0x6: {  	_ = 	snop  }
0x7: {  	_ = 	snop  }
__scs_overlays_trampoline_lowered:
0x8: {  	[smem:$0x3FAA] =	sst s0  }
0x9: {  	[smem:$0x3FAB] =	sst s1  }
0xa: {  	[smem:$0x3FAC] =	sst s2  }
0xb: {  	[smem:$0x3FAD] =	sst s3  }
0xc: {  	[smem:$0x3FAE] =	sst s4  }
0xd: {  	[smem:$0x3FAF] =	sst s5  }
0xe: {  	[smem:$0x3FB0] =	sst s6  }
0xf: {  	[smem:$0x3FB1] =	sst s7  }
0x10: {  	[smem:$0x3FB2] =	sst s8  }
0x11: {  	[smem:$0x3FB3] =	sst s9;
	s0 =	simm.s32 @!p0 $0x0  }
0x12: {  	s1 =	sld [smem:$0x3F99];
	s0 =	simm.s32 @p0 $0x1  }
0x13: {  	[smem:$0x3FB4] =	sst s0;
	s0 =	simm.s32 @!p1 $0x0  }
0x14: {  	s2 =	sld [smem:$0x3F98];
	s0 =	simm.s32 @p1 $0x1  }
0x15: {  	[smem:$0x3FB5] =	sst s0;
	s0 =	simm.s32 @!p2 $0x0  }
0x16: {  	s3 =	sld [smem:$0x3FDB];
	s0 =	simm.s32 @p2 $0x1  }
0x17: {  	s4 =	simm.s32 $0x1BF5;
	[smem:$0x3FB7] =	sst s0  }
0x18: {  	s0 =	sld [smem:$0x3F9A];
	_ =	swait.ge [sflag:s4], $0x0  }
0x19: {  	s7 =	sld [smem:$0x3F9B]  }
0x1a: {  	s8 =	sadd.s32 $0xFFFFE003, lr  }
0x1b: {  	s9 =	sadd.s32 $0xFFFFFEF7, lr;
	s5 =	simm.s32 $0xFFFFFFFF;
	p2 =	slt.u32 s8, $0xFFFFF086  }
0x1c: {  	p1 =	slt.u32 s9, $0xF7A;
	s5 =	simm.s32 @!p2 $0x0  }
0x1d: {  	s5 =	simm.s32 @p1 $0x1;
	p0 =	seq.s32 s7, s2  }
0x1e: {  	s7 =	smul.u32 @!p0 $0xF7A, s2;
	p2 =	seq.s32 @!p0 s5, $0x0  }
0x1f: {  	s9 =	smul.u32 $0xF7A, s1;
	s8 =	simm.s32 @!p0 $0x1BF5;
	p2 =	por !p2, p0  }
0x20: {  	[sflag:s8] =	ssyncset.s32 @!p0 $0xFFFFF086;
	s6 =	sadd.s32 @!p0 s3, s7;
	s7 =	simm.s32 @!p0 $0x108  }
0x21: {  	s3 =	sadd.s32 s3, s9;
	s6 =	sadd.s32 @!p0 $0x88, s6;
	s7 =	simm.s32 @p2 $0x1082  }
0x22: {  	[simem:s7], [sflag:s8] =	dma.local @!p0 [hbm:s6], $0xF7A  }
0x23: {  	s9 =	sor.u32 $0xD0000000, s2;
	s6 =	simm.s32 $0x108;
	_ =	swait.ge @!p0 [sflag:s8], $0x0  }
0x24: {  	s3 =	sadd.s32 $0x88, s3;
	s6 =	simm.s32 @!p1 $0x1082;
	[sflag:s4] =	ssyncset.s32 $0xFFFFF086  }
0x25: {  	[simem:s6], [sflag:s4] =	dma.local [hbm:s3], $0xF7A  }
0x26: {  	[smem:$0x3F9B] =	sst s1;
	(tag) =	ssettag s2;
	_ =	strace s9  }
0x27: {  	s1 =	sld [smem:$0x3FAB]  }
0x28: {  	s2 =	sld [smem:$0x3FAC]  }
0x29: {  	s4 =	sld [smem:$0x3FAE]  }
0x2a: {  	p0 =	seq.s32 s5, $0x0;
	s5 =	sld [smem:$0x3FAF]  }
0x2b: {  	s6 =	sld [smem:$0x3FB0]  }
0x2c: {  	s7 =	sld [smem:$0x3FB1]  }
0x2d: {  	s3 =	simm.s32 $0x108;
	s8 =	sld [smem:$0x3FB2]  }
0x2e: {  	s3 =	simm.s32 @!p0 $0x1082;
	s9 =	sld [smem:$0x3FB3]  }
0x2f: {  	lr =	sadd.s32 s0, s3;
	s0 =	sld [smem:$0x3FAA]  }
0x30: {  	s3 =	sld [smem:$0x3FAD]  }
0x31: {  	[smem:$0x3FB6] =	sst s10  }
0x32: {  	s10 =	sld [smem:$0x3FB4];
	_ =	sdelay $0x3  }
0x33: {  	p0 =	seq.s32 s10, $0x1;
	s10 =	sld [smem:$0x3FB6];
	_ =	sdelay $0x3  }
0x34: {  	[smem:$0x3FB6] =	sst s10  }
0x35: {  	s10 =	sld [smem:$0x3FB5];
	_ =	sdelay $0x3  }
0x36: {  	p1 =	seq.s32 s10, $0x1;
	s10 =	sld [smem:$0x3FB6];
	_ =	sdelay $0x3  }
0x37: {  	[smem:$0x3FB6] =	sst s10  }
0x38: {  	s10 =	sld [smem:$0x3FB7]  }
0x39: {  	_ = 	snop;
	(pc) =	sbr.ind lr, $3  }
0x3a: {  	_ = 	snop  }
0x3b: {  	_ = 	snop  }
0x3c: {  	p2 =	seq.s32 s10, $0x1;
	s10 =	sld [smem:$0x3FB6]  }
0x3d: {  	_ =	shalt  }
0x3e: {  	_ =	shalt  }
0x3f: {  	_ =	shalt  }
0x40: {  	_ =	shalt  }
0x41: {  	_ =	shalt  }
0x42: {  	_ =	shalt  }
0x43: {  	_ =	shalt  }
0x44: {  	_ =	shalt  }
0x45: {  	_ =	shalt  }
0x46: {  	_ =	shalt  }
0x47: {  	_ =	shalt  }
0x48: {  	_ =	shalt  }
0x49: {  	_ =	shalt  }
0x4a: {  	_ =	shalt  }
0x4b: {  	_ =	shalt  }
0x4c: {  	_ =	shalt  }
0x4d: {  	_ =	shalt  }
0x4e: {  	_ =	shalt  }
0x4f: {  	_ =	shalt  }
0x50: {  	_ =	shalt  }
0x51: {  	_ =	shalt  }
0x52: {  	_ =	shalt  }
0x53: {  	_ =	shalt  }
0x54: {  	_ =	shalt  }
0x55: {  	_ =	shalt  }
0x56: {  	_ =	shalt  }
0x57: {  	_ =	shalt  }
0x58: {  	_ =	shalt  }
0x59: {  	_ =	shalt  }
0x5a: {  	_ =	shalt  }
0x5b: {  	_ =	shalt  }
0x5c: {  	_ =	shalt  }
0x5d: {  	_ =	shalt  }
0x5e: {  	_ =	shalt  }
0x5f: {  	_ =	shalt  }
0x60: {  	_ =	shalt  }
0x61: {  	_ =	shalt  }
0x62: {  	_ =	shalt  }
0x63: {  	_ =	shalt  }
0x64: {  	_ =	shalt  }
0x65: {  	_ =	shalt  }
0x66: {  	_ =	shalt  }
0x67: {  	_ =	shalt  }
0x68: {  	_ =	shalt  }
0x69: {  	_ =	shalt  }
0x6a: {  	_ =	shalt  }
0x6b: {  	_ =	shalt  }
0x6c: {  	_ =	shalt  }
0x6d: {  	_ =	shalt  }
0x6e: {  	_ =	shalt  }
0x6f: {  	_ =	shalt  }
0x70: {  	_ =	shalt  }
0x71: {  	_ =	shalt  }
0x72: {  	_ =	shalt  }
0x73: {  	_ =	shalt  }
0x74: {  	_ =	shalt  }
0x75: {  	_ =	shalt  }
0x76: {  	_ =	shalt  }
0x77: {  	_ =	shalt  }
0x78: {  	_ =	shalt  }
0x79: {  	_ =	shalt  }
0x7a: {  	_ =	shalt  }
0x7b: {  	_ =	shalt  }
0x7c: {  	_ =	shalt  }
0x7d: {  	_ =	shalt  }
0x7e: {  	_ =	shalt  }
0x7f: {  	_ =	shalt  }
0x80: {  	_ =	shalt  }
0x81: {  	_ =	shalt  }
0x82: {  	_ =	shalt  }
0x83: {  	_ =	shalt  }
0x84: {  	_ =	shalt  }
0x85: {  	_ =	shalt  }
0x86: {  	_ =	shalt  }
0x87: {  	_ =	shalt  }
.Lfunc_end0:
.L_simem_size_0:
called_computation_lowered:
.L_overlay_start_0:
0x88: {  	s2 =	sld [smem:$0x3FD9]  }
0x89: {  	s3 =	sld [smem:$0x3FFE];
	_ =	sdelay $0x1  }
0x8a: {  	s1 =	srdreg.scid  }
0x8b: {  	s0 =	sand.u32 $0x1, s1  }
0x8c: {  	s17 =	sshll.u32 s0, $0xA;
	s2 =	sadd.s32 s3, s2  }
0x8d: {  	s2 =	sadd.s32 s2, s17  }
0x8e: {  	[smem:$0x3FC2] =	sst s2  }
0x8f: {  	_ = 	snop  }
0x90: {  	s2 =	sld [smem:$0x3FC9]  }
0x91: {  	s18 =	sld [smem:$0x3FD0];
	(tm) =	ssettm $0x1  }
0x92: {  	s4 =	sld [smem:$0x3FFB];
	_ =	sdelay $0x3  }
0x93: {  	_ =	strace s4  }
0x94: {  	s4 =	sld [smem:$0x3FFC];
	_ =	sdelay $0x3  }
0x95: {  	_ =	strace s4  }
0x96: {  	s4 =	sld [smem:$0x3FFD];
	_ =	sdelay $0x3  }
0x97: {  	_ =	strace s4  }
0x98: {  	_ =	strace $0x8FFFFFFF  }
0x99: {  	s19 =	sld [smem:$0x3FDB];
	_ =	sdelay $0x1  }
0x9a: {  	s5 =	simm.s32 $_scs_section_size  }
0x9b: {  	s6 =	simm.s32 $_size__tile_overlayer_lowered;
	s7 =	simm.s32 $_tile_overlayer_lowered  }
0x9c: {  	s22 =	simm.s32 $0x1BFF;
	s21 =	sshll.u32 s7, $0x1;
	s4 =	sadd.s32 s5, s19  }
0x9d: {  	s8 =	simm.s32 $0x0;
	s20 =	sshll.u32 s6, $0x1;
	s6 =	sadd.s32 s21, s4  }
0x9e: {  	[timem:s8], [sflag:s22] =	dma.local [hbm:s6], s20  }
0x9f: {  	_ =	swait.ge [sflag:s22], s20  }
0xa0: {  	s5 =	ssub.s32 $0x0, s20;
	[sflag:s22] =	ssyncset.done $0x0  }
0xa1: {  	[sflag:s22] =	ssyncadd.s32 s5;
	_ =	sdelay $0x1  }
0xa2: {  	s23 =	simm.s32 $0x1B8B  }
0xa3: {  	_ =	swait.ge [sflag:s23], $0x1  }
0xa4: {  	[sflag:s23] =	ssyncset.done $0x0  }
0xa5: {  	s25 =	simm.s32 $0x1B8E;
	s24 =	sld [smem:$0x3FFE];
	[sflag:s23] =	ssyncadd.s32 $0xFFFFFFFF  }
0xa6: {  	s26 =	simm.s32 $execute0_lowered;
	[smem:$0x3FD2] =	sst s25  }
0xa7: {  	s6 =	sshll.u32 s26, $0x1;
	_ =	strace $0x80000046;
	[dreg:$0x1] =	wrdreg $0xFFFFFFFF  }
0xa8: {  	s28 =	simm.s32 $_size_execute0_lowered;
	s4 =	sadd.s32 s4, s6;
	[dreg:$0x0] =	wrdreg $0x0  }
0xa9: {  	s6 =	sshll.u32 s28, $0x1;
	[dreg:$0x2] =	wrdreg s4  }
0xaa: {  	[dreg:$0x3] =	wrdreg s6  }
0xab: {  	[dreg:$0x4] =	wrdreg $0xC0  }
0xac: {  	_ =	task [dreg:s8], $0x5FFFF  }
0xad: {  	[dreg:$0x1] =	wrdreg $0xFFFFFFFF  }
0xae: {  	[dreg:$0x0] =	wrdreg $0x60  }
0xaf: {  	[dreg:$0x2] =	wrdreg s2  }
0xb0: {  	[dreg:$0x3] =	wrdreg s24  }
0xb1: {  	[dreg:$0x4] =	wrdreg s18  }
0xb2: {  	[dreg:$0x5] =	wrdreg $0xA8000  }
0xb3: {  	[dreg:$0x6] =	wrdreg $0x9  }
0xb4: {  	_ =	task.clear_ibuf [dreg:s8], $0x7FFFF;
	_ =	strace $0x90000046  }
0xb5: {  	s29 =	simm.s32 $0x9;
	_ =	strace $0x80000048  }
0xb6: {  	_ =	swait.ge [sflag:s29], $0x1  }
0xb7: {  	[sflag:s29] =	ssyncadd.s32 $0xFFFFFFFF  }
0xb8: {  	_ =	strace $0x90000048  }
0xb9: {  	_ =	sfence  }
0xba: {  	s30 =	sld [smem:$0x0];
	_ =	sdelay $0x2  }
0xbb: {  	s31 =	sshll.u32 s1, $0xD;
	s1 =	sshrl.u32 s1, $0x2  }
0xbc: {  	s3 =	sand.u32 $0x4000, s31;
	s1 =	sadd.s32 s1, s30  }
0xbd: {  	s0 =	sor.u32 s3, s0;
	s1 =	sshll.u32 s1, $0x11  }
0xbe: {  	s0 =	sor.u32 s1, s0  }
0xbf: {  	s0 =	sadd.s32 $0x8F2B, s0  }
0xc0: {  	[sflag:s0] =	ssyncadd.remote.s32 $0x1  }
0xc1: {  	_ =	sfence.sel $0xFFFF  }
0xc2: {  	[dreg:$0x0] =	wrdreg $0xFFFFFFFF;
	(pc) =	sbr.abs _section_cstart, $3  }
0xc3: {  	[dreg:$0x1] =	wrdreg $0xFFFFFFFF  }
0xc4: {  	_ =	task.clear_ibuf [dreg:s8], $0x2FFFF;
	_ =	strace $0x9FFFFFFF  }
0xc5: {  	(tm) =	ssettm $0x7FFFFFFF  }
tec
execute0_lowered:
.L_overlay_start_1:
0x0: {  	(tag) =	ssettag $0x1  }
0x1: {  	s0 =	srdreg.scid;
	s23 =	stileid.u32  }
0x2: {  	s2 =	sand.u32 $0x1, s0;
	s13 =	smul.u32 $0x2800, s23  }
0x3: {  	s9 =	sor.u32 $0x10, s23;
	s12 =	smul.u32 $0x138800, s2  }
0x4: {  	s5 =	sor.u32 $0x20, s23;
	s14 =	smul.u32 $0x2800, s9  }
0x5: {  	s6 =	sor.u32 $0x30, s23;
	s15 =	smul.u32 $0x2800, s5  }
0x6: {  	s7 =	sor.u32 $0x40, s23;
	s16 =	smul.u32 $0x2800, s6  }
0x7: {  	s1 =	rddreg [dreg:$0x0];
	s8 =	sor.u32 $0x50, s23;
	s18 =	smul.u32 $0x2800, s7  }
0x8: {  	s11 =	rddreg [dreg:$0x1];
	s17 =	sshll.u32 s23, $0x1;
	s19 =	smul.u32 $0x2800, s8  }
0x9: {  	s0 =	ssub.s32 $0x2, s2;
	s17 =	sor.u32 s2, s17;
	s2 =	smul.u32 $0x2710, s2  }
0xa: {  	s22 =	rddreg [dreg:$0x2];
	s9 =	smul.u32 $0xA000, s9  }
0xb: {  	s3 =	rddreg [dreg:$0x3];
	s30 =	simm.s32 $0x0;
	s5 =	smul.u32 $0xA000, s5  }
0xc: {  	s29 =	simm.s32 $0x9;
	s31 =	simm.s32 $0x12;
	s6 =	smul.u32 $0xA000, s6  }
0xd: {  	[smem:$0x7FF] =	sst s30;
	s7 =	smul.u32 $0xA000, s7;
	s4 =	sshrl.u32 s0, $0x1  }
0xe: {  	s17 =	smul.u32 $0x2710, s17;
	s10 =	ssub.s32 s0, s4;
	s4 =	sor.u32 $0x60, s23  }
0xf: {  	s0 =	sor.u32 $0x70, s23;
	s13 =	sadd.s32 s12, s13;
	s14 =	sadd.s32 s12, s14  }
0x10: {  	s15 =	sadd.s32 s12, s15;
	s16 =	sadd.s32 s12, s16;
	s18 =	sadd.s32 s12, s18  }
0x11: {  	s19 =	sadd.s32 s12, s19;
	s9 =	sshrl.u32 s9, $0x2;
	s5 =	sshrl.u32 s5, $0x2  }
0x12: {  	s6 =	sshrl.u32 s6, $0x2;
	s7 =	sshrl.u32 s7, $0x2;
	s20 =	smul.u32 $0x2800, s4  }
0x13: {  	s21 =	smul.u32 $0x2800, s0;
	s13 =	sshrl.u32 s13, $0x3;
	s14 =	sshrl.u32 s14, $0x3  }
0x14: {  	s24 =	sshrl.u32 s15, $0x3;
	s25 =	sshrl.u32 s16, $0x3;
	s26 =	sshrl.u32 s18, $0x3  }
0x15: {  	s20 =	sadd.s32 s12, s20;
	s12 =	sadd.s32 s12, s21;
	s21 =	sadd.s32 $0xBC00, s11  }
0x16: {  	s16 =	sshrl.u32 s19, $0x3;
	s19 =	smul.u32 $0x4E20, s23;
	s13 =	sadd.s32 s21, s13  }
0x17: {  	s10 =	smax.u32 s10, $0x1;
	s14 =	sadd.s32 s21, s14;
	[dreg:$0x5] =	wrdreg s13  }
0x18: {  	s4 =	smul.u32 $0xA000, s4;
	s15 =	sadd.s32 s21, s26;
	[dreg:$0x6] =	wrdreg s14  }
0x19: {  	s12 =	sshrl.u32 s12, $0x3;
	s13 =	sadd.s32 s21, s24;
	[dreg:$0x9] =	wrdreg s15  }
0x1a: {  	s7 =	sadd.s32 s7, s3;
	s12 =	sadd.s32 s21, s12;
	[dreg:$0x7] =	wrdreg s13  }
0x1b: {  	s18 =	sshrl.u32 s20, $0x3;
	s13 =	sadd.s32 s21, s25;
	[dreg:$0xc] =	wrdreg s12  }
0x1c: {  	s14 =	sadd.s32 $0x1800, s11;
	[dreg:$0x8] =	wrdreg s13;
	s13 =	sadd.s32 s21, s16  }
0x1d: {  	s12 =	sshrl.u32 s17, $0x3;
	[dreg:$0xa] =	wrdreg s13;
	s13 =	sadd.s32 s21, s18  }
0x1e: {  	s11 =	sadd.s32 $0xB600, s11;
	s20 =	sadd.s32 $0xA, s12;
	[dreg:$0xb] =	wrdreg s13  }
0x1f: {  	s21 =	sadd.s32 s14, s20;
	_ =	strace $0x80000047;
	[dreg:$0xd] =	wrdreg s11  }
0x20: {  	s24 =	sadd.s32 $0x14, s12;
	s13 =	sadd.s32 s22, s20;
	[dreg:$0xe] =	wrdreg s21  }
0x21: {  	s26 =	sadd.s32 $0x1E, s12;
	s25 =	sadd.s32 s14, s24;
	[dreg:$0xf] =	wrdreg s13  }
0x22: {  	s16 =	sadd.s32 $0x28, s12;
	s15 =	sadd.s32 s14, s26;
	[dreg:$0x10] =	wrdreg s25  }
0x23: {  	p0 =	sgt.u32 s0, $0x7C;
	s17 =	sadd.s32 s14, s16;
	[dreg:$0x12] =	wrdreg s15  }
0x24: {  	s0 =	smul.u32 $0xA000, s0;
	s18 =	sadd.s32 s14, s12;
	[dreg:$0x14] =	wrdreg s17  }
0x25: {  	s2 =	sadd.s32 s2, s19;
	s19 =	sadd.s32 s22, s12;
	[dreg:$0x16] =	wrdreg s18  }
0x26: {  	s4 =	sshrl.u32 s4, $0x2;
	s0 =	sshrl.u32 s0, $0x2;
	[dreg:$0x17] =	wrdreg s19  }
0x27: {  	s20 =	sadd.s32 $0x32, s12;
	s12 =	sadd.s32 $0x3C, s12;
	[dreg:$0x1c] =	wrdreg s10  }
0x28: {  	s11 =	sadd.s32 s22, s24;
	s13 =	sadd.s32 s22, s26;
	[smem:$0x7FA] =	sst s7  }
0x29: {  	s21 =	sadd.s32 s14, s20;
	s24 =	smul.u32 $0xA000, s23;
	[dreg:$0x11] =	wrdreg s11  }
0x2a: {  	s25 =	sadd.s32 s14, s12;
	s26 =	sadd.s32 s22, s12;
	[dreg:$0x13] =	wrdreg s13  }
0x2b: {  	s15 =	smul.u32 $0xA000, s8;
	s8 =	sadd.s32 s6, s3;
	[dreg:$0x18] =	wrdreg s21  }
0x2c: {  	s6 =	sadd.s32 s4, s3;
	s17 =	sadd.s32 $0x410, s2;
	[dreg:$0x1a] =	wrdreg s25  }
0x2d: {  	s10 =	sadd.s32 $0x370, s2;
	s11 =	sadd.s32 s22, s16;
	[dreg:$0x1b] =	wrdreg s26  }
0x2e: {  	s21 =	sadd.s32 s5, s3;
	s16 =	sadd.s32 $0x460, s2;
	s18 =	sshrl.u32 s17, $0x3  }
0x2f: {  	s25 =	sadd.s32 $0x3C0, s2;
	s17 =	sadd.s32 $0x2D0, s2;
	[smem:$0x7F9] =	sst s8  }
0x30: {  	[dreg:$0x15] =	wrdreg s11;
	s11 =	sadd.s32 s22, s20;
	s12 =	sshrl.u32 s24, $0x2  }
0x31: {  	s20 =	sadd.s32 s9, s3;
	s5 =	sshrl.u32 s15, $0x2;
	[dreg:$0x1f] =	wrdreg s21  }
0x32: {  	s4 =	sshrl.u32 s16, $0x3;
	s24 =	sadd.s32 s18, s22;
	[dreg:$0x19] =	wrdreg s11  }
0x33: {  	s9 =	sadd.s32 s0, s3;
	s0 =	sadd.s32 s18, s14;
	[smem:$0x7EE] =	sst s24  }
0x34: {  	s26 =	sshrl.u32 s25, $0x3;
	s18 =	sshrl.u32 s17, $0x3;
	[smem:$0x7EF] =	sst s0  }
0x35: {  	s17 =	simm.s32 $0x2;
	s13 =	sadd.s32 s12, s3;
	[dreg:$0x1e] =	wrdreg s20  }
0x36: {  	s23 =	sadd.s32 s5, s3;
	s19 =	sadd.s32 s4, s22;
	[dreg:$0x1d] =	wrdreg s13  }
0x37: {  	s4 =	sadd.s32 s4, s14;
	s11 =	sadd.s32 s26, s22;
	[smem:$0x7EC] =	sst s19  }
0x38: {  	s12 =	sadd.s32 $0x320, s2;
	s0 =	sadd.s32 s26, s14;
	[smem:$0x7ED] =	sst s4  }
0x39: {  	s24 =	sadd.s32 s18, s22;
	s4 =	sshrl.u32 s10, $0x3;
	[smem:$0x7F0] =	sst s11  }
0x3a: {  	[smem:$0x7F1] =	sst s0;
	s13 =	sshrl.u32 s12, $0x3;
	s19 =	sadd.s32 $0x230, s2  }
0x3b: {  	[smem:$0x7F6] =	sst s24;
	s2 =	sadd.s32 $0x280, s2;
	s24 =	smov.u32 s14  }
0x3c: {  	s10 =	simm.s32 $0x800;
	s12 =	simm.s32 $0x8;
	[smem:$0x7FB] =	sst s23  }
0x3d: {  	s11 =	simm.s32 $0xA;
	s15 =	sadd.s32 s4, s22;
	[smem:$0x7F8] =	sst s2  }
0x3e: {  	s4 =	sadd.s32 s4, s14;
	s16 =	sadd.s32 s13, s22;
	[smem:$0x7F2] =	sst s15  }
0x3f: {  	s0 =	sadd.s32 s13, s14;
	s25 =	sshrl.u32 s19, $0x3;
	[smem:$0x7F3] =	sst s4  }
0x40: {  	s19 =	simm.s32 $0x15;
	s13 =	simm.s32 $0x7;
	[smem:$0x7F4] =	sst s16  }
0x41: {  	[smem:$0x7F5] =	sst s0;
	s0 =	sadd.s32 s18, s14;
	s26 =	sadd.s32 s25, s22  }
.Ltmp0:
0x42: {  	s22 =	smov.u32 s9;
	s28 =	sadd.s32 s25, s14;
	(pc) =	sbr.rel .LBB2_1-.Ltmp0, $4  }
0x43: {  	s14 =	smov.u32 s6;
	s9 =	simm.s32 $0x50;
	s25 =	simm.s32 $0x3000  }
0x44: {  	s15 =	simm.s32 $0x8000;
	s16 =	simm.s32 $0x11;
	[smem:$0x7F7] =	sst s0  }
0x45: {  	s18 =	simm.s32 $0x16;
	s4 =	simm.s32 $0x14;
	[smem:$0x7FC] =	sst s14  }
0x46: {  	s6 =	simm.s32 $0x0;
	s0 =	simm.s32 $0x4;
	[smem:$0x7FD] =	sst s22  }
.LBB2_5:
0x47: {  	[bflag:$0x0] =	sbarrier.arrive $0xFFFF  }
0x48: {  	s2 =	rddreg [dreg:$0x1d]  }
0x49: {  	[tilespmem:s10], [sflag:$0x16] =	stream.linear.gather [spmem:s2], $0x2800, $0x38;
	[tilespmem:$0x1E080] =	vst v63  }
0x4a: {  	_ =	swait.ge [sflag:s18], $0x2800  }
0x4b: {  	s30 =	simm.s32 $0x0;
	[sflag:s18] =	ssyncset.done $0x0  }
0x4c: {  	s19 =	simm.s32 $0x15;
	s21 =	rddreg [dreg:$0x5];
	[sflag:s18] =	ssyncadd.s32 $0xFFFFD800  }
0x4d: {  	[hbm4b:s21+s30] =	stream.linear.scatter [tilespmem:s10], [sflag:$0x15], $0x2800, $0x38;
	[tilespmem:$0x1E080] =	vst v63  }
0x4e: {  	_ =	swait.ge [sflag:s19], $0x2800  }
0x4f: {  	[sflag:s19] =	ssyncset.done $0x0  }
0x50: {  	s20 =	rddreg [dreg:$0x1e];
	[sflag:s19] =	ssyncadd.s32 $0xFFFFD800  }
0x51: {  	[tilespmem:s10], [sflag:$0x16] =	stream.linear.gather [spmem:s20], $0x2800, $0x38;
	[tilespmem:$0x1E080] =	vst v63  }
0x52: {  	_ =	swait.ge [sflag:s18], $0x2800  }
0x53: {  	[sflag:s18] =	ssyncset.done $0x0  }
0x54: {  	s22 =	rddreg [dreg:$0x6];
	[sflag:s18] =	ssyncadd.s32 $0xFFFFD800  }
0x55: {  	[hbm4b:s22+s30] =	stream.linear.scatter [tilespmem:s10], [sflag:$0x15], $0x2800, $0x38;
	[tilespmem:$0x1E080] =	vst v63  }
0x56: {  	_ =	swait.ge [sflag:s19], $0x2800  }
0x57: {  	[sflag:s19] =	ssyncset.done $0x0  }
0x58: {  	s21 =	rddreg [dreg:$0x1f];
	[sflag:s19] =	ssyncadd.s32 $0xFFFFD800  }
0x59: {  	[tilespmem:s10], [sflag:$0x16] =	stream.linear.gather [spmem:s21], $0x2800, $0x38;
	[tilespmem:$0x1E080] =	vst v63  }
0x5a: {  	_ =	swait.ge [sflag:s18], $0x2800  }
0x5b: {  	[sflag:s18] =	ssyncset.done $0x0  }
0x5c: {  	s23 =	rddreg [dreg:$0x7];
	[sflag:s18] =	ssyncadd.s32 $0xFFFFD800  }
0x5d: {  	[hbm4b:s23+s30] =	stream.linear.scatter [tilespmem:s10], [sflag:$0x15], $0x2800, $0x38;
	[tilespmem:$0x1E080] =	vst v63  }
0x5e: {  	_ =	swait.ge [sflag:s19], $0x2800  }
0x5f: {  	s8 =	sld [smem:$0x7F9]  }
0x60: {  	[sflag:s19] =	ssyncset.done $0x0  }
0x61: {  	[sflag:s19] =	ssyncadd.s32 $0xFFFFD800  }
0x62: {  	[tilespmem:s10], [sflag:$0x16] =	stream.linear.gather [spmem:s8], $0x2800, $0x38;
	[tilespmem:$0x1E080] =	vst v63  }
0x63: {  	_ =	swait.ge [sflag:s18], $0x2800  }
0x64: {  	[sflag:s18] =	ssyncset.done $0x0  }
0x65: {  	s5 =	rddreg [dreg:$0x8];
	[sflag:s18] =	ssyncadd.s32 $0xFFFFD800  }
0x66: {  	[hbm4b:s5+s30] =	stream.linear.scatter [tilespmem:s10], [sflag:$0x15], $0x2800, $0x38;
	[tilespmem:$0x1E080] =	vst v63  }
0x67: {  	_ =	swait.ge [sflag:s19], $0x2800  }
0x68: {  	s7 =	sld [smem:$0x7FA]  }
0x69: {  	[sflag:s19] =	ssyncset.done $0x0  }
0x6a: {  	[sflag:s19] =	ssyncadd.s32 $0xFFFFD800  }
0x6b: {  	[tilespmem:s10], [sflag:$0x16] =	stream.linear.gather [spmem:s7], $0x2800, $0x38;
	[tilespmem:$0x1E080] =	vst v63  }
0x6c: {  	_ =	swait.ge [sflag:s18], $0x2800  }
0x6d: {  	[sflag:s18] =	ssyncset.done $0x0  }
0x6e: {  	s6 =	rddreg [dreg:$0x9];
	[sflag:s18] =	ssyncadd.s32 $0xFFFFD800  }
0x6f: {  	[hbm4b:s6+s30] =	stream.linear.scatter [tilespmem:s10], [sflag:$0x15], $0x2800, $0x38;
	[tilespmem:$0x1E080] =	vst v63  }
0x70: {  	_ =	swait.ge [sflag:s19], $0x2800  }
0x71: {  	s23 =	sld [smem:$0x7FB]  }
0x72: {  	[sflag:s19] =	ssyncset.done $0x0  }
0x73: {  	[sflag:s19] =	ssyncadd.s32 $0xFFFFD800  }
0x74: {  	[tilespmem:s10], [sflag:$0x16] =	stream.linear.gather [spmem:s23], $0x2800, $0x38;
	[tilespmem:$0x1E080] =	vst v63  }
0x75: {  	_ =	swait.ge [sflag:s18], $0x2800  }
0x76: {  	[sflag:s18] =	ssyncset.done $0x0  }
0x77: {  	s14 =	rddreg [dreg:$0xa];
	[sflag:s18] =	ssyncadd.s32 $0xFFFFD800  }
0x78: {  	[hbm4b:s14+s30] =	stream.linear.scatter [tilespmem:s10], [sflag:$0x15], $0x2800, $0x38;
	[tilespmem:$0x1E080] =	vst v63  }
0x79: {  	_ =	swait.ge [sflag:s19], $0x2800  }
0x7a: {  	s14 =	sld [smem:$0x7FC]  }
0x7b: {  	[sflag:s19] =	ssyncset.done $0x0  }
0x7c: {  	[sflag:s19] =	ssyncadd.s32 $0xFFFFD800  }
0x7d: {  	[tilespmem:s10], [sflag:$0x16] =	stream.linear.gather [spmem:s14], $0x2800, $0x38;
	[tilespmem:$0x1E080] =	vst v63  }
0x7e: {  	_ =	swait.ge [sflag:s18], $0x2800  }
0x7f: {  	[sflag:s18] =	ssyncset.done $0x0  }
0x80: {  	s22 =	rddreg [dreg:$0xb];
	[sflag:s18] =	ssyncadd.s32 $0xFFFFD800  }
0x81: {  	[hbm4b:s22+s30] =	stream.linear.scatter [tilespmem:s10], [sflag:$0x15], $0x2800, $0x38;
	[tilespmem:$0x1E080] =	vst v63  }
0x82: {  	_ =	swait.ge [sflag:s19], $0x2800  }
0x83: {  	s22 =	sld [smem:$0x7FD]  }
0x84: {  	[sflag:s19] =	ssyncset.done $0x0  }
0x85: {  	s2 =	simm.s32 @!p0 $0x800;
	s5 =	simm.s32 @!p0 $0x16;
	[sflag:s19] =	ssyncadd.s32 $0xFFFFD800  }
0x86: {  	[tilespmem:s2], [sflag:$0x16] =	stream.linear.gather @!p0 [spmem:s22], $0x2800, $0x38;
	[tilespmem:$0x1E080] =	vst v63  }
0x87: {  	_ =	swait.ge @!p0 [sflag:s5], $0x2800  }
0x88: {  	[sflag:s5] =	ssyncset.done @!p0 $0x0  }
0x89: {  	s6 =	rddreg [dreg:$0xc];
	[sflag:s5] =	ssyncadd.s32 @!p0 $0xFFFFD800;
	s5 =	simm.s32 @!p0 $0x0  }
0x8a: {  	[hbm4b:s6+s5] =	stream.linear.scatter @!p0 [tilespmem:s2], [sflag:$0x15], $0x2800, $0x38;
	[tilespmem:$0x1E080] =	vst v63  }
0x8b: {  	s2 =	simm.s32 @!p0 $0x15  }
0x8c: {  	_ =	swait.ge @!p0 [sflag:s2], $0x2800  }
0x8d: {  	s5 =	sld [smem:$0x7EB];
	_ =	sdelay $0x2  }
0x8e: {  	s6 =	sadd.s32 $0x1, s5;
	s5 =	rddreg [dreg:$0x1c]  }
0x8f: {  	p1 =	sne.s32 s6, s5  }
.Ltmp1:
0x90: {  	_ = 	snop;
	(pc) =	sbr.rel @!p1 .LBB2_6-.Ltmp1, $3  }
0x91: {  	_ =	sdelay $0x1  }
0x92: {  	[sflag:s2] =	ssyncset.done @!p0 $0x0  }
0x93: {  	[sflag:s2] =	ssyncadd.s32 @!p0 $0xFFFFD800  }
.LBB2_1:
0x94: {  	[smem:$0x7EB] =	sst s6  }
0x95: {  	s2 =	rddreg [dreg:$0x16]  }
0x96: {  	[tilespmem:s30], [sflag:$0x1] =	stream.linear.gather [hbm4b:s2+s30], $0x50, $0x38;
	[tilespmem:$0x1E080] =	vst v63  }
0x97: {  	s6 =	rddreg [dreg:$0x17];
	s5 =	simm.s32 $0x80  }
0x98: {  	[tilespmem:s5], [sflag:$0x2] =	stream.linear.gather [hbm4b:s6+s30], $0x50, $0x38;
	[tilespmem:$0x1E080] =	vst v63  }
0x99: {  	s6 =	rddreg [dreg:$0xe];
	s5 =	simm.s32 $0x100  }
0x9a: {  	[tilespmem:s5], [sflag:$0x3] =	stream.linear.gather [hbm4b:s6+s30], $0x50, $0x38;
	[tilespmem:$0x1E080] =	vst v63  }
0x9b: {  	s2 =	rddreg [dreg:$0xf];
	s6 =	simm.s32 $0x180  }
0x9c: {  	[tilespmem:s6], [sflag:$0x4] =	stream.linear.gather [hbm4b:s2+s30], $0x50, $0x38;
	[tilespmem:$0x1E080] =	vst v63  }
0x9d: {  	s2 =	rddreg [dreg:$0x10];
	s6 =	simm.s32 $0x200  }
0x9e: {  	[tilespmem:s6], [sflag:$0x5] =	stream.linear.gather [hbm4b:s2+s30], $0x50, $0x38;
	[tilespmem:$0x1E080] =	vst v63  }
0x9f: {  	s2 =	rddreg [dreg:$0x11];
	s6 =	simm.s32 $0x280  }
0xa0: {  	[tilespmem:s6], [sflag:$0x6] =	stream.linear.gather [hbm4b:s2+s30], $0x50, $0x38;
	[tilespmem:$0x1E080] =	vst v63  }
0xa1: {  	s2 =	rddreg [dreg:$0x12];
	s6 =	simm.s32 $0x300  }
0xa2: {  	[tilespmem:s6], [sflag:$0x7] =	stream.linear.gather [hbm4b:s2+s30], $0x50, $0x38;
	[tilespmem:$0x1E080] =	vst v63  }
0xa3: {  	s2 =	rddreg [dreg:$0x13];
	s6 =	simm.s32 $0x380  }
0xa4: {  	[tilespmem:s6], [sflag:$0x8] =	stream.linear.gather [hbm4b:s2+s30], $0x50, $0x38;
	[tilespmem:$0x1E080] =	vst v63  }
0xa5: {  	s2 =	rddreg [dreg:$0x14];
	s6 =	simm.s32 $0x400  }
0xa6: {  	[tilespmem:s6], [sflag:$0x9] =	stream.linear.gather [hbm4b:s2+s30], $0x50, $0x38;
	[tilespmem:$0x1E080] =	vst v63  }
0xa7: {  	s2 =	rddreg [dreg:$0x15];
	s6 =	simm.s32 $0x480  }
0xa8: {  	[tilespmem:s6], [sflag:$0xA] =	stream.linear.gather [hbm4b:s2+s30], $0x50, $0x38;
	[tilespmem:$0x1E080] =	vst v63  }
0xa9: {  	s2 =	rddreg [dreg:$0x18];
	s6 =	simm.s32 $0x500  }
0xaa: {  	[tilespmem:s6], [sflag:$0xB] =	stream.linear.gather [hbm4b:s2+s30], $0x50, $0x38;
	[tilespmem:$0x1E080] =	vst v63  }
0xab: {  	s2 =	rddreg [dreg:$0x19];
	s6 =	simm.s32 $0x580  }
0xac: {  	[tilespmem:s6], [sflag:$0xC] =	stream.linear.gather [hbm4b:s2+s30], $0x50, $0x38;
	[tilespmem:$0x1E080] =	vst v63  }
0xad: {  	s2 =	rddreg [dreg:$0x1a];
	s6 =	simm.s32 $0x600  }
0xae: {  	[tilespmem:s6], [sflag:$0xD] =	stream.linear.gather [hbm4b:s2+s30], $0x50, $0x38;
	[tilespmem:$0x1E080] =	vst v63  }
0xaf: {  	s2 =	rddreg [dreg:$0x1b];
	s6 =	simm.s32 $0x680  }
0xb0: {  	[tilespmem:s6], [sflag:$0xE] =	stream.linear.gather [hbm4b:s2+s30], $0x50, $0x38;
	[tilespmem:$0x1E080] =	vst v63  }
0xb1: {  	s6 =	rddreg [dreg:$0xd]  }
0xb2: {  	[tilespmem:s10], [sflag:$0x15] =	stream.linear.gather [hbm4b:s6+s30], $0x2800, $0x38;
	[tilespmem:$0x1E080] =	vst v63  }
0xb3: {  	_ =	swait.ge [sflag:s19], $0x2800  }
0xb4: {  	[sflag:s19] =	ssyncset.done $0x0  }
0xb5: {  	s6 =	rddreg [dreg:$0x1d];
	[sflag:s19] =	ssyncadd.s32 $0xFFFFD800  }
0xb6: {  	[spmem:s6] =	stream.linear.scatter [tilespmem:s10], [sflag:$0x15], $0x2800, $0x38;
	[tilespmem:$0x1E080] =	vst v63  }
0xb7: {  	_ =	swait.ge [sflag:s19], $0x2800  }
0xb8: {  	[sflag:s19] =	ssyncset.done $0x0  }
0xb9: {  	[sflag:s19] =	ssyncadd.s32 $0xFFFFD800  }
0xba: {  	[spmem:s20] =	stream.linear.scatter [tilespmem:s10], [sflag:$0x15], $0x2800, $0x38;
	[tilespmem:$0x1E080] =	vst v63  }
0xbb: {  	_ =	swait.ge [sflag:s19], $0x2800  }
0xbc: {  	[sflag:s19] =	ssyncset.done $0x0  }
0xbd: {  	[sflag:s19] =	ssyncadd.s32 $0xFFFFD800  }
0xbe: {  	[spmem:s21] =	stream.linear.scatter [tilespmem:s10], [sflag:$0x15], $0x2800, $0x38;
	[tilespmem:$0x1E080] =	vst v63  }
0xbf: {  	_ =	swait.ge [sflag:s19], $0x2800  }
0xc0: {  	[sflag:s19] =	ssyncset.done $0x0  }
0xc1: {  	[sflag:s19] =	ssyncadd.s32 $0xFFFFD800  }
0xc2: {  	[spmem:s8] =	stream.linear.scatter [tilespmem:s10], [sflag:$0x15], $0x2800, $0x38;
	[tilespmem:$0x1E080] =	vst v63  }
0xc3: {  	_ =	swait.ge [sflag:s19], $0x2800  }
0xc4: {  	[sflag:s19] =	ssyncset.done $0x0  }
0xc5: {  	[sflag:s19] =	ssyncadd.s32 $0xFFFFD800  }
0xc6: {  	[spmem:s7] =	stream.linear.scatter [tilespmem:s10], [sflag:$0x15], $0x2800, $0x38;
	[tilespmem:$0x1E080] =	vst v63  }
0xc7: {  	_ =	swait.ge [sflag:s19], $0x2800  }
0xc8: {  	[sflag:s19] =	ssyncset.done $0x0  }
0xc9: {  	[sflag:s19] =	ssyncadd.s32 $0xFFFFD800  }
0xca: {  	[spmem:s23] =	stream.linear.scatter [tilespmem:s10], [sflag:$0x15], $0x2800, $0x38;
	[tilespmem:$0x1E080] =	vst v63  }
0xcb: {  	_ =	swait.ge [sflag:s19], $0x2800  }
0xcc: {  	[sflag:s19] =	ssyncset.done $0x0  }
0xcd: {  	[sflag:s19] =	ssyncadd.s32 $0xFFFFD800  }
0xce: {  	[spmem:s14] =	stream.linear.scatter [tilespmem:s10], [sflag:$0x15], $0x2800, $0x38;
	[tilespmem:$0x1E080] =	vst v63  }
0xcf: {  	_ =	swait.ge [sflag:s19], $0x2800  }
0xd0: {  	[sflag:s19] =	ssyncset.done $0x0  }
0xd1: {  	s2 =	simm.s32 @!p0 $0x800;
	[sflag:s19] =	ssyncadd.s32 $0xFFFFD800  }
0xd2: {  	[spmem:s22] =	stream.linear.scatter @!p0 [tilespmem:s2], [sflag:$0x15], $0x2800, $0x38;
	[tilespmem:$0x1E080] =	vst v63  }
0xd3: {  	s2 =	simm.s32 @!p0 $0x15  }
0xd4: {  	_ =	swait.ge @!p0 [sflag:s2], $0x2800  }
0xd5: {  	[sflag:s2] =	ssyncset.done @!p0 $0x0  }
0xd6: {  	s19 =	simm.s32 $0x1;
	[sflag:s2] =	ssyncadd.s32 @!p0 $0xFFFFD800  }
0xd7: {  	_ =	swait.ge [sflag:s19], $0x50  }
0xd8: {  	[sflag:s19] =	ssyncset.done $0x0  }
0xd9: {  	s20 =	simm.s32 $0x3;
	[sflag:s19] =	ssyncadd.s32 $0xFFFFFFB0  }
0xda: {  	[tilespmem:s10], [sflag:$0x11] =	stream.indirect.gather [hbm4b:s1+s9], $0x80, s30, s9, $0xb8;
	[tilespmem:$0x1E080] =	vst v63  }
0xdb: {  	_ =	swait.ge [sflag:s20], $0x50  }
0xdc: {  	[sflag:s20] =	ssyncset.done $0x0  }
0xdd: {  	s21 =	simm.s32 $0x5;
	[sflag:s20] =	ssyncadd.s32 $0xFFFFFFB0  }
0xde: {  	[tilespmem:s25], [sflag:$0x12] =	stream.indirect.gather [hbm4b:s1+s9], $0x80, s5, s9, $0xb8;
	[tilespmem:$0x1E080] =	vst v63  }
0xdf: {  	_ =	swait.ge [sflag:s21], $0x50  }
.Ltmp2:
0xe0: {  	[sflag:s21] =	ssyncset.done $0x0;
	(pc) =	sbr.rel .LBB2_2-.Ltmp2, $4  }
0xe1: {  	s23 =	simm.s32 $0x200;
	s22 =	simm.s32 $0x5800;
	[sflag:s21] =	ssyncadd.s32 $0xFFFFFFB0  }
0xe2: {  	[tilespmem:s22], [sflag:$0x13] =	stream.indirect.gather [hbm4b:s1+s9], $0x80, s23, s9, $0xb8;
	[tilespmem:$0x1E080] =	vst v63  }
0xe3: {  	s8 =	simm.s32 $0x0;
	[bflag:$0x0] =	sbarrier.arrive $0xFFFF  }
0xe4: {  	s7 =	simm.s32 $0x7;
	s30 =	simm.s32 $0x0;
	s6 =	sld [smem:$0x7F8]  }
.LBB2_4:
0xe5: {  	s5 =	simm.s32 @!p1 $0x14  }
0xe6: {  	_ =	swait.ge @!p1 [sflag:s5], $0x2800  }
0xe7: {  	[sflag:s5] =	ssyncset.done @!p1 $0x0  }
0xe8: {  	[sflag:s5] =	ssyncadd.s32 @!p1 $0xFFFFD800;
	s5 =	simm.s32 @!p1 $0x10  }
0xe9: {  	_ =	swait.ge @!p1 [sflag:s5], $0x50  }
0xea: {  	[sflag:s5] =	ssyncset.done @!p1 $0x0  }
0xeb: {  	[sflag:s5] =	ssyncadd.s32 @!p1 $0xFFFFFFB0  }
0xec: {  	[spmem:s3] =	stream.indirect.scatter.add.f32 @!p1 [tilespmem:s19], [sflag:$0x15], $0x80, s2, s14, $0xb8;
	[tilespmem:$0x1E080] =	vst v63  }
0xed: {  	s2 =	simm.s32 @!p1 $0x15  }
0xee: {  	_ =	swait.ge @!p1 [sflag:s2], $0x2800  }
0xef: {  	s8 =	sadd.s32 $0x50, s8;
	[sflag:s2] =	ssyncset.done @!p1 $0x0  }
0xf0: {  	[sflag:s2] =	ssyncadd.s32 @!p1 $0xFFFFD800;
	p1 =	sne.s32 s8, $0x500  }
.Ltmp3:
0xf1: {  	_ = 	snop;
	(pc) =	sbr.rel @!p1 .LBB2_5-.Ltmp3, $2  }
0xf2: {  	_ =	sdelay $0x2  }
0xf3: {  	s30 =	sadd.s32 $0x1, s30;
	s7 =	sadd.s32 $0x8, s7;
	s6 =	sadd.s32 $0x280, s6  }
.LBB2_2:
0xf4: {  	p1 =	sgt.u32 s7, $0x7C  }
0xf5: {  	s2 =	sadd.s32 @!p1 s8, s28;
	s14 =	simm.s32 @!p1 $0x0;
	s5 =	simm.s32 @!p1 $0x700  }
0xf6: {  	[tilespmem:s5], [sflag:$0xF] =	stream.linear.gather @!p1 [hbm4b:s2+s14], $0x50, $0x38;
	[tilespmem:$0x1E080] =	vst v63  }
0xf7: {  	s19 =	sadd.s32 @!p1 s8, s26;
	s2 =	simm.s32 @!p1 $0x780  }
0xf8: {  	[tilespmem:s2], [sflag:$0x10] =	stream.linear.gather @!p1 [hbm4b:s19+s14], $0x50, $0x38;
	[tilespmem:$0x1E080] =	vst v63  }
0xf9: {  	_ =	swait.ge [sflag:s13], $0x50  }
0xfa: {  	[sflag:s13] =	ssyncset.done $0x0  }
0xfb: {  	s23 =	simm.s32 $0x300;
	[sflag:s13] =	ssyncadd.s32 $0xFFFFFFB0  }
0xfc: {  	[tilespmem:s15], [sflag:$0x14] =	stream.indirect.gather [hbm4b:s1+s9], $0x80, s23, s9, $0xb8;
	[tilespmem:$0x1E080] =	vst v63  }
0xfd: {  	_ =	swait.ge [sflag:s16], $0x2800  }
0xfe: {  	[sflag:s16] =	ssyncset.done $0x0  }
0xff: {  	[sflag:s16] =	ssyncadd.s32 $0xFFFFD800  }
0x100: {  	_ =	swait.ge [sflag:s17], $0x50  }
0x101: {  	[sflag:s17] =	ssyncset.done $0x0  }
0x102: {  	s19 =	simm.s32 $0x80;
	[sflag:s17] =	ssyncadd.s32 $0xFFFFFFB0  }
0x103: {  	[spmem:s3] =	stream.indirect.scatter.add.f32 [tilespmem:s10], [sflag:$0x16], $0x80, s19, s9, $0xb8;
	[tilespmem:$0x1E080] =	vst v63  }
0x104: {  	p2 =	seq.s32 s8, $0x4B0;
	_ =	swait.ge [sflag:s18], $0x2800  }
0x105: {  	s19 =	sshrl.u32 @!p2 s6, $0x3;
	[sflag:s18] =	ssyncset.done $0x0  }
0x106: {  	s14 =	simm.s32 @!p2 $0x0;
	s20 =	sadd.s32 @!p2 s24, s19;
	[sflag:s18] =	ssyncadd.s32 $0xFFFFD800  }
0x107: {  	[tilespmem:s14], [sflag:$0x1] =	stream.linear.gather @!p2 [hbm4b:s20+s14], $0x50, $0x38;
	[tilespmem:$0x1E080] =	vst v63  }
0x108: {  	s20 =	rddreg [dreg:$0x2]  }
0x109: {  	s19 =	sadd.s32 @!p2 s20, s19;
	s20 =	simm.s32 @!p2 $0x80  }
0x10a: {  	[tilespmem:s20], [sflag:$0x2] =	stream.linear.gather @!p2 [hbm4b:s19+s14], $0x50, $0x38;
	[tilespmem:$0x1E080] =	vst v63  }
0x10b: {  	_ =	swait.ge [sflag:s29], $0x50  }
0x10c: {  	[sflag:s29] =	ssyncset.done $0x0  }
0x10d: {  	s20 =	simm.s32 $0x400;
	[sflag:s29] =	ssyncadd.s32 $0xFFFFFFB0  }
0x10e: {  	[tilespmem:s10], [sflag:$0x11] =	stream.indirect.gather [hbm4b:s1+s9], $0x80, s20, s9, $0xb8;
	[tilespmem:$0x1E080] =	vst v63  }
0x10f: {  	_ =	swait.ge [sflag:s31], $0x2800  }
0x110: {  	[sflag:s31] =	ssyncset.done $0x0  }
0x111: {  	[sflag:s31] =	ssyncadd.s32 $0xFFFFD800  }
0x112: {  	_ =	swait.ge [sflag:s0], $0x50  }
0x113: {  	[sflag:s0] =	ssyncset.done $0x0  }
0x114: {  	s21 =	simm.s32 $0x180;
	[sflag:s0] =	ssyncadd.s32 $0xFFFFFFB0  }
0x115: {  	[spmem:s3] =	stream.indirect.scatter.add.f32 [tilespmem:s25], [sflag:$0x16], $0x80, s21, s9, $0xb8;
	[tilespmem:$0x1E080] =	vst v63  }
0x116: {  	_ =	swait.ge [sflag:s18], $0x2800  }
0x117: {  	[sflag:s18] =	ssyncset.done $0x0  }
0x118: {  	s19 =	simm.s32 @p2 $0x13;
	[sflag:s18] =	ssyncadd.s32 $0xFFFFD800  }
0x119: {  	_ =	swait.ge @p2 [sflag:s19], $0x2800  }
0x11a: {  	[sflag:s19] =	ssyncset.done @p2 $0x0  }
0x11b: {  	[sflag:s19] =	ssyncadd.s32 @p2 $0xFFFFD800;
	s19 =	simm.s32 @p2 $0x6  }
0x11c: {  	_ =	swait.ge @p2 [sflag:s19], $0x50  }
0x11d: {  	s20 =	simm.s32 @p2 $0x280;
	[sflag:s19] =	ssyncset.done @p2 $0x0  }
0x11e: {  	s21 =	simm.s32 @p2 $0x5800;
	[sflag:s19] =	ssyncadd.s32 @p2 $0xFFFFFFB0;
	s19 =	simm.s32 @p2 $0x50  }
0x11f: {  	[spmem:s3] =	stream.indirect.scatter.add.f32 @p2 [tilespmem:s21], [sflag:$0x16], $0x80, s20, s19, $0xb8;
	[tilespmem:$0x1E080] =	vst v63  }
0x120: {  	s19 =	simm.s32 @p2 $0x16  }
0x121: {  	_ =	swait.ge @p2 [sflag:s19], $0x2800  }
0x122: {  	[sflag:s19] =	ssyncset.done @p2 $0x0  }
0x123: {  	[sflag:s19] =	ssyncadd.s32 @p2 $0xFFFFD800;
	s19 =	sld [smem:$0x7F7];
	_ =	sdelay $0x2  }
0x124: {  	s20 =	simm.s32 @!p2 $0x100;
	s19 =	sadd.s32 @!p2 s8, s19  }
0x125: {  	[tilespmem:s20], [sflag:$0x3] =	stream.linear.gather @!p2 [hbm4b:s19+s14], $0x50, $0x38;
	[tilespmem:$0x1E080] =	vst v63  }
0x126: {  	s19 =	sld [smem:$0x7F6];
	_ =	sdelay $0x2  }
0x127: {  	s20 =	simm.s32 @!p2 $0x180;
	s19 =	sadd.s32 @!p2 s8, s19  }
0x128: {  	[tilespmem:s20], [sflag:$0x4] =	stream.linear.gather @!p2 [hbm4b:s19+s14], $0x50, $0x38;
	[tilespmem:$0x1E080] =	vst v63  }
0x129: {  	s19 =	simm.s32 @!p2 $0xB  }
0x12a: {  	_ =	swait.ge @!p2 [sflag:s19], $0x50  }
0x12b: {  	s21 =	simm.s32 @!p2 $0x3000;
	[sflag:s19] =	ssyncset.done @!p2 $0x0  }
0x12c: {  	s20 =	simm.s32 @!p2 $0x500;
	[sflag:s19] =	ssyncadd.s32 @!p2 $0xFFFFFFB0;
	s19 =	simm.s32 @!p2 $0x50  }
0x12d: {  	[tilespmem:s21], [sflag:$0x12] =	stream.indirect.gather @!p2 [hbm4b:s1+s19], $0x80, s20, s19, $0xb8;
	[tilespmem:$0x1E080] =	vst v63  }
0x12e: {  	s20 =	simm.s32 @!p2 $0x13  }
0x12f: {  	_ =	swait.ge @!p2 [sflag:s20], $0x2800  }
0x130: {  	[sflag:s20] =	ssyncset.done @!p2 $0x0  }
0x131: {  	[sflag:s20] =	ssyncadd.s32 @!p2 $0xFFFFD800;
	s20 =	simm.s32 @!p2 $0x6  }
0x132: {  	_ =	swait.ge @!p2 [sflag:s20], $0x50  }
0x133: {  	s22 =	simm.s32 @!p2 $0x16;
	[sflag:s20] =	ssyncset.done @!p2 $0x0  }
0x134: {  	s21 =	simm.s32 @!p2 $0x5800;
	[sflag:s20] =	ssyncadd.s32 @!p2 $0xFFFFFFB0;
	s20 =	simm.s32 @!p2 $0x280  }
0x135: {  	[spmem:s3] =	stream.indirect.scatter.add.f32 @!p2 [tilespmem:s21], [sflag:$0x16], $0x80, s20, s19, $0xb8;
	[tilespmem:$0x1E080] =	vst v63  }
0x136: {  	_ =	swait.ge @!p2 [sflag:s22], $0x2800  }
0x137: {  	[sflag:s22] =	ssyncset.done @!p2 $0x0  }
0x138: {  	[sflag:s22] =	ssyncadd.s32 @!p2 $0xFFFFD800;
	s22 =	sld [smem:$0x7F5];
	_ =	sdelay $0x2  }
0x139: {  	s23 =	simm.s32 @!p2 $0x200;
	s22 =	sadd.s32 @!p2 s8, s22  }
0x13a: {  	[tilespmem:s23], [sflag:$0x5] =	stream.linear.gather @!p2 [hbm4b:s22+s14], $0x50, $0x38;
	[tilespmem:$0x1E080] =	vst v63  }
0x13b: {  	s22 =	sld [smem:$0x7F4];
	_ =	sdelay $0x2  }
0x13c: {  	s22 =	sadd.s32 @!p2 s8, s22  }
0x13d: {  	[tilespmem:s20], [sflag:$0x6] =	stream.linear.gather @!p2 [hbm4b:s22+s14], $0x50, $0x38;
	[tilespmem:$0x1E080] =	vst v63  }
0x13e: {  	s20 =	simm.s32 @!p2 $0xD  }
0x13f: {  	_ =	swait.ge @!p2 [sflag:s20], $0x50  }
0x140: {  	[sflag:s20] =	ssyncset.done @!p2 $0x0  }
0x141: {  	[sflag:s20] =	ssyncadd.s32 @!p2 $0xFFFFFFB0;
	s20 =	simm.s32 @!p2 $0x600  }
0x142: {  	[tilespmem:s21], [sflag:$0x13] =	stream.indirect.gather @!p2 [hbm4b:s1+s19], $0x80, s20, s19, $0xb8;
	[tilespmem:$0x1E080] =	vst v63  }
0x143: {  	_ =	swait.ge [sflag:s4], $0x2800  }
0x144: {  	[sflag:s4] =	ssyncset.done $0x0  }
0x145: {  	[sflag:s4] =	ssyncadd.s32 $0xFFFFD800  }
0x146: {  	_ =	swait.ge [sflag:s12], $0x50  }
0x147: {  	[sflag:s12] =	ssyncset.done $0x0  }
0x148: {  	s22 =	simm.s32 $0x380;
	[sflag:s12] =	ssyncadd.s32 $0xFFFFFFB0  }
0x149: {  	[spmem:s3] =	stream.indirect.scatter.add.f32 [tilespmem:s15], [sflag:$0x16], $0x80, s22, s9, $0xb8;
	[tilespmem:$0x1E080] =	vst v63  }
0x14a: {  	_ =	swait.ge [sflag:s18], $0x2800  }
0x14b: {  	s19 =	sld [smem:$0x7F3];
	_ =	sdelay $0x1  }
0x14c: {  	[sflag:s18] =	ssyncset.done $0x0  }
0x14d: {  	s20 =	simm.s32 @!p2 $0x300;
	[sflag:s18] =	ssyncadd.s32 $0xFFFFD800;
	s19 =	sadd.s32 @!p2 s8, s19  }
0x14e: {  	[tilespmem:s20], [sflag:$0x7] =	stream.linear.gather @!p2 [hbm4b:s19+s14], $0x50, $0x38;
	[tilespmem:$0x1E080] =	vst v63  }
0x14f: {  	s19 =	sld [smem:$0x7F2];
	_ =	sdelay $0x2  }
0x150: {  	s20 =	simm.s32 @!p2 $0x380;
	s19 =	sadd.s32 @!p2 s8, s19  }
0x151: {  	[tilespmem:s20], [sflag:$0x8] =	stream.linear.gather @!p2 [hbm4b:s19+s14], $0x50, $0x38;
	[tilespmem:$0x1E080] =	vst v63  }
0x152: {  	s14 =	simm.s32 @!p1 $0xF  }
0x153: {  	_ =	swait.ge @!p1 [sflag:s14], $0x50  }
0x154: {  	[sflag:s14] =	ssyncset.done @!p1 $0x0  }
0x155: {  	s19 =	simm.s32 @!p1 $0x8000;
	[sflag:s14] =	ssyncadd.s32 @!p1 $0xFFFFFFB0;
	s14 =	simm.s32 @!p1 $0x50  }
0x156: {  	[tilespmem:s19], [sflag:$0x14] =	stream.indirect.gather @!p1 [hbm4b:s1+s14], $0x80, s5, s14, $0xb8;
	[tilespmem:$0x1E080] =	vst v63  }
0x157: {  	_ =	swait.ge [sflag:s16], $0x2800  }
0x158: {  	[sflag:s16] =	ssyncset.done $0x0  }
0x159: {  	[sflag:s16] =	ssyncadd.s32 $0xFFFFD800  }
0x15a: {  	_ =	swait.ge [sflag:s11], $0x50  }
0x15b: {  	[sflag:s11] =	ssyncset.done $0x0  }
.Ltmp4:
0x15c: {  	s23 =	simm.s32 $0x480;
	[sflag:s11] =	ssyncadd.s32 $0xFFFFFFB0;
	(pc) =	sbr.rel @p2 .LBB2_4-.Ltmp4, $4  }
0x15d: {  	[spmem:s3] =	stream.indirect.scatter.add.f32 [tilespmem:s10], [sflag:$0x16], $0x80, s23, s9, $0xb8;
	[tilespmem:$0x1E080] =	vst v63  }
0x15e: {  	_ =	swait.ge [sflag:s18], $0x2800  }
0x15f: {  	[sflag:s18] =	ssyncset.done $0x0  }
0x160: {  	[sflag:s18] =	ssyncadd.s32 $0xFFFFD800  }
0x161: {  	s5 =	sld [smem:$0x7F1];
	_ =	sdelay $0x2  }
0x162: {  	s20 =	simm.s32 $0x0;
	s21 =	simm.s32 $0x400;
	s5 =	sadd.s32 s8, s5  }
0x163: {  	[tilespmem:s21], [sflag:$0x9] =	stream.linear.gather [hbm4b:s5+s20], $0x50, $0x38;
	[tilespmem:$0x1E080] =	vst v63  }
0x164: {  	s21 =	sld [smem:$0x7F0];
	_ =	sdelay $0x2  }
0x165: {  	s22 =	simm.s32 $0x480;
	s23 =	simm.s32 $0x1;
	s5 =	sadd.s32 s8, s21  }
0x166: {  	[tilespmem:s22], [sflag:$0xA] =	stream.linear.gather [hbm4b:s5+s20], $0x50, $0x38;
	[tilespmem:$0x1E080] =	vst v63  }
0x167: {  	_ =	swait.ge [sflag:s23], $0x50  }
0x168: {  	[sflag:s23] =	ssyncset.done $0x0  }
0x169: {  	[sflag:s23] =	ssyncadd.s32 $0xFFFFFFB0  }
0x16a: {  	[tilespmem:s10], [sflag:$0x11] =	stream.indirect.gather [hbm4b:s1+s9], $0x80, s20, s9, $0xb8;
	[tilespmem:$0x1E080] =	vst v63  }
0x16b: {  	_ =	swait.ge [sflag:s31], $0x2800  }
0x16c: {  	[sflag:s31] =	ssyncset.done $0x0  }
0x16d: {  	s20 =	simm.s32 $0xC;
	[sflag:s31] =	ssyncadd.s32 $0xFFFFD800  }
0x16e: {  	_ =	swait.ge [sflag:s20], $0x50  }
0x16f: {  	[sflag:s20] =	ssyncset.done $0x0  }
0x170: {  	s21 =	simm.s32 $0x580;
	[sflag:s20] =	ssyncadd.s32 $0xFFFFFFB0  }
0x171: {  	[spmem:s3] =	stream.indirect.scatter.add.f32 [tilespmem:s25], [sflag:$0x16], $0x80, s21, s9, $0xb8;
	[tilespmem:$0x1E080] =	vst v63  }
0x172: {  	_ =	swait.ge [sflag:s18], $0x2800  }
0x173: {  	s5 =	sld [smem:$0x7EF]  }
0x174: {  	p2 =	sgt.u32 s30, $0xD  }
0x175: {  	s20 =	simm.s32 @!p2 $0x0;
	[sflag:s18] =	ssyncset.done $0x0  }
0x176: {  	s21 =	simm.s32 @!p2 $0x500;
	[sflag:s18] =	ssyncadd.s32 $0xFFFFD800;
	s5 =	sadd.s32 @!p2 s8, s5  }
0x177: {  	[tilespmem:s21], [sflag:$0xB] =	stream.linear.gather @!p2 [hbm4b:s5+s20], $0x50, $0x38;
	[tilespmem:$0x1E080] =	vst v63  }
0x178: {  	s5 =	sld [smem:$0x7EE];
	_ =	sdelay $0x2  }
0x179: {  	s22 =	simm.s32 $0x3;
	s21 =	simm.s32 @!p2 $0x580;
	s5 =	sadd.s32 @!p2 s8, s5  }
0x17a: {  	[tilespmem:s21], [sflag:$0xC] =	stream.linear.gather @!p2 [hbm4b:s5+s20], $0x50, $0x38;
	[tilespmem:$0x1E080] =	vst v63  }
0x17b: {  	_ =	swait.ge [sflag:s22], $0x50  }
0x17c: {  	[sflag:s22] =	ssyncset.done $0x0  }
0x17d: {  	s23 =	simm.s32 $0x100;
	s21 =	simm.s32 $0x13;
	[sflag:s22] =	ssyncadd.s32 $0xFFFFFFB0  }
0x17e: {  	[tilespmem:s25], [sflag:$0x12] =	stream.indirect.gather [hbm4b:s1+s9], $0x80, s23, s9, $0xb8;
	[tilespmem:$0x1E080] =	vst v63  }
0x17f: {  	_ =	swait.ge [sflag:s21], $0x2800  }
0x180: {  	[sflag:s21] =	ssyncset.done $0x0  }
0x181: {  	s22 =	simm.s32 $0xE;
	[sflag:s21] =	ssyncadd.s32 $0xFFFFD800  }
0x182: {  	_ =	swait.ge [sflag:s22], $0x50  }
0x183: {  	[sflag:s22] =	ssyncset.done $0x0  }
0x184: {  	s23 =	simm.s32 $0x680;
	[sflag:s22] =	ssyncadd.s32 $0xFFFFFFB0;
	s22 =	simm.s32 $0x5800  }
0x185: {  	[spmem:s3] =	stream.indirect.scatter.add.f32 [tilespmem:s22], [sflag:$0x16], $0x80, s23, s9, $0xb8;
	[tilespmem:$0x1E080] =	vst v63  }
0x186: {  	_ =	swait.ge [sflag:s18], $0x2800  }
0x187: {  	s5 =	sld [smem:$0x7ED];
	_ =	sdelay $0x1  }
0x188: {  	[sflag:s18] =	ssyncset.done $0x0  }
0x189: {  	s21 =	simm.s32 @!p2 $0x600;
	[sflag:s18] =	ssyncadd.s32 $0xFFFFD800;
	s5 =	sadd.s32 @!p2 s8, s5  }
0x18a: {  	[tilespmem:s21], [sflag:$0xD] =	stream.linear.gather @!p2 [hbm4b:s5+s20], $0x50, $0x38;
	[tilespmem:$0x1E080] =	vst v63  }
0x18b: {  	s5 =	sld [smem:$0x7EC];
	_ =	sdelay $0x2  }
0x18c: {  	s21 =	simm.s32 @!p2 $0x680;
	s5 =	sadd.s32 @!p2 s8, s5  }
0x18d: {  	[tilespmem:s21], [sflag:$0xE] =	stream.linear.gather @!p2 [hbm4b:s5+s20], $0x50, $0x38;
	[tilespmem:$0x1E080] =	vst v63  }
.Ltmp5:
0x18e: {  	s21 =	simm.s32 $0x5;
	(pc) =	sbr.rel .LBB2_4-.Ltmp5, $4  }
0x18f: {  	_ =	swait.ge [sflag:s21], $0x50  }
0x190: {  	[sflag:s21] =	ssyncset.done $0x0  }
0x191: {  	s23 =	simm.s32 $0x200;
	[sflag:s21] =	ssyncadd.s32 $0xFFFFFFB0  }
0x192: {  	[tilespmem:s22], [sflag:$0x13] =	stream.indirect.gather [hbm4b:s1+s9], $0x80, s23, s9, $0xb8;
	[tilespmem:$0x1E080] =	vst v63  }
.LBB2_6:
0x193: {  	_ =	sfence.sel $0x180000  }
0x194: {  	[bflag:$0x0] =	sbarrier.arrive $0xFFFF  }
0x195: {  	_ =	strace $0x90000047  }
0x196: {  	s0 =	stileid.u32;
	[bflag:$0x2] =	sbarrier.arrive $0xFFFF  }
0x197: {  	p0 =	sne.s32 s0, $0x0;
	s0 =	rddreg [dreg:$0x4]  }
0x198: {  	s0 =	sadd.s32 @!p0 $0x100000, s0  }
0x199: {  	[sflag:s0] =	ssyncadd.tile.s32 @!p0 $0x1;
	_ =	shalt  }
.Lfunc_end2:
_tile_overlayer_lowered:
.L_overlay_start_2:
0x19a: {  	(tag) =	ssettag $0x2  }
0x19b: {  	s0 =	rddreg [dreg:$0x0];
	s2 =	stileid.u32  }
0x19c: {  	s1 =	rddreg [dreg:$0x1];
	p0 =	sne.s32 s2, $0x0  }
0x19d: {  	s3 =	rddreg [dreg:$0x2];
	[bflag:$0x3] =	sbarrier.arrive $0xFFFF;
	s2 =	simm.s32 @!p0 $0x1C15  }
0x19e: {  	[timem:s3], [sflag:s2] =	dma.local @!p0 [hbm:s0], s1  }
0x19f: {  	s0 =	simm.s32 @!p0 $0x15  }
0x1a0: {  	_ =	swait.ge @!p0 [sflag:s0], s1  }
0x1a1: {  	s1 =	ssub.s32 @!p0 $0x0, s1;
	[sflag:s0] =	ssyncset.done @!p0 $0x0  }
0x1a2: {  	[sflag:s0] =	ssyncadd.s32 @!p0 s1  }
0x1a3: {  	[bflag:$0x3] =	sbarrier.arrive $0xFFFF  }
0x1a4: {  	_ =	shalt  }

// kernel: kernel.9.cloned.1.call-start
scs
__scs_entry_jumppad:
0x0: {  	(pc) =	sbr.rel $0x88, $3  }
0x1: {  	(tag) =	ssettag $0x0;
	lr =	simm.s32 $0x1  }
0x2: {  	[smem:$0x3F9B] =	sst lr;
	_ =	strace $0xD0000000  }
0x3: {  	_ = 	snop  }
0x4: {  	_ = 	snop  }
0x5: {  	_ = 	snop  }
0x6: {  	_ = 	snop  }
0x7: {  	_ = 	snop  }
__scs_overlays_trampoline_lowered:
0x8: {  	[smem:$0x3FAA] =	sst s0  }
0x9: {  	[smem:$0x3FAB] =	sst s1  }
0xa: {  	[smem:$0x3FAC] =	sst s2  }
0xb: {  	[smem:$0x3FAD] =	sst s3  }
0xc: {  	[smem:$0x3FAE] =	sst s4  }
0xd: {  	[smem:$0x3FAF] =	sst s5  }
0xe: {  	[smem:$0x3FB0] =	sst s6  }
0xf: {  	[smem:$0x3FB1] =	sst s7  }
0x10: {  	[smem:$0x3FB2] =	sst s8  }
0x11: {  	[smem:$0x3FB3] =	sst s9;
	s0 =	simm.s32 @!p0 $0x0  }
0x12: {  	s1 =	sld [smem:$0x3F99];
	s0 =	simm.s32 @p0 $0x1  }
0x13: {  	[smem:$0x3FB4] =	sst s0;
	s0 =	simm.s32 @!p1 $0x0  }
0x14: {  	s2 =	sld [smem:$0x3F98];
	s0 =	simm.s32 @p1 $0x1  }
0x15: {  	[smem:$0x3FB5] =	sst s0;
	s0 =	simm.s32 @!p2 $0x0  }
0x16: {  	s3 =	sld [smem:$0x3FDB];
	s0 =	simm.s32 @p2 $0x1  }
0x17: {  	s4 =	simm.s32 $0x1BF5;
	[smem:$0x3FB7] =	sst s0  }
0x18: {  	s0 =	sld [smem:$0x3F9A];
	_ =	swait.ge [sflag:s4], $0x0  }
0x19: {  	s7 =	sld [smem:$0x3F9B]  }
0x1a: {  	s8 =	sadd.s32 $0xFFFFE003, lr  }
0x1b: {  	s9 =	sadd.s32 $0xFFFFFEF7, lr;
	s5 =	simm.s32 $0xFFFFFFFF;
	p2 =	slt.u32 s8, $0xFFFFF086  }
0x1c: {  	p1 =	slt.u32 s9, $0xF7A;
	s5 =	simm.s32 @!p2 $0x0  }
0x1d: {  	s5 =	simm.s32 @p1 $0x1;
	p0 =	seq.s32 s7, s2  }
0x1e: {  	s7 =	smul.u32 @!p0 $0xF7A, s2;
	p2 =	seq.s32 @!p0 s5, $0x0  }
0x1f: {  	s9 =	smul.u32 $0xF7A, s1;
	s8 =	simm.s32 @!p0 $0x1BF5;
	p2 =	por !p2, p0  }
0x20: {  	[sflag:s8] =	ssyncset.s32 @!p0 $0xFFFFF086;
	s6 =	sadd.s32 @!p0 s3, s7;
	s7 =	simm.s32 @!p0 $0x108  }
0x21: {  	s3 =	sadd.s32 s3, s9;
	s6 =	sadd.s32 @!p0 $0x88, s6;
	s7 =	simm.s32 @p2 $0x1082  }
0x22: {  	[simem:s7], [sflag:s8] =	dma.local @!p0 [hbm:s6], $0xF7A  }
0x23: {  	s9 =	sor.u32 $0xD0000000, s2;
	s6 =	simm.s32 $0x108;
	_ =	swait.ge @!p0 [sflag:s8], $0x0  }
0x24: {  	s3 =	sadd.s32 $0x88, s3;
	s6 =	simm.s32 @!p1 $0x1082;
	[sflag:s4] =	ssyncset.s32 $0xFFFFF086  }
0x25: {  	[simem:s6], [sflag:s4] =	dma.local [hbm:s3], $0xF7A  }
0x26: {  	[smem:$0x3F9B] =	sst s1;
	(tag) =	ssettag s2;
	_ =	strace s9  }
0x27: {  	s1 =	sld [smem:$0x3FAB]  }
0x28: {  	s2 =	sld [smem:$0x3FAC]  }
0x29: {  	s4 =	sld [smem:$0x3FAE]  }
0x2a: {  	p0 =	seq.s32 s5, $0x0;
	s5 =	sld [smem:$0x3FAF]  }
0x2b: {  	s6 =	sld [smem:$0x3FB0]  }
0x2c: {  	s7 =	sld [smem:$0x3FB1]  }
0x2d: {  	s3 =	simm.s32 $0x108;
	s8 =	sld [smem:$0x3FB2]  }
0x2e: {  	s3 =	simm.s32 @!p0 $0x1082;
	s9 =	sld [smem:$0x3FB3]  }
0x2f: {  	lr =	sadd.s32 s0, s3;
	s0 =	sld [smem:$0x3FAA]  }
0x30: {  	s3 =	sld [smem:$0x3FAD]  }
0x31: {  	[smem:$0x3FB6] =	sst s10  }
0x32: {  	s10 =	sld [smem:$0x3FB4];
	_ =	sdelay $0x3  }
0x33: {  	p0 =	seq.s32 s10, $0x1;
	s10 =	sld [smem:$0x3FB6];
	_ =	sdelay $0x3  }
0x34: {  	[smem:$0x3FB6] =	sst s10  }
0x35: {  	s10 =	sld [smem:$0x3FB5];
	_ =	sdelay $0x3  }
0x36: {  	p1 =	seq.s32 s10, $0x1;
	s10 =	sld [smem:$0x3FB6];
	_ =	sdelay $0x3  }
0x37: {  	[smem:$0x3FB6] =	sst s10  }
0x38: {  	s10 =	sld [smem:$0x3FB7]  }
0x39: {  	_ = 	snop;
	(pc) =	sbr.ind lr, $3  }
0x3a: {  	_ = 	snop  }
0x3b: {  	_ = 	snop  }
0x3c: {  	p2 =	seq.s32 s10, $0x1;
	s10 =	sld [smem:$0x3FB6]  }
0x3d: {  	_ =	shalt  }
0x3e: {  	_ =	shalt  }
0x3f: {  	_ =	shalt  }
0x40: {  	_ =	shalt  }
0x41: {  	_ =	shalt  }
0x42: {  	_ =	shalt  }
0x43: {  	_ =	shalt  }
0x44: {  	_ =	shalt  }
0x45: {  	_ =	shalt  }
0x46: {  	_ =	shalt  }
0x47: {  	_ =	shalt  }
0x48: {  	_ =	shalt  }
0x49: {  	_ =	shalt  }
0x4a: {  	_ =	shalt  }
0x4b: {  	_ =	shalt  }
0x4c: {  	_ =	shalt  }
0x4d: {  	_ =	shalt  }
0x4e: {  	_ =	shalt  }
0x4f: {  	_ =	shalt  }
0x50: {  	_ =	shalt  }
0x51: {  	_ =	shalt  }
0x52: {  	_ =	shalt  }
0x53: {  	_ =	shalt  }
0x54: {  	_ =	shalt  }
0x55: {  	_ =	shalt  }
0x56: {  	_ =	shalt  }
0x57: {  	_ =	shalt  }
0x58: {  	_ =	shalt  }
0x59: {  	_ =	shalt  }
0x5a: {  	_ =	shalt  }
0x5b: {  	_ =	shalt  }
0x5c: {  	_ =	shalt  }
0x5d: {  	_ =	shalt  }
0x5e: {  	_ =	shalt  }
0x5f: {  	_ =	shalt  }
0x60: {  	_ =	shalt  }
0x61: {  	_ =	shalt  }
0x62: {  	_ =	shalt  }
0x63: {  	_ =	shalt  }
0x64: {  	_ =	shalt  }
0x65: {  	_ =	shalt  }
0x66: {  	_ =	shalt  }
0x67: {  	_ =	shalt  }
0x68: {  	_ =	shalt  }
0x69: {  	_ =	shalt  }
0x6a: {  	_ =	shalt  }
0x6b: {  	_ =	shalt  }
0x6c: {  	_ =	shalt  }
0x6d: {  	_ =	shalt  }
0x6e: {  	_ =	shalt  }
0x6f: {  	_ =	shalt  }
0x70: {  	_ =	shalt  }
0x71: {  	_ =	shalt  }
0x72: {  	_ =	shalt  }
0x73: {  	_ =	shalt  }
0x74: {  	_ =	shalt  }
0x75: {  	_ =	shalt  }
0x76: {  	_ =	shalt  }
0x77: {  	_ =	shalt  }
0x78: {  	_ =	shalt  }
0x79: {  	_ =	shalt  }
0x7a: {  	_ =	shalt  }
0x7b: {  	_ =	shalt  }
0x7c: {  	_ =	shalt  }
0x7d: {  	_ =	shalt  }
0x7e: {  	_ =	shalt  }
0x7f: {  	_ =	shalt  }
0x80: {  	_ =	shalt  }
0x81: {  	_ =	shalt  }
0x82: {  	_ =	shalt  }
0x83: {  	_ =	shalt  }
0x84: {  	_ =	shalt  }
0x85: {  	_ =	shalt  }
0x86: {  	_ =	shalt  }
0x87: {  	_ =	shalt  }
.Lfunc_end0:
.L_simem_size_0:
called_computation.1_lowered:
.L_overlay_start_0:
0x88: {  	s2 =	sld [smem:$0x3FD9]  }
0x89: {  	s3 =	sld [smem:$0x3FFE];
	_ =	sdelay $0x1  }
0x8a: {  	s1 =	srdreg.scid  }
0x8b: {  	s0 =	sand.u32 $0x1, s1  }
0x8c: {  	s17 =	sshll.u32 s0, $0xA;
	s2 =	sadd.s32 s3, s2  }
0x8d: {  	s2 =	sadd.s32 s2, s17  }
0x8e: {  	[smem:$0x3FC2] =	sst s2  }
0x8f: {  	_ = 	snop  }
0x90: {  	s2 =	sld [smem:$0x3FD0];
	(tm) =	ssettm $0x1  }
0x91: {  	s18 =	sld [smem:$0x3FFB];
	_ =	sdelay $0x3  }
0x92: {  	_ =	strace s18  }
0x93: {  	s3 =	sld [smem:$0x3FFC];
	_ =	sdelay $0x3  }
0x94: {  	_ =	strace s3  }
0x95: {  	s3 =	sld [smem:$0x3FFD];
	_ =	sdelay $0x3  }
0x96: {  	_ =	strace s3  }
0x97: {  	_ =	strace $0x8FFFFFFF  }
0x98: {  	s19 =	sld [smem:$0x3FDB];
	_ =	sdelay $0x1  }
0x99: {  	s4 =	simm.s32 $_scs_section_size  }
0x9a: {  	s5 =	simm.s32 $_size__tile_overlayer_lowered;
	s6 =	simm.s32 $_tile_overlayer_lowered  }
0x9b: {  	s22 =	simm.s32 $0x1BFF;
	s21 =	sshll.u32 s6, $0x1;
	s3 =	sadd.s32 s4, s19  }
0x9c: {  	s7 =	simm.s32 $0x0;
	s20 =	sshll.u32 s5, $0x1;
	s5 =	sadd.s32 s21, s3  }
0x9d: {  	[timem:s7], [sflag:s22] =	dma.local [hbm:s5], s20  }
0x9e: {  	_ =	swait.ge [sflag:s22], s20  }
0x9f: {  	s4 =	ssub.s32 $0x0, s20;
	[sflag:s22] =	ssyncset.done $0x0  }
0xa0: {  	[sflag:s22] =	ssyncadd.s32 s4;
	_ =	sdelay $0x1  }
0xa1: {  	s23 =	simm.s32 $0x1B8B  }
0xa2: {  	_ =	swait.ge [sflag:s23], $0x1  }
0xa3: {  	[sflag:s23] =	ssyncset.done $0x0  }
0xa4: {  	s25 =	simm.s32 $0x1B8E;
	s24 =	sld [smem:$0x3FFE];
	[sflag:s23] =	ssyncadd.s32 $0xFFFFFFFF  }
0xa5: {  	s26 =	simm.s32 $execute0_lowered;
	[smem:$0x3FD2] =	sst s25  }
0xa6: {  	s5 =	sshll.u32 s26, $0x1;
	_ =	strace $0x80000049;
	[dreg:$0x1] =	wrdreg $0xFFFFFFFF  }
0xa7: {  	s28 =	simm.s32 $_size_execute0_lowered;
	s3 =	sadd.s32 s3, s5;
	[dreg:$0x0] =	wrdreg $0x0  }
0xa8: {  	s5 =	sshll.u32 s28, $0x1;
	[dreg:$0x2] =	wrdreg s3  }
0xa9: {  	[dreg:$0x3] =	wrdreg s5  }
0xaa: {  	[dreg:$0x4] =	wrdreg $0xC0  }
0xab: {  	_ =	task [dreg:s7], $0x5FFFF  }
0xac: {  	[dreg:$0x1] =	wrdreg $0xFFFFFFFF  }
0xad: {  	[dreg:$0x0] =	wrdreg $0x60  }
0xae: {  	[dreg:$0x2] =	wrdreg s24  }
0xaf: {  	[dreg:$0x3] =	wrdreg s2  }
0xb0: {  	[dreg:$0x4] =	wrdreg $0xA8000  }
0xb1: {  	[dreg:$0x5] =	wrdreg $0x9  }
0xb2: {  	_ =	task.clear_ibuf [dreg:s7], $0x6FFFF;
	_ =	strace $0x90000049  }
0xb3: {  	s29 =	simm.s32 $0x9;
	_ =	strace $0x8000004B  }
0xb4: {  	_ =	swait.ge [sflag:s29], $0x1  }
0xb5: {  	[sflag:s29] =	ssyncadd.s32 $0xFFFFFFFF  }
0xb6: {  	_ =	strace $0x9000004B  }
0xb7: {  	_ =	sfence  }
0xb8: {  	s30 =	sld [smem:$0x0];
	_ =	sdelay $0x2  }
0xb9: {  	s31 =	sshll.u32 s1, $0xD;
	s1 =	sshrl.u32 s1, $0x2  }
0xba: {  	s3 =	sand.u32 $0x4000, s31;
	s1 =	sadd.s32 s1, s30  }
0xbb: {  	s0 =	sor.u32 s3, s0;
	s1 =	sshll.u32 s1, $0x11  }
0xbc: {  	s0 =	sor.u32 s1, s0  }
0xbd: {  	s0 =	sadd.s32 $0x8F2B, s0  }
0xbe: {  	[sflag:s0] =	ssyncadd.remote.s32 $0x1  }
0xbf: {  	_ =	sfence.sel $0xFFFF  }
0xc0: {  	[dreg:$0x0] =	wrdreg $0xFFFFFFFF;
	(pc) =	sbr.abs _section_cstart, $3  }
0xc1: {  	[dreg:$0x1] =	wrdreg $0xFFFFFFFF  }
0xc2: {  	_ =	task.clear_ibuf [dreg:s7], $0x2FFFF;
	_ =	strace $0x9FFFFFFF  }
0xc3: {  	(tm) =	ssettm $0x7FFFFFFF  }
tec
execute0_lowered:
.L_overlay_start_1:
0x0: {  	(tag) =	ssettag $0x1  }
0x1: {  	s0 =	srdreg.scid;
	s20 =	stileid.u32  }
0x2: {  	s0 =	sand.u32 $0x1, s0;
	s24 =	smul.u32 $0x2800, s20  }
0x3: {  	s9 =	sor.u32 $0x10, s20;
	s13 =	smul.u32 $0x138800, s0  }
0x4: {  	s8 =	sor.u32 $0x20, s20;
	s14 =	smul.u32 $0x2800, s9  }
0x5: {  	s10 =	rddreg [dreg:$0x0];
	s7 =	sor.u32 $0x30, s20;
	s15 =	smul.u32 $0x2800, s8  }
0x6: {  	s19 =	rddreg [dreg:$0x1];
	s6 =	sor.u32 $0x40, s20;
	s17 =	smul.u32 $0x2800, s7  }
0x7: {  	s3 =	rddreg [dreg:$0x2];
	s1 =	sshll.u32 s20, $0x1;
	s26 =	smul.u32 $0x2800, s6  }
0x8: {  	s2 =	ssub.s32 $0x2, s0;
	s1 =	sor.u32 s0, s1;
	s0 =	smul.u32 $0x2710, s0  }
0x9: {  	s21 =	simm.s32 $0x0;
	s29 =	simm.s32 $0x9;
	s9 =	smul.u32 $0xA000, s9  }
0xa: {  	s31 =	simm.s32 $0x12;
	[smem:$0x7FF] =	sst s21;
	s8 =	smul.u32 $0xA000, s8  }
0xb: {  	s11 =	sadd.s32 $0x32E00, s10;
	s6 =	smul.u32 $0xA000, s6;
	s4 =	sshrl.u32 s2, $0x1  }
0xc: {  	_ =	strace $0x8000004A;
	s12 =	smul.u32 $0x2710, s1;
	s5 =	ssub.s32 s2, s4  }
0xd: {  	s4 =	sor.u32 $0x50, s20;
	s2 =	sor.u32 $0x60, s20;
	s1 =	sadd.s32 s13, s24  }
0xe: {  	s14 =	sadd.s32 s13, s14;
	s15 =	sadd.s32 s13, s15;
	s25 =	sadd.s32 s13, s17  }
0xf: {  	s23 =	sadd.s32 s13, s26;
	s17 =	smul.u32 $0x4E20, s20;
	s8 =	sshrl.u32 s8, $0x2  }
0x10: {  	s6 =	sshrl.u32 s6, $0x2;
	s16 =	sshrl.u32 s1, $0x3;
	s1 =	sor.u32 $0x70, s20  }
0x11: {  	s14 =	sshrl.u32 s14, $0x3;
	s15 =	sshrl.u32 s15, $0x3;
	s5 =	smax.u32 s5, $0x1  }
0x12: {  	s18 =	smul.u32 $0x2800, s4;
	s6 =	sadd.s32 s6, s3;
	[dreg:$0x1b] =	wrdreg s5  }
0x13: {  	s4 =	smul.u32 $0xA000, s4;
	s16 =	sadd.s32 s11, s16;
	[smem:$0x7FA] =	sst s6  }
0x14: {  	s14 =	sadd.s32 s11, s14;
	s15 =	sadd.s32 s11, s15;
	[dreg:$0x4] =	wrdreg s16  }
0x15: {  	s26 =	smul.u32 $0x2800, s1;
	s0 =	sadd.s32 s0, s17;
	[dreg:$0x5] =	wrdreg s14  }
0x16: {  	p0 =	sgt.u32 s1, $0x7C;
	s16 =	sshrl.u32 s25, $0x3;
	[dreg:$0x6] =	wrdreg s15  }
0x17: {  	s24 =	sadd.s32 s13, s18;
	s25 =	smul.u32 $0x2800, s2;
	s14 =	sshrl.u32 s23, $0x3  }
0x18: {  	s4 =	sshrl.u32 s4, $0x2;
	s22 =	sadd.s32 s11, s16;
	s15 =	sshrl.u32 s24, $0x3  }
0x19: {  	s14 =	sadd.s32 s11, s14;
	s30 =	sadd.s32 s4, s3;
	[dreg:$0x7] =	wrdreg s22  }
0x1a: {  	[dreg:$0x8] =	wrdreg s14;
	s15 =	sadd.s32 s11, s15;
	s16 =	sadd.s32 s13, s25  }
0x1b: {  	s13 =	sadd.s32 s13, s26;
	[smem:$0x7FB] =	sst s30;
	s14 =	sshrl.u32 s16, $0x3  }
0x1c: {  	[dreg:$0x9] =	wrdreg s15;
	s13 =	sshrl.u32 s13, $0x3;
	s14 =	sadd.s32 s11, s14  }
0x1d: {  	s1 =	smul.u32 $0xA000, s1;
	s11 =	sadd.s32 s11, s13;
	[dreg:$0xa] =	wrdreg s14  }
0x1e: {  	s2 =	smul.u32 $0xA000, s2;
	s13 =	sadd.s32 $0xBC00, s10;
	[dreg:$0xb] =	wrdreg s11  }
0x1f: {  	s11 =	sshrl.u32 s12, $0x3;
	s14 =	sadd.s32 $0x1800, s10;
	s10 =	sadd.s32 $0xB600, s10  }
0x20: {  	s1 =	sshrl.u32 s1, $0x2;
	[dreg:$0xc] =	wrdreg s10;
	s16 =	sadd.s32 s14, s11  }
0x21: {  	s12 =	sadd.s32 $0xA, s11;
	s17 =	sadd.s32 s19, s11;
	[dreg:$0x15] =	wrdreg s16  }
0x22: {  	s2 =	sshrl.u32 s2, $0x2;
	s18 =	sadd.s32 s14, s12;
	[dreg:$0x16] =	wrdreg s17  }
0x23: {  	s22 =	sadd.s32 $0x14, s11;
	s12 =	sadd.s32 s19, s12;
	[dreg:$0xd] =	wrdreg s18  }
0x24: {  	s24 =	sadd.s32 $0x1E, s11;
	s23 =	sadd.s32 s14, s22;
	[dreg:$0xe] =	wrdreg s12  }
0x25: {  	s26 =	sadd.s32 $0x28, s11;
	s10 =	sadd.s32 s19, s22;
	[dreg:$0xf] =	wrdreg s23  }
0x26: {  	s25 =	sadd.s32 s14, s24;
	s15 =	sadd.s32 s14, s26;
	[dreg:$0x10] =	wrdreg s10  }
0x27: {  	s16 =	sadd.s32 $0x460, s0;
	s17 =	sadd.s32 $0x410, s0;
	[dreg:$0x11] =	wrdreg s25  }
0x28: {  	s12 =	sadd.s32 s19, s24;
	[dreg:$0x13] =	wrdreg s15;
	s10 =	sadd.s32 s19, s26  }
0x29: {  	s18 =	sadd.s32 $0x32, s11;
	s11 =	sadd.s32 $0x3C, s11;
	s23 =	smul.u32 $0xA000, s20  }
0x2a: {  	s15 =	sshrl.u32 s9, $0x2;
	s9 =	sadd.s32 $0x370, s0;
	[dreg:$0x12] =	wrdreg s12  }
0x2b: {  	[dreg:$0x14] =	wrdreg s10;
	s22 =	sadd.s32 s14, s18;
	s10 =	sadd.s32 s19, s18  }
0x2c: {  	s24 =	sadd.s32 s14, s11;
	s25 =	sadd.s32 s19, s11;
	[dreg:$0x17] =	wrdreg s22  }
0x2d: {  	s12 =	smul.u32 $0xA000, s7;
	s7 =	sadd.s32 s15, s3;
	[dreg:$0x18] =	wrdreg s10  }
0x2e: {  	s18 =	sshrl.u32 s17, $0x3;
	s17 =	sadd.s32 $0x2D0, s0;
	[dreg:$0x19] =	wrdreg s24  }
0x2f: {  	[dreg:$0x1a] =	wrdreg s25;
	s26 =	sshrl.u32 s23, $0x2;
	s22 =	sadd.s32 s8, s3  }
0x30: {  	s8 =	sadd.s32 s1, s3;
	s24 =	sadd.s32 s18, s19;
	[dreg:$0x1d] =	wrdreg s7  }
0x31: {  	s25 =	sadd.s32 $0x3C0, s0;
	s1 =	sadd.s32 s18, s14;
	[smem:$0x7EF] =	sst s24  }
0x32: {  	s18 =	sshrl.u32 s17, $0x3;
	s17 =	simm.s32 $0x2;
	[smem:$0x7F0] =	sst s1  }
0x33: {  	s11 =	sadd.s32 s26, s3;
	s5 =	sshrl.u32 s12, $0x2;
	[dreg:$0x1e] =	wrdreg s22  }
0x34: {  	s26 =	sshrl.u32 s25, $0x3;
	s24 =	sadd.s32 s18, s19;
	[dreg:$0x1c] =	wrdreg s11  }
0x35: {  	s23 =	sadd.s32 s5, s3;
	s10 =	sadd.s32 s26, s19;
	[smem:$0x7F7] =	sst s24  }
0x36: {  	s5 =	sadd.s32 s2, s3;
	s1 =	sadd.s32 s26, s14;
	[smem:$0x7F1] =	sst s10  }
0x37: {  	s2 =	sshrl.u32 s16, $0x3;
	s11 =	sadd.s32 $0x320, s0;
	[smem:$0x7F2] =	sst s1  }
0x38: {  	s24 =	smov.u32 s14;
	s20 =	sadd.s32 s2, s19;
	[dreg:$0x1f] =	wrdreg s23  }
0x39: {  	s2 =	sadd.s32 s2, s14;
	s12 =	sshrl.u32 s11, $0x3;
	[smem:$0x7ED] =	sst s20  }
0x3a: {  	s11 =	simm.s32 $0x8;
	s10 =	simm.s32 $0xA;
	[smem:$0x7EE] =	sst s2  }
0x3b: {  	s2 =	sshrl.u32 s9, $0x3;
	s16 =	sadd.s32 s12, s19;
	s1 =	sadd.s32 s12, s14  }
0x3c: {  	s20 =	sadd.s32 $0x230, s0;
	s0 =	sadd.s32 $0x280, s0;
	s9 =	simm.s32 $0x800  }
0x3d: {  	s12 =	simm.s32 $0x7;
	s15 =	sadd.s32 s2, s19;
	[smem:$0x7F5] =	sst s16  }
0x3e: {  	s2 =	sadd.s32 s2, s14;
	[smem:$0x7F6] =	sst s1;
	s1 =	sadd.s32 s18, s14  }
0x3f: {  	s25 =	sshrl.u32 s20, $0x3;
	[smem:$0x7F9] =	sst s0;
	s20 =	simm.s32 $0x15  }
0x40: {  	s16 =	simm.s32 $0x11;
	s18 =	simm.s32 $0x16;
	[smem:$0x7F3] =	sst s15  }
.Ltmp0:
0x41: {  	s0 =	simm.s32 $0x4;
	[smem:$0x7F4] =	sst s2;
	(pc) =	sbr.rel .LBB2_1-.Ltmp0, $4  }
0x42: {  	[smem:$0x7F8] =	sst s1;
	s26 =	sadd.s32 s25, s19;
	s19 =	smov.u32 s8  }
0x43: {  	s28 =	sadd.s32 s25, s14;
	s14 =	smov.u32 s5;
	s8 =	simm.s32 $0x50  }
0x44: {  	s25 =	simm.s32 $0x3000;
	s15 =	simm.s32 $0x8000;
	[smem:$0x7FC] =	sst s14  }
0x45: {  	s2 =	simm.s32 $0x14;
	s5 =	simm.s32 $0x0;
	[smem:$0x7FD] =	sst s19  }
.LBB2_5:
0x46: {  	[bflag:$0x0] =	sbarrier.arrive $0xFFFF  }
0x47: {  	s1 =	rddreg [dreg:$0x1c]  }
0x48: {  	[tilespmem:s9], [sflag:$0x16] =	stream.linear.gather [spmem:s1], $0x2800, $0x38;
	[tilespmem:$0x1E080] =	vst v63  }
0x49: {  	_ =	swait.ge [sflag:s18], $0x2800  }
0x4a: {  	[sflag:s18] =	ssyncset.done $0x0  }
0x4b: {  	s21 =	simm.s32 $0x0;
	s20 =	rddreg [dreg:$0x4];
	[sflag:s18] =	ssyncadd.s32 $0xFFFFD800  }
0x4c: {  	[hbm4b:s20+s21] =	stream.linear.scatter [tilespmem:s9], [sflag:$0x15], $0x2800, $0x38;
	[tilespmem:$0x1E080] =	vst v63  }
0x4d: {  	s20 =	simm.s32 $0x15  }
0x4e: {  	_ =	swait.ge [sflag:s20], $0x2800  }
0x4f: {  	[sflag:s20] =	ssyncset.done $0x0  }
0x50: {  	s7 =	rddreg [dreg:$0x1d];
	[sflag:s20] =	ssyncadd.s32 $0xFFFFD800  }
0x51: {  	[tilespmem:s9], [sflag:$0x16] =	stream.linear.gather [spmem:s7], $0x2800, $0x38;
	[tilespmem:$0x1E080] =	vst v63  }
0x52: {  	_ =	swait.ge [sflag:s18], $0x2800  }
0x53: {  	[sflag:s18] =	ssyncset.done $0x0  }
0x54: {  	s22 =	rddreg [dreg:$0x5];
	[sflag:s18] =	ssyncadd.s32 $0xFFFFD800  }
0x55: {  	[hbm4b:s22+s21] =	stream.linear.scatter [tilespmem:s9], [sflag:$0x15], $0x2800, $0x38;
	[tilespmem:$0x1E080] =	vst v63  }
0x56: {  	_ =	swait.ge [sflag:s20], $0x2800  }
0x57: {  	[sflag:s20] =	ssyncset.done $0x0  }
0x58: {  	s22 =	rddreg [dreg:$0x1e];
	[sflag:s20] =	ssyncadd.s32 $0xFFFFD800  }
0x59: {  	[tilespmem:s9], [sflag:$0x16] =	stream.linear.gather [spmem:s22], $0x2800, $0x38;
	[tilespmem:$0x1E080] =	vst v63  }
0x5a: {  	_ =	swait.ge [sflag:s18], $0x2800  }
0x5b: {  	[sflag:s18] =	ssyncset.done $0x0  }
0x5c: {  	s23 =	rddreg [dreg:$0x6];
	[sflag:s18] =	ssyncadd.s32 $0xFFFFD800  }
0x5d: {  	[hbm4b:s23+s21] =	stream.linear.scatter [tilespmem:s9], [sflag:$0x15], $0x2800, $0x38;
	[tilespmem:$0x1E080] =	vst v63  }
0x5e: {  	_ =	swait.ge [sflag:s20], $0x2800  }
0x5f: {  	[sflag:s20] =	ssyncset.done $0x0  }
0x60: {  	s23 =	rddreg [dreg:$0x1f];
	[sflag:s20] =	ssyncadd.s32 $0xFFFFD800  }
0x61: {  	[tilespmem:s9], [sflag:$0x16] =	stream.linear.gather [spmem:s23], $0x2800, $0x38;
	[tilespmem:$0x1E080] =	vst v63  }
0x62: {  	_ =	swait.ge [sflag:s18], $0x2800  }
0x63: {  	[sflag:s18] =	ssyncset.done $0x0  }
0x64: {  	s4 =	rddreg [dreg:$0x7];
	[sflag:s18] =	ssyncadd.s32 $0xFFFFD800  }
0x65: {  	[hbm4b:s4+s21] =	stream.linear.scatter [tilespmem:s9], [sflag:$0x15], $0x2800, $0x38;
	[tilespmem:$0x1E080] =	vst v63  }
0x66: {  	_ =	swait.ge [sflag:s20], $0x2800  }
0x67: {  	s6 =	sld [smem:$0x7FA]  }
0x68: {  	[sflag:s20] =	ssyncset.done $0x0  }
0x69: {  	[sflag:s20] =	ssyncadd.s32 $0xFFFFD800  }
0x6a: {  	[tilespmem:s9], [sflag:$0x16] =	stream.linear.gather [spmem:s6], $0x2800, $0x38;
	[tilespmem:$0x1E080] =	vst v63  }
0x6b: {  	_ =	swait.ge [sflag:s18], $0x2800  }
0x6c: {  	[sflag:s18] =	ssyncset.done $0x0  }
0x6d: {  	s5 =	rddreg [dreg:$0x8];
	[sflag:s18] =	ssyncadd.s32 $0xFFFFD800  }
0x6e: {  	[hbm4b:s5+s21] =	stream.linear.scatter [tilespmem:s9], [sflag:$0x15], $0x2800, $0x38;
	[tilespmem:$0x1E080] =	vst v63  }
0x6f: {  	_ =	swait.ge [sflag:s20], $0x2800  }
0x70: {  	s30 =	sld [smem:$0x7FB]  }
0x71: {  	[sflag:s20] =	ssyncset.done $0x0  }
0x72: {  	[sflag:s20] =	ssyncadd.s32 $0xFFFFD800  }
0x73: {  	[tilespmem:s9], [sflag:$0x16] =	stream.linear.gather [spmem:s30], $0x2800, $0x38;
	[tilespmem:$0x1E080] =	vst v63  }
0x74: {  	_ =	swait.ge [sflag:s18], $0x2800  }
0x75: {  	[sflag:s18] =	ssyncset.done $0x0  }
0x76: {  	s14 =	rddreg [dreg:$0x9];
	[sflag:s18] =	ssyncadd.s32 $0xFFFFD800  }
0x77: {  	[hbm4b:s14+s21] =	stream.linear.scatter [tilespmem:s9], [sflag:$0x15], $0x2800, $0x38;
	[tilespmem:$0x1E080] =	vst v63  }
0x78: {  	_ =	swait.ge [sflag:s20], $0x2800  }
0x79: {  	s14 =	sld [smem:$0x7FC]  }
0x7a: {  	[sflag:s20] =	ssyncset.done $0x0  }
0x7b: {  	[sflag:s20] =	ssyncadd.s32 $0xFFFFD800  }
0x7c: {  	[tilespmem:s9], [sflag:$0x16] =	stream.linear.gather [spmem:s14], $0x2800, $0x38;
	[tilespmem:$0x1E080] =	vst v63  }
0x7d: {  	_ =	swait.ge [sflag:s18], $0x2800  }
0x7e: {  	[sflag:s18] =	ssyncset.done $0x0  }
0x7f: {  	s19 =	rddreg [dreg:$0xa];
	[sflag:s18] =	ssyncadd.s32 $0xFFFFD800  }
0x80: {  	[hbm4b:s19+s21] =	stream.linear.scatter [tilespmem:s9], [sflag:$0x15], $0x2800, $0x38;
	[tilespmem:$0x1E080] =	vst v63  }
0x81: {  	_ =	swait.ge [sflag:s20], $0x2800  }
0x82: {  	s19 =	sld [smem:$0x7FD]  }
0x83: {  	[sflag:s20] =	ssyncset.done $0x0  }
0x84: {  	s1 =	simm.s32 @!p0 $0x800;
	s4 =	simm.s32 @!p0 $0x16;
	[sflag:s20] =	ssyncadd.s32 $0xFFFFD800  }
0x85: {  	[tilespmem:s1], [sflag:$0x16] =	stream.linear.gather @!p0 [spmem:s19], $0x2800, $0x38;
	[tilespmem:$0x1E080] =	vst v63  }
0x86: {  	_ =	swait.ge @!p0 [sflag:s4], $0x2800  }
0x87: {  	[sflag:s4] =	ssyncset.done @!p0 $0x0  }
0x88: {  	s5 =	rddreg [dreg:$0xb];
	[sflag:s4] =	ssyncadd.s32 @!p0 $0xFFFFD800;
	s4 =	simm.s32 @!p0 $0x0  }
0x89: {  	[hbm4b:s5+s4] =	stream.linear.scatter @!p0 [tilespmem:s1], [sflag:$0x15], $0x2800, $0x38;
	[tilespmem:$0x1E080] =	vst v63  }
0x8a: {  	s1 =	simm.s32 @!p0 $0x15  }
0x8b: {  	_ =	swait.ge @!p0 [sflag:s1], $0x2800  }
0x8c: {  	s4 =	sld [smem:$0x7EC];
	_ =	sdelay $0x2  }
0x8d: {  	s5 =	sadd.s32 $0x1, s4;
	s4 =	rddreg [dreg:$0x1b]  }
0x8e: {  	p1 =	sne.s32 s5, s4  }
.Ltmp1:
0x8f: {  	_ = 	snop;
	(pc) =	sbr.rel @!p1 .LBB2_6-.Ltmp1, $3  }
0x90: {  	_ =	sdelay $0x1  }
0x91: {  	[sflag:s1] =	ssyncset.done @!p0 $0x0  }
0x92: {  	[sflag:s1] =	ssyncadd.s32 @!p0 $0xFFFFD800  }
.LBB2_1:
0x93: {  	[smem:$0x7EC] =	sst s5  }
0x94: {  	s1 =	rddreg [dreg:$0x15]  }
0x95: {  	[tilespmem:s21], [sflag:$0x1] =	stream.linear.gather [hbm4b:s1+s21], $0x50, $0x38;
	[tilespmem:$0x1E080] =	vst v63  }
0x96: {  	s5 =	rddreg [dreg:$0x16];
	s4 =	simm.s32 $0x80  }
0x97: {  	[tilespmem:s4], [sflag:$0x2] =	stream.linear.gather [hbm4b:s5+s21], $0x50, $0x38;
	[tilespmem:$0x1E080] =	vst v63  }
0x98: {  	s5 =	rddreg [dreg:$0xd];
	s4 =	simm.s32 $0x100  }
0x99: {  	[tilespmem:s4], [sflag:$0x3] =	stream.linear.gather [hbm4b:s5+s21], $0x50, $0x38;
	[tilespmem:$0x1E080] =	vst v63  }
0x9a: {  	s1 =	rddreg [dreg:$0xe];
	s5 =	simm.s32 $0x180  }
0x9b: {  	[tilespmem:s5], [sflag:$0x4] =	stream.linear.gather [hbm4b:s1+s21], $0x50, $0x38;
	[tilespmem:$0x1E080] =	vst v63  }
0x9c: {  	s1 =	rddreg [dreg:$0xf];
	s5 =	simm.s32 $0x200  }
0x9d: {  	[tilespmem:s5], [sflag:$0x5] =	stream.linear.gather [hbm4b:s1+s21], $0x50, $0x38;
	[tilespmem:$0x1E080] =	vst v63  }
0x9e: {  	s1 =	rddreg [dreg:$0x10];
	s5 =	simm.s32 $0x280  }
0x9f: {  	[tilespmem:s5], [sflag:$0x6] =	stream.linear.gather [hbm4b:s1+s21], $0x50, $0x38;
	[tilespmem:$0x1E080] =	vst v63  }
0xa0: {  	s1 =	rddreg [dreg:$0x11];
	s5 =	simm.s32 $0x300  }
0xa1: {  	[tilespmem:s5], [sflag:$0x7] =	stream.linear.gather [hbm4b:s1+s21], $0x50, $0x38;
	[tilespmem:$0x1E080] =	vst v63  }
0xa2: {  	s1 =	rddreg [dreg:$0x12];
	s5 =	simm.s32 $0x380  }
0xa3: {  	[tilespmem:s5], [sflag:$0x8] =	stream.linear.gather [hbm4b:s1+s21], $0x50, $0x38;
	[tilespmem:$0x1E080] =	vst v63  }
0xa4: {  	s1 =	rddreg [dreg:$0x13];
	s5 =	simm.s32 $0x400  }
0xa5: {  	[tilespmem:s5], [sflag:$0x9] =	stream.linear.gather [hbm4b:s1+s21], $0x50, $0x38;
	[tilespmem:$0x1E080] =	vst v63  }
0xa6: {  	s1 =	rddreg [dreg:$0x14];
	s5 =	simm.s32 $0x480  }
0xa7: {  	[tilespmem:s5], [sflag:$0xA] =	stream.linear.gather [hbm4b:s1+s21], $0x50, $0x38;
	[tilespmem:$0x1E080] =	vst v63  }
0xa8: {  	s1 =	rddreg [dreg:$0x17];
	s5 =	simm.s32 $0x500  }
0xa9: {  	[tilespmem:s5], [sflag:$0xB] =	stream.linear.gather [hbm4b:s1+s21], $0x50, $0x38;
	[tilespmem:$0x1E080] =	vst v63  }
0xaa: {  	s1 =	rddreg [dreg:$0x18];
	s5 =	simm.s32 $0x580  }
0xab: {  	[tilespmem:s5], [sflag:$0xC] =	stream.linear.gather [hbm4b:s1+s21], $0x50, $0x38;
	[tilespmem:$0x1E080] =	vst v63  }
0xac: {  	s1 =	rddreg [dreg:$0x19];
	s5 =	simm.s32 $0x600  }
0xad: {  	[tilespmem:s5], [sflag:$0xD] =	stream.linear.gather [hbm4b:s1+s21], $0x50, $0x38;
	[tilespmem:$0x1E080] =	vst v63  }
0xae: {  	s1 =	rddreg [dreg:$0x1a];
	s5 =	simm.s32 $0x680  }
0xaf: {  	[tilespmem:s5], [sflag:$0xE] =	stream.linear.gather [hbm4b:s1+s21], $0x50, $0x38;
	[tilespmem:$0x1E080] =	vst v63  }
0xb0: {  	s5 =	rddreg [dreg:$0xc]  }
0xb1: {  	[tilespmem:s9], [sflag:$0x15] =	stream.linear.gather [hbm4b:s5+s21], $0x2800, $0x38;
	[tilespmem:$0x1E080] =	vst v63  }
0xb2: {  	_ =	swait.ge [sflag:s20], $0x2800  }
0xb3: {  	[sflag:s20] =	ssyncset.done $0x0  }
0xb4: {  	s5 =	rddreg [dreg:$0x1c];
	[sflag:s20] =	ssyncadd.s32 $0xFFFFD800  }
0xb5: {  	[spmem:s5] =	stream.linear.scatter [tilespmem:s9], [sflag:$0x15], $0x2800, $0x38;
	[tilespmem:$0x1E080] =	vst v63  }
0xb6: {  	_ =	swait.ge [sflag:s20], $0x2800  }
0xb7: {  	[sflag:s20] =	ssyncset.done $0x0  }
0xb8: {  	[sflag:s20] =	ssyncadd.s32 $0xFFFFD800  }
0xb9: {  	[spmem:s7] =	stream.linear.scatter [tilespmem:s9], [sflag:$0x15], $0x2800, $0x38;
	[tilespmem:$0x1E080] =	vst v63  }
0xba: {  	_ =	swait.ge [sflag:s20], $0x2800  }
0xbb: {  	[sflag:s20] =	ssyncset.done $0x0  }
0xbc: {  	[sflag:s20] =	ssyncadd.s32 $0xFFFFD800  }
0xbd: {  	[spmem:s22] =	stream.linear.scatter [tilespmem:s9], [sflag:$0x15], $0x2800, $0x38;
	[tilespmem:$0x1E080] =	vst v63  }
0xbe: {  	_ =	swait.ge [sflag:s20], $0x2800  }
0xbf: {  	[sflag:s20] =	ssyncset.done $0x0  }
0xc0: {  	[sflag:s20] =	ssyncadd.s32 $0xFFFFD800  }
0xc1: {  	[spmem:s23] =	stream.linear.scatter [tilespmem:s9], [sflag:$0x15], $0x2800, $0x38;
	[tilespmem:$0x1E080] =	vst v63  }
0xc2: {  	_ =	swait.ge [sflag:s20], $0x2800  }
0xc3: {  	[sflag:s20] =	ssyncset.done $0x0  }
0xc4: {  	[sflag:s20] =	ssyncadd.s32 $0xFFFFD800  }
0xc5: {  	[spmem:s6] =	stream.linear.scatter [tilespmem:s9], [sflag:$0x15], $0x2800, $0x38;
	[tilespmem:$0x1E080] =	vst v63  }
0xc6: {  	_ =	swait.ge [sflag:s20], $0x2800  }
0xc7: {  	[sflag:s20] =	ssyncset.done $0x0  }
0xc8: {  	[sflag:s20] =	ssyncadd.s32 $0xFFFFD800  }
0xc9: {  	[spmem:s30] =	stream.linear.scatter [tilespmem:s9], [sflag:$0x15], $0x2800, $0x38;
	[tilespmem:$0x1E080] =	vst v63  }
0xca: {  	_ =	swait.ge [sflag:s20], $0x2800  }
0xcb: {  	[sflag:s20] =	ssyncset.done $0x0  }
0xcc: {  	[sflag:s20] =	ssyncadd.s32 $0xFFFFD800  }
0xcd: {  	[spmem:s14] =	stream.linear.scatter [tilespmem:s9], [sflag:$0x15], $0x2800, $0x38;
	[tilespmem:$0x1E080] =	vst v63  }
0xce: {  	_ =	swait.ge [sflag:s20], $0x2800  }
0xcf: {  	[sflag:s20] =	ssyncset.done $0x0  }
0xd0: {  	s1 =	simm.s32 @!p0 $0x800;
	[sflag:s20] =	ssyncadd.s32 $0xFFFFD800  }
0xd1: {  	[spmem:s19] =	stream.linear.scatter @!p0 [tilespmem:s1], [sflag:$0x15], $0x2800, $0x38;
	[tilespmem:$0x1E080] =	vst v63  }
0xd2: {  	s1 =	simm.s32 @!p0 $0x15  }
0xd3: {  	_ =	swait.ge @!p0 [sflag:s1], $0x2800  }
0xd4: {  	[sflag:s1] =	ssyncset.done @!p0 $0x0  }
0xd5: {  	s19 =	simm.s32 $0x1;
	[sflag:s1] =	ssyncadd.s32 @!p0 $0xFFFFD800  }
0xd6: {  	_ =	swait.ge [sflag:s19], $0x50  }
0xd7: {  	[sflag:s19] =	ssyncset.done $0x0  }
0xd8: {  	s20 =	simm.s32 $0x3;
	[sflag:s19] =	ssyncadd.s32 $0xFFFFFFB0  }
0xd9: {  	[tilespmem:s9], [sflag:$0x11] =	stream.indirect.gather [hbm4b:s13+s8], $0x80, s21, s8, $0xb8;
	[tilespmem:$0x1E080] =	vst v63  }
0xda: {  	_ =	swait.ge [sflag:s20], $0x50  }
0xdb: {  	[sflag:s20] =	ssyncset.done $0x0  }
0xdc: {  	s21 =	simm.s32 $0x5;
	[sflag:s20] =	ssyncadd.s32 $0xFFFFFFB0  }
0xdd: {  	[tilespmem:s25], [sflag:$0x12] =	stream.indirect.gather [hbm4b:s13+s8], $0x80, s4, s8, $0xb8;
	[tilespmem:$0x1E080] =	vst v63  }
0xde: {  	_ =	swait.ge [sflag:s21], $0x50  }
.Ltmp2:
0xdf: {  	[sflag:s21] =	ssyncset.done $0x0;
	(pc) =	sbr.rel .LBB2_2-.Ltmp2, $4  }
0xe0: {  	s22 =	simm.s32 $0x5800;
	s23 =	simm.s32 $0x200;
	[sflag:s21] =	ssyncadd.s32 $0xFFFFFFB0  }
0xe1: {  	[tilespmem:s22], [sflag:$0x13] =	stream.indirect.gather [hbm4b:s13+s8], $0x80, s23, s8, $0xb8;
	[tilespmem:$0x1E080] =	vst v63  }
0xe2: {  	s7 =	simm.s32 $0x0;
	[bflag:$0x0] =	sbarrier.arrive $0xFFFF  }
0xe3: {  	s6 =	simm.s32 $0x7;
	s30 =	simm.s32 $0x0;
	s5 =	sld [smem:$0x7F9]  }
.LBB2_4:
0xe4: {  	s4 =	simm.s32 @!p1 $0x14  }
0xe5: {  	_ =	swait.ge @!p1 [sflag:s4], $0x2800  }
0xe6: {  	[sflag:s4] =	ssyncset.done @!p1 $0x0  }
0xe7: {  	[sflag:s4] =	ssyncadd.s32 @!p1 $0xFFFFD800;
	s4 =	simm.s32 @!p1 $0x10  }
0xe8: {  	_ =	swait.ge @!p1 [sflag:s4], $0x50  }
0xe9: {  	[sflag:s4] =	ssyncset.done @!p1 $0x0  }
0xea: {  	[sflag:s4] =	ssyncadd.s32 @!p1 $0xFFFFFFB0  }
0xeb: {  	[spmem:s3] =	stream.indirect.scatter.add.f32 @!p1 [tilespmem:s19], [sflag:$0x15], $0x80, s1, s14, $0xb8;
	[tilespmem:$0x1E080] =	vst v63  }
0xec: {  	s1 =	simm.s32 @!p1 $0x15  }
0xed: {  	_ =	swait.ge @!p1 [sflag:s1], $0x2800  }
0xee: {  	s7 =	sadd.s32 $0x50, s7;
	[sflag:s1] =	ssyncset.done @!p1 $0x0  }
0xef: {  	[sflag:s1] =	ssyncadd.s32 @!p1 $0xFFFFD800;
	p1 =	sne.s32 s7, $0x500  }
.Ltmp3:
0xf0: {  	_ = 	snop;
	(pc) =	sbr.rel @!p1 .LBB2_5-.Ltmp3, $2  }
0xf1: {  	_ =	sdelay $0x2  }
0xf2: {  	s30 =	sadd.s32 $0x1, s30;
	s6 =	sadd.s32 $0x8, s6;
	s5 =	sadd.s32 $0x280, s5  }
.LBB2_2:
0xf3: {  	p1 =	sgt.u32 s6, $0x7C  }
0xf4: {  	s1 =	sadd.s32 @!p1 s7, s28;
	s14 =	simm.s32 @!p1 $0x0;
	s4 =	simm.s32 @!p1 $0x700  }
0xf5: {  	[tilespmem:s4], [sflag:$0xF] =	stream.linear.gather @!p1 [hbm4b:s1+s14], $0x50, $0x38;
	[tilespmem:$0x1E080] =	vst v63  }
0xf6: {  	s19 =	sadd.s32 @!p1 s7, s26;
	s1 =	simm.s32 @!p1 $0x780  }
0xf7: {  	[tilespmem:s1], [sflag:$0x10] =	stream.linear.gather @!p1 [hbm4b:s19+s14], $0x50, $0x38;
	[tilespmem:$0x1E080] =	vst v63  }
0xf8: {  	_ =	swait.ge [sflag:s12], $0x50  }
0xf9: {  	[sflag:s12] =	ssyncset.done $0x0  }
0xfa: {  	s23 =	simm.s32 $0x300;
	[sflag:s12] =	ssyncadd.s32 $0xFFFFFFB0  }
0xfb: {  	[tilespmem:s15], [sflag:$0x14] =	stream.indirect.gather [hbm4b:s13+s8], $0x80, s23, s8, $0xb8;
	[tilespmem:$0x1E080] =	vst v63  }
0xfc: {  	_ =	swait.ge [sflag:s16], $0x2800  }
0xfd: {  	[sflag:s16] =	ssyncset.done $0x0  }
0xfe: {  	[sflag:s16] =	ssyncadd.s32 $0xFFFFD800  }
0xff: {  	_ =	swait.ge [sflag:s17], $0x50  }
0x100: {  	[sflag:s17] =	ssyncset.done $0x0  }
0x101: {  	s19 =	simm.s32 $0x80;
	[sflag:s17] =	ssyncadd.s32 $0xFFFFFFB0  }
0x102: {  	[spmem:s3] =	stream.indirect.scatter.add.f32 [tilespmem:s9], [sflag:$0x16], $0x80, s19, s8, $0xb8;
	[tilespmem:$0x1E080] =	vst v63  }
0x103: {  	p2 =	seq.s32 s7, $0x4B0;
	_ =	swait.ge [sflag:s18], $0x2800  }
0x104: {  	s19 =	sshrl.u32 @!p2 s5, $0x3;
	[sflag:s18] =	ssyncset.done $0x0  }
0x105: {  	s14 =	simm.s32 @!p2 $0x0;
	s20 =	sadd.s32 @!p2 s24, s19;
	[sflag:s18] =	ssyncadd.s32 $0xFFFFD800  }
0x106: {  	[tilespmem:s14], [sflag:$0x1] =	stream.linear.gather @!p2 [hbm4b:s20+s14], $0x50, $0x38;
	[tilespmem:$0x1E080] =	vst v63  }
0x107: {  	s20 =	rddreg [dreg:$0x1]  }
0x108: {  	s19 =	sadd.s32 @!p2 s20, s19;
	s20 =	simm.s32 @!p2 $0x80  }
0x109: {  	[tilespmem:s20], [sflag:$0x2] =	stream.linear.gather @!p2 [hbm4b:s19+s14], $0x50, $0x38;
	[tilespmem:$0x1E080] =	vst v63  }
0x10a: {  	_ =	swait.ge [sflag:s29], $0x50  }
0x10b: {  	[sflag:s29] =	ssyncset.done $0x0  }
0x10c: {  	s20 =	simm.s32 $0x400;
	[sflag:s29] =	ssyncadd.s32 $0xFFFFFFB0  }
0x10d: {  	[tilespmem:s9], [sflag:$0x11] =	stream.indirect.gather [hbm4b:s13+s8], $0x80, s20, s8, $0xb8;
	[tilespmem:$0x1E080] =	vst v63  }
0x10e: {  	_ =	swait.ge [sflag:s31], $0x2800  }
0x10f: {  	[sflag:s31] =	ssyncset.done $0x0  }
0x110: {  	[sflag:s31] =	ssyncadd.s32 $0xFFFFD800  }
0x111: {  	_ =	swait.ge [sflag:s0], $0x50  }
0x112: {  	[sflag:s0] =	ssyncset.done $0x0  }
0x113: {  	s21 =	simm.s32 $0x180;
	[sflag:s0] =	ssyncadd.s32 $0xFFFFFFB0  }
0x114: {  	[spmem:s3] =	stream.indirect.scatter.add.f32 [tilespmem:s25], [sflag:$0x16], $0x80, s21, s8, $0xb8;
	[tilespmem:$0x1E080] =	vst v63  }
0x115: {  	_ =	swait.ge [sflag:s18], $0x2800  }
0x116: {  	[sflag:s18] =	ssyncset.done $0x0  }
0x117: {  	s19 =	simm.s32 @p2 $0x13;
	[sflag:s18] =	ssyncadd.s32 $0xFFFFD800  }
0x118: {  	_ =	swait.ge @p2 [sflag:s19], $0x2800  }
0x119: {  	[sflag:s19] =	ssyncset.done @p2 $0x0  }
0x11a: {  	[sflag:s19] =	ssyncadd.s32 @p2 $0xFFFFD800;
	s19 =	simm.s32 @p2 $0x6  }
0x11b: {  	_ =	swait.ge @p2 [sflag:s19], $0x50  }
0x11c: {  	s20 =	simm.s32 @p2 $0x280;
	[sflag:s19] =	ssyncset.done @p2 $0x0  }
0x11d: {  	s21 =	simm.s32 @p2 $0x5800;
	[sflag:s19] =	ssyncadd.s32 @p2 $0xFFFFFFB0;
	s19 =	simm.s32 @p2 $0x50  }
0x11e: {  	[spmem:s3] =	stream.indirect.scatter.add.f32 @p2 [tilespmem:s21], [sflag:$0x16], $0x80, s20, s19, $0xb8;
	[tilespmem:$0x1E080] =	vst v63  }
0x11f: {  	s19 =	simm.s32 @p2 $0x16  }
0x120: {  	_ =	swait.ge @p2 [sflag:s19], $0x2800  }
0x121: {  	[sflag:s19] =	ssyncset.done @p2 $0x0  }
0x122: {  	[sflag:s19] =	ssyncadd.s32 @p2 $0xFFFFD800;
	s19 =	sld [smem:$0x7F8];
	_ =	sdelay $0x2  }
0x123: {  	s20 =	simm.s32 @!p2 $0x100;
	s19 =	sadd.s32 @!p2 s7, s19  }
0x124: {  	[tilespmem:s20], [sflag:$0x3] =	stream.linear.gather @!p2 [hbm4b:s19+s14], $0x50, $0x38;
	[tilespmem:$0x1E080] =	vst v63  }
0x125: {  	s19 =	sld [smem:$0x7F7];
	_ =	sdelay $0x2  }
0x126: {  	s20 =	simm.s32 @!p2 $0x180;
	s19 =	sadd.s32 @!p2 s7, s19  }
0x127: {  	[tilespmem:s20], [sflag:$0x4] =	stream.linear.gather @!p2 [hbm4b:s19+s14], $0x50, $0x38;
	[tilespmem:$0x1E080] =	vst v63  }
0x128: {  	s19 =	simm.s32 @!p2 $0xB  }
0x129: {  	_ =	swait.ge @!p2 [sflag:s19], $0x50  }
0x12a: {  	s21 =	simm.s32 @!p2 $0x3000;
	[sflag:s19] =	ssyncset.done @!p2 $0x0  }
0x12b: {  	s20 =	simm.s32 @!p2 $0x500;
	[sflag:s19] =	ssyncadd.s32 @!p2 $0xFFFFFFB0;
	s19 =	simm.s32 @!p2 $0x50  }
0x12c: {  	[tilespmem:s21], [sflag:$0x12] =	stream.indirect.gather @!p2 [hbm4b:s13+s19], $0x80, s20, s19, $0xb8;
	[tilespmem:$0x1E080] =	vst v63  }
0x12d: {  	s20 =	simm.s32 @!p2 $0x13  }
0x12e: {  	_ =	swait.ge @!p2 [sflag:s20], $0x2800  }
0x12f: {  	[sflag:s20] =	ssyncset.done @!p2 $0x0  }
0x130: {  	[sflag:s20] =	ssyncadd.s32 @!p2 $0xFFFFD800;
	s20 =	simm.s32 @!p2 $0x6  }
0x131: {  	_ =	swait.ge @!p2 [sflag:s20], $0x50  }
0x132: {  	s22 =	simm.s32 @!p2 $0x16;
	[sflag:s20] =	ssyncset.done @!p2 $0x0  }
0x133: {  	s21 =	simm.s32 @!p2 $0x5800;
	[sflag:s20] =	ssyncadd.s32 @!p2 $0xFFFFFFB0;
	s20 =	simm.s32 @!p2 $0x280  }
0x134: {  	[spmem:s3] =	stream.indirect.scatter.add.f32 @!p2 [tilespmem:s21], [sflag:$0x16], $0x80, s20, s19, $0xb8;
	[tilespmem:$0x1E080] =	vst v63  }
0x135: {  	_ =	swait.ge @!p2 [sflag:s22], $0x2800  }
0x136: {  	[sflag:s22] =	ssyncset.done @!p2 $0x0  }
0x137: {  	[sflag:s22] =	ssyncadd.s32 @!p2 $0xFFFFD800;
	s22 =	sld [smem:$0x7F6];
	_ =	sdelay $0x2  }
0x138: {  	s23 =	simm.s32 @!p2 $0x200;
	s22 =	sadd.s32 @!p2 s7, s22  }
0x139: {  	[tilespmem:s23], [sflag:$0x5] =	stream.linear.gather @!p2 [hbm4b:s22+s14], $0x50, $0x38;
	[tilespmem:$0x1E080] =	vst v63  }
0x13a: {  	s22 =	sld [smem:$0x7F5];
	_ =	sdelay $0x2  }
0x13b: {  	s22 =	sadd.s32 @!p2 s7, s22  }
0x13c: {  	[tilespmem:s20], [sflag:$0x6] =	stream.linear.gather @!p2 [hbm4b:s22+s14], $0x50, $0x38;
	[tilespmem:$0x1E080] =	vst v63  }
0x13d: {  	s20 =	simm.s32 @!p2 $0xD  }
0x13e: {  	_ =	swait.ge @!p2 [sflag:s20], $0x50  }
0x13f: {  	[sflag:s20] =	ssyncset.done @!p2 $0x0  }
0x140: {  	[sflag:s20] =	ssyncadd.s32 @!p2 $0xFFFFFFB0;
	s20 =	simm.s32 @!p2 $0x600  }
0x141: {  	[tilespmem:s21], [sflag:$0x13] =	stream.indirect.gather @!p2 [hbm4b:s13+s19], $0x80, s20, s19, $0xb8;
	[tilespmem:$0x1E080] =	vst v63  }
0x142: {  	_ =	swait.ge [sflag:s2], $0x2800  }
0x143: {  	[sflag:s2] =	ssyncset.done $0x0  }
0x144: {  	[sflag:s2] =	ssyncadd.s32 $0xFFFFD800  }
0x145: {  	_ =	swait.ge [sflag:s11], $0x50  }
0x146: {  	[sflag:s11] =	ssyncset.done $0x0  }
0x147: {  	s22 =	simm.s32 $0x380;
	[sflag:s11] =	ssyncadd.s32 $0xFFFFFFB0  }
0x148: {  	[spmem:s3] =	stream.indirect.scatter.add.f32 [tilespmem:s15], [sflag:$0x16], $0x80, s22, s8, $0xb8;
	[tilespmem:$0x1E080] =	vst v63  }
0x149: {  	_ =	swait.ge [sflag:s18], $0x2800  }
0x14a: {  	s19 =	sld [smem:$0x7F4];
	_ =	sdelay $0x1  }
0x14b: {  	[sflag:s18] =	ssyncset.done $0x0  }
0x14c: {  	s20 =	simm.s32 @!p2 $0x300;
	[sflag:s18] =	ssyncadd.s32 $0xFFFFD800;
	s19 =	sadd.s32 @!p2 s7, s19  }
0x14d: {  	[tilespmem:s20], [sflag:$0x7] =	stream.linear.gather @!p2 [hbm4b:s19+s14], $0x50, $0x38;
	[tilespmem:$0x1E080] =	vst v63  }
0x14e: {  	s19 =	sld [smem:$0x7F3];
	_ =	sdelay $0x2  }
0x14f: {  	s20 =	simm.s32 @!p2 $0x380;
	s19 =	sadd.s32 @!p2 s7, s19  }
0x150: {  	[tilespmem:s20], [sflag:$0x8] =	stream.linear.gather @!p2 [hbm4b:s19+s14], $0x50, $0x38;
	[tilespmem:$0x1E080] =	vst v63  }
0x151: {  	s14 =	simm.s32 @!p1 $0xF  }
0x152: {  	_ =	swait.ge @!p1 [sflag:s14], $0x50  }
0x153: {  	[sflag:s14] =	ssyncset.done @!p1 $0x0  }
0x154: {  	s19 =	simm.s32 @!p1 $0x8000;
	[sflag:s14] =	ssyncadd.s32 @!p1 $0xFFFFFFB0;
	s14 =	simm.s32 @!p1 $0x50  }
0x155: {  	[tilespmem:s19], [sflag:$0x14] =	stream.indirect.gather @!p1 [hbm4b:s13+s14], $0x80, s4, s14, $0xb8;
	[tilespmem:$0x1E080] =	vst v63  }
0x156: {  	_ =	swait.ge [sflag:s16], $0x2800  }
0x157: {  	[sflag:s16] =	ssyncset.done $0x0  }
0x158: {  	[sflag:s16] =	ssyncadd.s32 $0xFFFFD800  }
0x159: {  	_ =	swait.ge [sflag:s10], $0x50  }
0x15a: {  	[sflag:s10] =	ssyncset.done $0x0  }
.Ltmp4:
0x15b: {  	s23 =	simm.s32 $0x480;
	[sflag:s10] =	ssyncadd.s32 $0xFFFFFFB0;
	(pc) =	sbr.rel @p2 .LBB2_4-.Ltmp4, $4  }
0x15c: {  	[spmem:s3] =	stream.indirect.scatter.add.f32 [tilespmem:s9], [sflag:$0x16], $0x80, s23, s8, $0xb8;
	[tilespmem:$0x1E080] =	vst v63  }
0x15d: {  	_ =	swait.ge [sflag:s18], $0x2800  }
0x15e: {  	[sflag:s18] =	ssyncset.done $0x0  }
0x15f: {  	[sflag:s18] =	ssyncadd.s32 $0xFFFFD800  }
0x160: {  	s4 =	sld [smem:$0x7F2];
	_ =	sdelay $0x2  }
0x161: {  	s20 =	simm.s32 $0x0;
	s21 =	simm.s32 $0x400;
	s4 =	sadd.s32 s7, s4  }
0x162: {  	[tilespmem:s21], [sflag:$0x9] =	stream.linear.gather [hbm4b:s4+s20], $0x50, $0x38;
	[tilespmem:$0x1E080] =	vst v63  }
0x163: {  	s21 =	sld [smem:$0x7F1];
	_ =	sdelay $0x2  }
0x164: {  	s22 =	simm.s32 $0x480;
	s23 =	simm.s32 $0x1;
	s4 =	sadd.s32 s7, s21  }
0x165: {  	[tilespmem:s22], [sflag:$0xA] =	stream.linear.gather [hbm4b:s4+s20], $0x50, $0x38;
	[tilespmem:$0x1E080] =	vst v63  }
0x166: {  	_ =	swait.ge [sflag:s23], $0x50  }
0x167: {  	[sflag:s23] =	ssyncset.done $0x0  }
0x168: {  	[sflag:s23] =	ssyncadd.s32 $0xFFFFFFB0  }
0x169: {  	[tilespmem:s9], [sflag:$0x11] =	stream.indirect.gather [hbm4b:s13+s8], $0x80, s20, s8, $0xb8;
	[tilespmem:$0x1E080] =	vst v63  }
0x16a: {  	_ =	swait.ge [sflag:s31], $0x2800  }
0x16b: {  	[sflag:s31] =	ssyncset.done $0x0  }
0x16c: {  	s20 =	simm.s32 $0xC;
	[sflag:s31] =	ssyncadd.s32 $0xFFFFD800  }
0x16d: {  	_ =	swait.ge [sflag:s20], $0x50  }
0x16e: {  	[sflag:s20] =	ssyncset.done $0x0  }
0x16f: {  	s21 =	simm.s32 $0x580;
	[sflag:s20] =	ssyncadd.s32 $0xFFFFFFB0  }
0x170: {  	[spmem:s3] =	stream.indirect.scatter.add.f32 [tilespmem:s25], [sflag:$0x16], $0x80, s21, s8, $0xb8;
	[tilespmem:$0x1E080] =	vst v63  }
0x171: {  	_ =	swait.ge [sflag:s18], $0x2800  }
0x172: {  	s4 =	sld [smem:$0x7F0]  }
0x173: {  	p2 =	sgt.u32 s30, $0xD  }
0x174: {  	s20 =	simm.s32 @!p2 $0x0;
	[sflag:s18] =	ssyncset.done $0x0  }
0x175: {  	s21 =	simm.s32 @!p2 $0x500;
	[sflag:s18] =	ssyncadd.s32 $0xFFFFD800;
	s4 =	sadd.s32 @!p2 s7, s4  }
0x176: {  	[tilespmem:s21], [sflag:$0xB] =	stream.linear.gather @!p2 [hbm4b:s4+s20], $0x50, $0x38;
	[tilespmem:$0x1E080] =	vst v63  }
0x177: {  	s4 =	sld [smem:$0x7EF];
	_ =	sdelay $0x2  }
0x178: {  	s22 =	simm.s32 $0x3;
	s21 =	simm.s32 @!p2 $0x580;
	s4 =	sadd.s32 @!p2 s7, s4  }
0x179: {  	[tilespmem:s21], [sflag:$0xC] =	stream.linear.gather @!p2 [hbm4b:s4+s20], $0x50, $0x38;
	[tilespmem:$0x1E080] =	vst v63  }
0x17a: {  	_ =	swait.ge [sflag:s22], $0x50  }
0x17b: {  	[sflag:s22] =	ssyncset.done $0x0  }
0x17c: {  	s23 =	simm.s32 $0x100;
	s21 =	simm.s32 $0x13;
	[sflag:s22] =	ssyncadd.s32 $0xFFFFFFB0  }
0x17d: {  	[tilespmem:s25], [sflag:$0x12] =	stream.indirect.gather [hbm4b:s13+s8], $0x80, s23, s8, $0xb8;
	[tilespmem:$0x1E080] =	vst v63  }
0x17e: {  	_ =	swait.ge [sflag:s21], $0x2800  }
0x17f: {  	[sflag:s21] =	ssyncset.done $0x0  }
0x180: {  	s22 =	simm.s32 $0xE;
	[sflag:s21] =	ssyncadd.s32 $0xFFFFD800  }
0x181: {  	_ =	swait.ge [sflag:s22], $0x50  }
0x182: {  	[sflag:s22] =	ssyncset.done $0x0  }
0x183: {  	s23 =	simm.s32 $0x680;
	[sflag:s22] =	ssyncadd.s32 $0xFFFFFFB0;
	s22 =	simm.s32 $0x5800  }
0x184: {  	[spmem:s3] =	stream.indirect.scatter.add.f32 [tilespmem:s22], [sflag:$0x16], $0x80, s23, s8, $0xb8;
	[tilespmem:$0x1E080] =	vst v63  }
0x185: {  	_ =	swait.ge [sflag:s18], $0x2800  }
0x186: {  	s4 =	sld [smem:$0x7EE];
	_ =	sdelay $0x1  }
0x187: {  	[sflag:s18] =	ssyncset.done $0x0  }
0x188: {  	s21 =	simm.s32 @!p2 $0x600;
	[sflag:s18] =	ssyncadd.s32 $0xFFFFD800;
	s4 =	sadd.s32 @!p2 s7, s4  }
0x189: {  	[tilespmem:s21], [sflag:$0xD] =	stream.linear.gather @!p2 [hbm4b:s4+s20], $0x50, $0x38;
	[tilespmem:$0x1E080] =	vst v63  }
0x18a: {  	s4 =	sld [smem:$0x7ED];
	_ =	sdelay $0x2  }
0x18b: {  	s21 =	simm.s32 @!p2 $0x680;
	s4 =	sadd.s32 @!p2 s7, s4  }
0x18c: {  	[tilespmem:s21], [sflag:$0xE] =	stream.linear.gather @!p2 [hbm4b:s4+s20], $0x50, $0x38;
	[tilespmem:$0x1E080] =	vst v63  }
.Ltmp5:
0x18d: {  	s21 =	simm.s32 $0x5;
	(pc) =	sbr.rel .LBB2_4-.Ltmp5, $4  }
0x18e: {  	_ =	swait.ge [sflag:s21], $0x50  }
0x18f: {  	[sflag:s21] =	ssyncset.done $0x0  }
0x190: {  	s23 =	simm.s32 $0x200;
	[sflag:s21] =	ssyncadd.s32 $0xFFFFFFB0  }
0x191: {  	[tilespmem:s22], [sflag:$0x13] =	stream.indirect.gather [hbm4b:s13+s8], $0x80, s23, s8, $0xb8;
	[tilespmem:$0x1E080] =	vst v63  }
.LBB2_6:
0x192: {  	_ =	sfence.sel $0x180000  }
0x193: {  	[bflag:$0x0] =	sbarrier.arrive $0xFFFF  }
0x194: {  	_ =	strace $0x9000004A  }
0x195: {  	s0 =	stileid.u32;
	[bflag:$0x2] =	sbarrier.arrive $0xFFFF  }
0x196: {  	p0 =	sne.s32 s0, $0x0;
	s0 =	rddreg [dreg:$0x3]  }
0x197: {  	s0 =	sadd.s32 @!p0 $0x100000, s0  }
0x198: {  	[sflag:s0] =	ssyncadd.tile.s32 @!p0 $0x1;
	_ =	shalt  }
.Lfunc_end2:
_tile_overlayer_lowered:
.L_overlay_start_2:
0x199: {  	(tag) =	ssettag $0x2  }
0x19a: {  	s0 =	rddreg [dreg:$0x0];
	s2 =	stileid.u32  }
0x19b: {  	s1 =	rddreg [dreg:$0x1];
	p0 =	sne.s32 s2, $0x0  }
0x19c: {  	s3 =	rddreg [dreg:$0x2];
	[bflag:$0x3] =	sbarrier.arrive $0xFFFF;
	s2 =	simm.s32 @!p0 $0x1C15  }
0x19d: {  	[timem:s3], [sflag:s2] =	dma.local @!p0 [hbm:s0], s1  }
0x19e: {  	s0 =	simm.s32 @!p0 $0x15  }
0x19f: {  	_ =	swait.ge @!p0 [sflag:s0], s1  }
0x1a0: {  	s1 =	ssub.s32 @!p0 $0x0, s1;
	[sflag:s0] =	ssyncset.done @!p0 $0x0  }
0x1a1: {  	[sflag:s0] =	ssyncadd.s32 @!p0 s1  }
0x1a2: {  	[bflag:$0x3] =	sbarrier.arrive $0xFFFF  }
0x1a3: {  	_ =	shalt  }

</sc_bundles>
